<compile_context>
chip_gen: v7x
topology: tpu7x:2x2x1
jax: 0.10.2.dev20260603
libtpu: 0.0.44.dev20260713+nightly
codegen_flags: <defaults>
</compile_context>

<pallas_src>
import functools

import jax
import jax.numpy as jnp
from jax import lax
from jax.experimental import pallas as pl
from jax.experimental.pallas import tpu as pltpu, tpu_sc as plsc

_L = 16


def _gather_call(tin, idxs_i32, V, D):
    B = idxs_i32.shape[0]
    info = plsc.get_sparse_core_info()
    NC, NS = info.num_cores, info.num_subcores
    NW = NC * NS
    b_per_w = B // NW
    nbt = b_per_w // 128
    ngrp = b_per_w // _L
    mesh = plsc.VectorSubcoreMesh(core_axis_name="c", subcore_axis_name="s")

    @functools.partial(
        pl.kernel,
        mesh=mesh,
        out_type=jax.ShapeDtypeStruct((D // 8, B // 128, 8, 128), jnp.float32),
        scratch_types=[
            pltpu.VMEM((b_per_w,), jnp.int32),
            pltpu.VMEM((8, D, 128), jnp.float32),
            pltpu.VMEM((nbt, D, 128), jnp.float32),
            pltpu.SemaphoreType.DMA,
        ],
        compiler_params=pltpu.CompilerParams(needs_layout_passes=False),
    )
    def body(tin_hbm, idx_hbm, out_hbm, idx_v, slab, obuf, sem):
        wid = lax.axis_index("s") * NC + lax.axis_index("c")
        base = wid * b_per_w
        pltpu.sync_copy(idx_hbm.at[pl.ds(base, b_per_w)], idx_v)

        lane16 = lax.iota(jnp.int32, _L)

        def fetch(v, buf):
            col = pl.multiple_of(
                lax.shift_left(lax.shift_right_logical(v, 7), 7), 128
            )
            pltpu.async_copy(tin_hbm.at[:, pl.ds(col, 128)], slab.at[buf], sem)

        def slab_wait():
            pltpu.make_async_copy(
                tin_hbm.at[:, pl.ds(0, 128)], slab.at[0], sem
            ).wait()

        v0 = idx_v[pl.ds(0, _L)]
        for p in range(4):
            fetch(v0[p], p)

        def group(g, vcur):
            gn = (g + 1) & (ngrp - 1)
            vnext = idx_v[pl.ds(gn * _L, _L)]
            bt = lax.shift_right_logical(g, 3)
            for k in range(_L):
                i = g * _L + k
                vn = vcur[k + 4] if k < _L - 4 else vnext[k + 4 - _L]

                @pl.when(i < b_per_w - 4)
                def _():
                    fetch(vn, (k + 4) % 8)

                slab_wait()
                v = vcur[k]
                lane = lax.broadcast(v & 127, (_L,))
                olane = lax.broadcast((g & 7) * _L + k, (_L,))
                dst = obuf.at[bt]
                for q in range(D // _L):
                    vals = plsc.load_gather(
                        slab.at[k % 8], [lane16 + q * _L, lane]
                    )
                    plsc.store_scatter(dst, [lane16 + q * _L, olane], vals)
            return vnext

        lax.fori_loop(0, ngrp, group, v0)
        for bt in range(nbt):
            pltpu.sync_copy(
                obuf.at[bt].reshape(D // 8, 8, 128),
                out_hbm.at[:, wid * nbt + bt, :, :],
            )

    return body(tin, idxs_i32)


def kernel(features, idxs):
    V, D = features.shape
    B = idxs.shape[0]
    tin = features.T
    res = _gather_call(tin, idxs.astype(jnp.int32), V, D)
    return res.transpose(1, 3, 0, 2).reshape(B, D)

# --- scband reference (transcript-rebuilt; emitter-appended) ---
"""Pipeline reference for scband-distiller-38448547234403 (READ-ONLY COPY).

The authoritative reference and input builder live on the scoring server;
editing this copy changes nothing except your own understanding.
"""

import jax, jax.numpy as jnp
import numpy as np

VOCAB = 1000000
EMBED_DIM = 64
BATCH = 16384

def setup_inputs(seed: int = 0) -> dict:
    key = jax.random.key(seed)
    k1, k2 = jax.random.split(key)
    # The Distiller inserts (idxs=arange(vocab), features) into a DenseHashTable.
    # We model the table directly as the features matrix keyed by row index.
    features = jax.random.normal(k1, (VOCAB, EMBED_DIM), dtype=jnp.float32)
    idxs = jax.random.randint(k2, (BATCH,), 0, VOCAB, dtype=jnp.int64)
    return {"features": features, "idxs": idxs}

def reference(features, idxs):
    # Faithful model of self.table.lookup(tf.cast(idxs, tf.int32)) in train_step:
    # DenseHashTable returns the inserted feature row for present keys and the
    # default_value (zeros) for keys that were never inserted.
    idxs = idxs.astype(jnp.int32)
    vocab = features.shape[0]
    clipped = jnp.clip(idxs, 0, vocab - 1)
    valid = (idxs >= 0) & (idxs < vocab)
    supervision_signal = jnp.where(valid[:, None], jnp.take(features, clipped, axis=0), 0.0)
    return supervision_signal

if __name__ == "__main__":
    import jax
    _d = setup_inputs()
    print(jax.jit(kernel)(*tuple(_d.values())))

</pallas_src>

<mosaic_0001>
#map = affine_map<(d0, d1) -> (0, 0)>
#map1 = affine_map<(d0, d1) -> (0)>
#map2 = affine_map<(d0, d1) -> (0, 0, 0, 0)>
module attributes {stable_mosaic.version = 14 : i64} {
  func.func @body(%arg0: i32, %arg1: i32, %arg2: memref<64x1000000xf32, #tpu.memory_space<hbm>>, %arg3: memref<16384xi32, #tpu.memory_space<hbm>>, %arg4: memref<8x128x8x128xf32, #tpu.memory_space<hbm>>, %arg5: memref<512xi32, #tpu.memory_space<vmem>>, %arg6: memref<8x64x128xf32, #tpu.memory_space<vmem>>, %arg7: memref<4x64x128xf32, #tpu.memory_space<vmem>>, %arg8: memref<!tpu.dma_semaphore, #tpu.memory_space<semaphore_mem>>) attributes {dimension_semantics = [#tpu.dimension_semantics<core_parallel>, #tpu.dimension_semantics<subcore_parallel>], iteration_bounds = array<i64: 2, 16>, scalar_prefetch = 0 : i64, scratch_operands = 4 : i64, tpu.core_type = #tpu.core_type<sc_vector_subcore>, window_params = [{transform_indices = #map}, {transform_indices = #map1}, {transform_indices = #map2}]} {
    %mul3A = arith.constant 2 : i32
    %mul3A_0 = arith.muli %arg1, %mul3A : i32
    %add3A = arith.addi %mul3A_0, %arg0 : i32
    %mul3A_1 = arith.constant 512 : i32
    %mul3A_2 = arith.muli %add3A, %mul3A_1 : i32
    "tpu.region"() ({
      %run_scoped3A_102 = tpu.sem_alloc : memref<!tpu.dma_semaphore, #tpu.memory_space<semaphore_mem>>
      %dma_start3A_103 = tpu.memref_slice %arg3[%mul3A_2] : memref<16384xi32, #tpu.memory_space<hbm>> -> memref<512xi32, #tpu.memory_space<hbm>>
      %dma_start3A_104 = tpu.memref_slice %arg3[%mul3A_2] : memref<16384xi32, #tpu.memory_space<hbm>> -> memref<512xi32, #tpu.memory_space<hbm>>
      tpu.enqueue_dma source(%dma_start3A_104 : memref<512xi32, #tpu.memory_space<hbm>>) target(%arg5 : memref<512xi32, #tpu.memory_space<vmem>>) target_semaphore(%run_scoped3A_102 : memref<!tpu.dma_semaphore, #tpu.memory_space<semaphore_mem>>)
      %dma_wait3A = tpu.memref_slice %arg3[%mul3A_2] : memref<16384xi32, #tpu.memory_space<hbm>> -> memref<512xi32, #tpu.memory_space<hbm>>
      %dma_wait3A_105 = tpu.memref_slice %arg3[%mul3A_2] : memref<16384xi32, #tpu.memory_space<hbm>> -> memref<512xi32, #tpu.memory_space<hbm>>
      tpu.wait_dma2 semaphore(%run_scoped3A_102 : memref<!tpu.dma_semaphore, #tpu.memory_space<semaphore_mem>>) src(%dma_wait3A_105 : memref<512xi32, #tpu.memory_space<hbm>>) dst(%arg5 : memref<512xi32, #tpu.memory_space<vmem>>)
      tpu.yield
    }) : () -> ()
    %iota3A = tpu.iota {dimensions = array<i32: 0>} : vector<16xi32>
    %get3A = arith.constant 0 : index
    %get3A_3 = tpu.vector_load %arg5[%get3A] {strides = array<i32>} : memref<512xi32, #tpu.memory_space<vmem>>, vector<16xi32>,
    %slice3A = vector.extract_strided_slice %get3A_3 {offsets = [0], sizes = [1], strides = [1]} : vector<16xi32> to vector<1xi32>
    %squeeze3A = vector.extract %slice3A[0] : i32 from vector<1xi32>
    %shift_right_logical3A = arith.constant 7 : i32
    %shift_right_logical3A_4 = arith.shrui %squeeze3A, %shift_right_logical3A : i32
    %shift_left3A = arith.constant 7 : i32
    %shift_left3A_5 = arith.shli %shift_right_logical3A_4, %shift_left3A : i32
    %multiple_of3A = tpu.assume_multiple %shift_left3A_5, 128 : i32
    %dma_start3A = arith.constant 0 : i32
    %dma_start3A_6 = arith.constant 0 : i32
    %dma_start3A_7 = arith.constant 0 : i32
    %dma_start3A_8 = tpu.memref_slice %arg6[%dma_start3A, %dma_start3A_6, %dma_start3A_7] : memref<8x64x128xf32, #tpu.memory_space<vmem>> -> memref<1x64x128xf32, #tpu.memory_space<vmem>>
    %dma_start3A_9 = tpu.memref_squeeze %dma_start3A_8 : memref<1x64x128xf32, #tpu.memory_space<vmem>> -> memref<64x128xf32, #tpu.memory_space<vmem>>
    %dma_start3A_10 = arith.constant 0 : i32
    %dma_start3A_11 = tpu.memref_slice %arg2[%dma_start3A_10, %multiple_of3A] : memref<64x1000000xf32, #tpu.memory_space<hbm>> -> memref<64x128xf32, #tpu.memory_space<hbm>>
    %dma_start3A_12 = arith.constant 0 : i32
    %dma_start3A_13 = arith.constant 0 : i32
    %dma_start3A_14 = tpu.memref_slice %arg6[%dma_start3A, %dma_start3A_12, %dma_start3A_13] : memref<8x64x128xf32, #tpu.memory_space<vmem>> -> memref<1x64x128xf32, #tpu.memory_space<vmem>>
    %dma_start3A_15 = tpu.memref_squeeze %dma_start3A_14 : memref<1x64x128xf32, #tpu.memory_space<vmem>> -> memref<64x128xf32, #tpu.memory_space<vmem>>
    %dma_start3A_16 = arith.constant 0 : i32
    %dma_start3A_17 = tpu.memref_slice %arg2[%dma_start3A_16, %multiple_of3A] : memref<64x1000000xf32, #tpu.memory_space<hbm>> -> memref<64x128xf32, #tpu.memory_space<hbm>>
    tpu.enqueue_dma source(%dma_start3A_17 : memref<64x128xf32, #tpu.memory_space<hbm>>) target(%dma_start3A_15 : memref<64x128xf32, #tpu.memory_space<vmem>>) target_semaphore(%arg8 : memref<!tpu.dma_semaphore, #tpu.memory_space<semaphore_mem>>)
    %slice3A_18 = vector.extract_strided_slice %get3A_3 {offsets = [1], sizes = [1], strides = [1]} : vector<16xi32> to vector<1xi32>
    %squeeze3A_19 = vector.extract %slice3A_18[0] : i32 from vector<1xi32>
    %shift_right_logical3A_20 = arith.constant 7 : i32
    %shift_right_logical3A_21 = arith.shrui %squeeze3A_19, %shift_right_logical3A_20 : i32
    %shift_left3A_22 = arith.constant 7 : i32
    %shift_left3A_23 = arith.shli %shift_right_logical3A_21, %shift_left3A_22 : i32
    %multiple_of3A_24 = tpu.assume_multiple %shift_left3A_23, 128 : i32
    %dma_start3A_25 = arith.constant 1 : i32
    %dma_start3A_26 = arith.constant 0 : i32
    %dma_start3A_27 = arith.constant 0 : i32
    %dma_start3A_28 = tpu.memref_slice %arg6[%dma_start3A_25, %dma_start3A_26, %dma_start3A_27] : memref<8x64x128xf32, #tpu.memory_space<vmem>> -> memref<1x64x128xf32, #tpu.memory_space<vmem>>
    %dma_start3A_29 = tpu.memref_squeeze %dma_start3A_28 : memref<1x64x128xf32, #tpu.memory_space<vmem>> -> memref<64x128xf32, #tpu.memory_space<vmem>>
    %dma_start3A_30 = arith.constant 0 : i32
    %dma_start3A_31 = tpu.memref_slice %arg2[%dma_start3A_30, %multiple_of3A_24] : memref<64x1000000xf32, #tpu.memory_space<hbm>> -> memref<64x128xf32, #tpu.memory_space<hbm>>
    %dma_start3A_32 = arith.constant 0 : i32
    %dma_start3A_33 = arith.constant 0 : i32
    %dma_start3A_34 = tpu.memref_slice %arg6[%dma_start3A_25, %dma_start3A_32, %dma_start3A_33] : memref<8x64x128xf32, #tpu.memory_space<vmem>> -> memref<1x64x128xf32, #tpu.memory_space<vmem>>
    %dma_start3A_35 = tpu.memref_squeeze %dma_start3A_34 : memref<1x64x128xf32, #tpu.memory_space<vmem>> -> memref<64x128xf32, #tpu.memory_space<vmem>>
    %dma_start3A_36 = arith.constant 0 : i32
    %dma_start3A_37 = tpu.memref_slice %arg2[%dma_start3A_36, %multiple_of3A_24] : memref<64x1000000xf32, #tpu.memory_space<hbm>> -> memref<64x128xf32, #tpu.memory_space<hbm>>
    tpu.enqueue_dma source(%dma_start3A_37 : memref<64x128xf32, #tpu.memory_space<hbm>>) target(%dma_start3A_35 : memref<64x128xf32, #tpu.memory_space<vmem>>) target_semaphore(%arg8 : memref<!tpu.dma_semaphore, #tpu.memory_space<semaphore_mem>>)
    %slice3A_38 = vector.extract_strided_slice %get3A_3 {offsets = [2], sizes = [1], strides = [1]} : vector<16xi32> to vector<1xi32>
    %squeeze3A_39 = vector.extract %slice3A_38[0] : i32 from vector<1xi32>
    %shift_right_logical3A_40 = arith.constant 7 : i32
    %shift_right_logical3A_41 = arith.shrui %squeeze3A_39, %shift_right_logical3A_40 : i32
    %shift_left3A_42 = arith.constant 7 : i32
    %shift_left3A_43 = arith.shli %shift_right_logical3A_41, %shift_left3A_42 : i32
    %multiple_of3A_44 = tpu.assume_multiple %shift_left3A_43, 128 : i32
    %dma_start3A_45 = arith.constant 2 : i32
    %dma_start3A_46 = arith.constant 0 : i32
    %dma_start3A_47 = arith.constant 0 : i32
    %dma_start3A_48 = tpu.memref_slice %arg6[%dma_start3A_45, %dma_start3A_46, %dma_start3A_47] : memref<8x64x128xf32, #tpu.memory_space<vmem>> -> memref<1x64x128xf32, #tpu.memory_space<vmem>>
    %dma_start3A_49 = tpu.memref_squeeze %dma_start3A_48 : memref<1x64x128xf32, #tpu.memory_space<vmem>> -> memref<64x128xf32, #tpu.memory_space<vmem>>
    %dma_start3A_50 = arith.constant 0 : i32
    %dma_start3A_51 = tpu.memref_slice %arg2[%dma_start3A_50, %multiple_of3A_44] : memref<64x1000000xf32, #tpu.memory_space<hbm>> -> memref<64x128xf32, #tpu.memory_space<hbm>>
    %dma_start3A_52 = arith.constant 0 : i32
    %dma_start3A_53 = arith.constant 0 : i32
    %dma_start3A_54 = tpu.memref_slice %arg6[%dma_start3A_45, %dma_start3A_52, %dma_start3A_53] : memref<8x64x128xf32, #tpu.memory_space<vmem>> -> memref<1x64x128xf32, #tpu.memory_space<vmem>>
    %dma_start3A_55 = tpu.memref_squeeze %dma_start3A_54 : memref<1x64x128xf32, #tpu.memory_space<vmem>> -> memref<64x128xf32, #tpu.memory_space<vmem>>
    %dma_start3A_56 = arith.constant 0 : i32
    %dma_start3A_57 = tpu.memref_slice %arg2[%dma_start3A_56, %multiple_of3A_44] : memref<64x1000000xf32, #tpu.memory_space<hbm>> -> memref<64x128xf32, #tpu.memory_space<hbm>>
    tpu.enqueue_dma source(%dma_start3A_57 : memref<64x128xf32, #tpu.memory_space<hbm>>) target(%dma_start3A_55 : memref<64x128xf32, #tpu.memory_space<vmem>>) target_semaphore(%arg8 : memref<!tpu.dma_semaphore, #tpu.memory_space<semaphore_mem>>)
    %slice3A_58 = vector.extract_strided_slice %get3A_3 {offsets = [3], sizes = [1], strides = [1]} : vector<16xi32> to vector<1xi32>
    %squeeze3A_59 = vector.extract %slice3A_58[0] : i32 from vector<1xi32>
    %shift_right_logical3A_60 = arith.constant 7 : i32
    %shift_right_logical3A_61 = arith.shrui %squeeze3A_59, %shift_right_logical3A_60 : i32
    %shift_left3A_62 = arith.constant 7 : i32
    %shift_left3A_63 = arith.shli %shift_right_logical3A_61, %shift_left3A_62 : i32
    %multiple_of3A_64 = tpu.assume_multiple %shift_left3A_63, 128 : i32
    %dma_start3A_65 = arith.constant 3 : i32
    %dma_start3A_66 = arith.constant 0 : i32
    %dma_start3A_67 = arith.constant 0 : i32
    %dma_start3A_68 = tpu.memref_slice %arg6[%dma_start3A_65, %dma_start3A_66, %dma_start3A_67] : memref<8x64x128xf32, #tpu.memory_space<vmem>> -> memref<1x64x128xf32, #tpu.memory_space<vmem>>
    %dma_start3A_69 = tpu.memref_squeeze %dma_start3A_68 : memref<1x64x128xf32, #tpu.memory_space<vmem>> -> memref<64x128xf32, #tpu.memory_space<vmem>>
    %dma_start3A_70 = arith.constant 0 : i32
    %dma_start3A_71 = tpu.memref_slice %arg2[%dma_start3A_70, %multiple_of3A_64] : memref<64x1000000xf32, #tpu.memory_space<hbm>> -> memref<64x128xf32, #tpu.memory_space<hbm>>
    %dma_start3A_72 = arith.constant 0 : i32
    %dma_start3A_73 = arith.constant 0 : i32
    %dma_start3A_74 = tpu.memref_slice %arg6[%dma_start3A_65, %dma_start3A_72, %dma_start3A_73] : memref<8x64x128xf32, #tpu.memory_space<vmem>> -> memref<1x64x128xf32, #tpu.memory_space<vmem>>
    %dma_start3A_75 = tpu.memref_squeeze %dma_start3A_74 : memref<1x64x128xf32, #tpu.memory_space<vmem>> -> memref<64x128xf32, #tpu.memory_space<vmem>>
    %dma_start3A_76 = arith.constant 0 : i32
    %dma_start3A_77 = tpu.memref_slice %arg2[%dma_start3A_76, %multiple_of3A_64] : memref<64x1000000xf32, #tpu.memory_space<hbm>> -> memref<64x128xf32, #tpu.memory_space<hbm>>
    tpu.enqueue_dma source(%dma_start3A_77 : memref<64x128xf32, #tpu.memory_space<hbm>>) target(%dma_start3A_75 : memref<64x128xf32, #tpu.memory_space<vmem>>) target_semaphore(%arg8 : memref<!tpu.dma_semaphore, #tpu.memory_space<semaphore_mem>>)
    %scan3A = arith.constant 0 : i32
    %scan3A_78 = arith.constant 32 : i32
    %scan3A_79 = arith.addi %scan3A, %scan3A_78 : i32
    %scan3A_80 = arith.constant 1 : i32
    %scan3A_81 = scf.for %scan3A_102 = %scan3A to %scan3A_79 step %scan3A_80 iter_args(%scan3A_103 = %get3A_3) -> (vector<16xi32>)  : i32 {
      %add3A_104 = arith.constant 1 : i32
      %add3A_105 = arith.addi %scan3A_102, %add3A_104 : i32
      %and3A = arith.constant 31 : i32
      %and3A_106 = arith.andi %add3A_105, %and3A : i32
      %mul3A_107 = arith.constant 16 : i32
      %mul3A_108 = arith.muli %and3A_106, %mul3A_107 : i32
      %get3A_109 = arith.index_cast %mul3A_108 : i32 to index
      %get3A_110 = tpu.vector_load %arg5[%get3A_109] {strides = array<i32>} : memref<512xi32, #tpu.memory_space<vmem>>, vector<16xi32>,
      %shift_right_logical3A_111 = arith.constant 3 : i32
      %shift_right_logical3A_112 = arith.shrui %scan3A_102, %shift_right_logical3A_111 : i32
      %mul3A_113 = arith.constant 16 : i32
      %mul3A_114 = arith.muli %scan3A_102, %mul3A_113 : i32
      %add3A_115 = arith.constant 0 : i32
      %add3A_116 = arith.addi %mul3A_114, %add3A_115 : i32
      %slice3A_117 = vector.extract_strided_slice %scan3A_103 {offsets = [4], sizes = [1], strides = [1]} : vector<16xi32> to vector<1xi32>
      %squeeze3A_118 = vector.extract %slice3A_117[0] : i32 from vector<1xi32>
      %lt3A = arith.constant 508 : i32
      %lt3A_119 = arith.cmpi slt, %add3A_116, %lt3A : i32
      %convert_element_type3A = arith.extui %lt3A_119 : i1 to i32
      %cond3A = arith.constant 0 : i32
      %cond3A_120 = arith.cmpi ne, %convert_element_type3A, %cond3A : i32
      scf.if %cond3A_120 {
        %shift_right_logical3A_1738 = arith.constant 7 : i32
        %shift_right_logical3A_1739 = arith.shrui %squeeze3A_118, %shift_right_logical3A_1738 : i32
        %shift_left3A_1740 = arith.constant 7 : i32
        %shift_left3A_1741 = arith.shli %shift_right_logical3A_1739, %shift_left3A_1740 : i32
        %multiple_of3A_1742 = tpu.assume_multiple %shift_left3A_1741, 128 : i32
        %dma_start3A_1743 = arith.constant 4 : i32
        %dma_start3A_1744 = arith.constant 0 : i32
        %dma_start3A_1745 = arith.constant 0 : i32
        %dma_start3A_1746 = tpu.memref_slice %arg6[%dma_start3A_1743, %dma_start3A_1744, %dma_start3A_1745] : memref<8x64x128xf32, #tpu.memory_space<vmem>> -> memref<1x64x128xf32, #tpu.memory_space<vmem>>
        %dma_start3A_1747 = tpu.memref_squeeze %dma_start3A_1746 : memref<1x64x128xf32, #tpu.memory_space<vmem>> -> memref<64x128xf32, #tpu.memory_space<vmem>>
        %dma_start3A_1748 = arith.constant 0 : i32
        %dma_start3A_1749 = tpu.memref_slice %arg2[%dma_start3A_1748, %multiple_of3A_1742] : memref<64x1000000xf32, #tpu.memory_space<hbm>> -> memref<64x128xf32, #tpu.memory_space<hbm>>
        %dma_start3A_1750 = arith.constant 0 : i32
        %dma_start3A_1751 = arith.constant 0 : i32
        %dma_start3A_1752 = tpu.memref_slice %arg6[%dma_start3A_1743, %dma_start3A_1750, %dma_start3A_1751] : memref<8x64x128xf32, #tpu.memory_space<vmem>> -> memref<1x64x128xf32, #tpu.memory_space<vmem>>
        %dma_start3A_1753 = tpu.memref_squeeze %dma_start3A_1752 : memref<1x64x128xf32, #tpu.memory_space<vmem>> -> memref<64x128xf32, #tpu.memory_space<vmem>>
        %dma_start3A_1754 = arith.constant 0 : i32
        %dma_start3A_1755 = tpu.memref_slice %arg2[%dma_start3A_1754, %multiple_of3A_1742] : memref<64x1000000xf32, #tpu.memory_space<hbm>> -> memref<64x128xf32, #tpu.memory_space<hbm>>
        tpu.enqueue_dma source(%dma_start3A_1755 : memref<64x128xf32, #tpu.memory_space<hbm>>) target(%dma_start3A_1753 : memref<64x128xf32, #tpu.memory_space<vmem>>) target_semaphore(%arg8 : memref<!tpu.dma_semaphore, #tpu.memory_space<semaphore_mem>>)
      } else {
      }
      %dma_wait3A = arith.constant 0 : i32
      %dma_wait3A_121 = arith.constant 0 : i32
      %dma_wait3A_122 = arith.constant 0 : i32
      %dma_wait3A_123 = tpu.memref_slice %arg6[%dma_wait3A, %dma_wait3A_121, %dma_wait3A_122] : memref<8x64x128xf32, #tpu.memory_space<vmem>> -> memref<1x64x128xf32, #tpu.memory_space<vmem>>
      %dma_wait3A_124 = tpu.memref_squeeze %dma_wait3A_123 : memref<1x64x128xf32, #tpu.memory_space<vmem>> -> memref<64x128xf32, #tpu.memory_space<vmem>>
      %dma_wait3A_125 = arith.constant 0 : i32
      %dma_wait3A_126 = arith.constant 0 : i32
      %dma_wait3A_127 = tpu.memref_slice %arg2[%dma_wait3A_125, %dma_wait3A_126] : memref<64x1000000xf32, #tpu.memory_space<hbm>> -> memref<64x128xf32, #tpu.memory_space<hbm>>
      %dma_wait3A_128 = arith.constant 0 : i32
      %dma_wait3A_129 = arith.constant 0 : i32
      %dma_wait3A_130 = tpu.memref_slice %arg6[%dma_wait3A, %dma_wait3A_128, %dma_wait3A_129] : memref<8x64x128xf32, #tpu.memory_space<vmem>> -> memref<1x64x128xf32, #tpu.memory_space<vmem>>
      %dma_wait3A_131 = tpu.memref_squeeze %dma_wait3A_130 : memref<1x64x128xf32, #tpu.memory_space<vmem>> -> memref<64x128xf32, #tpu.memory_space<vmem>>
      %dma_wait3A_132 = arith.constant 0 : i32
      %dma_wait3A_133 = arith.constant 0 : i32
      %dma_wait3A_134 = tpu.memref_slice %arg2[%dma_wait3A_132, %dma_wait3A_133] : memref<64x1000000xf32, #tpu.memory_space<hbm>> -> memref<64x128xf32, #tpu.memory_space<hbm>>
      tpu.wait_dma2 semaphore(%arg8 : memref<!tpu.dma_semaphore, #tpu.memory_space<semaphore_mem>>) src(%dma_wait3A_134 : memref<64x128xf32, #tpu.memory_space<hbm>>) dst(%dma_wait3A_131 : memref<64x128xf32, #tpu.memory_space<vmem>>)
      %slice3A_135 = vector.extract_strided_slice %scan3A_103 {offsets = [0], sizes = [1], strides = [1]} : vector<16xi32> to vector<1xi32>
      %squeeze3A_136 = vector.extract %slice3A_135[0] : i32 from vector<1xi32>
      %and3A_137 = arith.constant 127 : i32
      %and3A_138 = arith.andi %squeeze3A_136, %and3A_137 : i32
      %broadcast_in_dim3A = vector.broadcast %and3A_138 : i32 to vector<16xi32>
      %and3A_139 = arith.constant 7 : i32
      %and3A_140 = arith.andi %scan3A_102, %and3A_139 : i32
      %mul3A_141 = arith.constant 16 : i32
      %mul3A_142 = arith.muli %and3A_140, %mul3A_141 : i32
      %add3A_143 = arith.constant 0 : i32
      %add3A_144 = arith.addi %mul3A_142, %add3A_143 : i32
      %broadcast_in_dim3A_145 = vector.broadcast %add3A_144 : i32 to vector<16xi32>
      %add3A_146 = arith.constant 0 : i32
      %add3A_147 = vector.broadcast %add3A_146 : i32 to vector<16xi32>
      %add3A_148 = arith.addi %iota3A, %add3A_147 : vector<16xi32>
      %gather3A = arith.constant 0 : i32
      %gather3A_149 = arith.constant 0 : i32
      %gather3A_150 = arith.constant 0 : i32
      %gather3A_151 = tpu.memref_slice %arg6[%gather3A, %gather3A_149, %gather3A_150] : memref<8x64x128xf32, #tpu.memory_space<vmem>> -> memref<1x64x128xf32, #tpu.memory_space<vmem>>
      %gather3A_152 = tpu.memref_squeeze %gather3A_151 : memref<1x64x128xf32, #tpu.memory_space<vmem>> -> memref<64x128xf32, #tpu.memory_space<vmem>>
      %gather3A_153 = tpu.vector_load_idx %gather3A_152[%add3A_148, %broadcast_in_dim3A] : memref<64x128xf32, #tpu.memory_space<vmem>>[vector<16xi32>, vector<16xi32>], vector<16xf32>,
      %add3A_154 = arith.constant 0 : i32
      %add3A_155 = vector.broadcast %add3A_154 : i32 to vector<16xi32>
      %add3A_156 = arith.addi %iota3A, %add3A_155 : vector<16xi32>
      %scatter3A = arith.constant 0 : i32
      %scatter3A_157 = arith.constant 0 : i32
      %scatter3A_158 = tpu.memref_slice %arg7[%shift_right_logical3A_112, %scatter3A, %scatter3A_157] : memref<4x64x128xf32, #tpu.memory_space<vmem>> -> memref<1x64x128xf32, #tpu.memory_space<vmem>>
      %scatter3A_159 = tpu.memref_squeeze %scatter3A_158 : memref<1x64x128xf32, #tpu.memory_space<vmem>> -> memref<64x128xf32, #tpu.memory_space<vmem>>
      tpu.vector_store_idx %scatter3A_159[%add3A_156, %broadcast_in_dim3A_145], %gather3A_153 : memref<64x128xf32, #tpu.memory_space<vmem>>[vector<16xi32>, vector<16xi32>], vector<16xf32>,
      %add3A_160 = arith.constant 16 : i32
      %add3A_161 = vector.broadcast %add3A_160 : i32 to vector<16xi32>
      %add3A_162 = arith.addi %iota3A, %add3A_161 : vector<16xi32>
      %gather3A_163 = arith.constant 0 : i32
      %gather3A_164 = arith.constant 0 : i32
      %gather3A_165 = arith.constant 0 : i32
      %gather3A_166 = tpu.memref_slice %arg6[%gather3A_163, %gather3A_164, %gather3A_165] : memref<8x64x128xf32, #tpu.memory_space<vmem>> -> memref<1x64x128xf32, #tpu.memory_space<vmem>>
      %gather3A_167 = tpu.memref_squeeze %gather3A_166 : memref<1x64x128xf32, #tpu.memory_space<vmem>> -> memref<64x128xf32, #tpu.memory_space<vmem>>
      %gather3A_168 = tpu.vector_load_idx %gather3A_167[%add3A_162, %broadcast_in_dim3A] : memref<64x128xf32, #tpu.memory_space<vmem>>[vector<16xi32>, vector<16xi32>], vector<16xf32>,
      %add3A_169 = arith.constant 16 : i32
      %add3A_170 = vector.broadcast %add3A_169 : i32 to vector<16xi32>
      %add3A_171 = arith.addi %iota3A, %add3A_170 : vector<16xi32>
      %scatter3A_172 = arith.constant 0 : i32
      %scatter3A_173 = arith.constant 0 : i32
      %scatter3A_174 = tpu.memref_slice %arg7[%shift_right_logical3A_112, %scatter3A_172, %scatter3A_173] : memref<4x64x128xf32, #tpu.memory_space<vmem>> -> memref<1x64x128xf32, #tpu.memory_space<vmem>>
      %scatter3A_175 = tpu.memref_squeeze %scatter3A_174 : memref<1x64x128xf32, #tpu.memory_space<vmem>> -> memref<64x128xf32, #tpu.memory_space<vmem>>
      tpu.vector_store_idx %scatter3A_175[%add3A_171, %broadcast_in_dim3A_145], %gather3A_168 : memref<64x128xf32, #tpu.memory_space<vmem>>[vector<16xi32>, vector<16xi32>], vector<16xf32>,
      %add3A_176 = arith.constant 32 : i32
      %add3A_177 = vector.broadcast %add3A_176 : i32 to vector<16xi32>
      %add3A_178 = arith.addi %iota3A, %add3A_177 : vector<16xi32>
      %gather3A_179 = arith.constant 0 : i32
      %gather3A_180 = arith.constant 0 : i32
      %gather3A_181 = arith.constant 0 : i32
      %gather3A_182 = tpu.memref_slice %arg6[%gather3A_179, %gather3A_180, %gather3A_181] : memref<8x64x128xf32, #tpu.memory_space<vmem>> -> memref<1x64x128xf32, #tpu.memory_space<vmem>>
      %gather3A_183 = tpu.memref_squeeze %gather3A_182 : memref<1x64x128xf32, #tpu.memory_space<vmem>> -> memref<64x128xf32, #tpu.memory_space<vmem>>
      %gather3A_184 = tpu.vector_load_idx %gather3A_183[%add3A_178, %broadcast_in_dim3A] : memref<64x128xf32, #tpu.memory_space<vmem>>[vector<16xi32>, vector<16xi32>], vector<16xf32>,
      %add3A_185 = arith.constant 32 : i32
      %add3A_186 = vector.broadcast %add3A_185 : i32 to vector<16xi32>
      %add3A_187 = arith.addi %iota3A, %add3A_186 : vector<16xi32>
      %scatter3A_188 = arith.constant 0 : i32
      %scatter3A_189 = arith.constant 0 : i32
      %scatter3A_190 = tpu.memref_slice %arg7[%shift_right_logical3A_112, %scatter3A_188, %scatter3A_189] : memref<4x64x128xf32, #tpu.memory_space<vmem>> -> memref<1x64x128xf32, #tpu.memory_space<vmem>>
      %scatter3A_191 = tpu.memref_squeeze %scatter3A_190 : memref<1x64x128xf32, #tpu.memory_space<vmem>> -> memref<64x128xf32, #tpu.memory_space<vmem>>
      tpu.vector_store_idx %scatter3A_191[%add3A_187, %broadcast_in_dim3A_145], %gather3A_184 : memref<64x128xf32, #tpu.memory_space<vmem>>[vector<16xi32>, vector<16xi32>], vector<16xf32>,
      %add3A_192 = arith.constant 48 : i32
      %add3A_193 = vector.broadcast %add3A_192 : i32 to vector<16xi32>
      %add3A_194 = arith.addi %iota3A, %add3A_193 : vector<16xi32>
      %gather3A_195 = arith.constant 0 : i32
      %gather3A_196 = arith.constant 0 : i32
      %gather3A_197 = arith.constant 0 : i32
      %gather3A_198 = tpu.memref_slice %arg6[%gather3A_195, %gather3A_196, %gather3A_197] : memref<8x64x128xf32, #tpu.memory_space<vmem>> -> memref<1x64x128xf32, #tpu.memory_space<vmem>>
      %gather3A_199 = tpu.memref_squeeze %gather3A_198 : memref<1x64x128xf32, #tpu.memory_space<vmem>> -> memref<64x128xf32, #tpu.memory_space<vmem>>
      %gather3A_200 = tpu.vector_load_idx %gather3A_199[%add3A_194, %broadcast_in_dim3A] : memref<64x128xf32, #tpu.memory_space<vmem>>[vector<16xi32>, vector<16xi32>], vector<16xf32>,
      %add3A_201 = arith.constant 48 : i32
      %add3A_202 = vector.broadcast %add3A_201 : i32 to vector<16xi32>
      %add3A_203 = arith.addi %iota3A, %add3A_202 : vector<16xi32>
      %scatter3A_204 = arith.constant 0 : i32
      %scatter3A_205 = arith.constant 0 : i32
      %scatter3A_206 = tpu.memref_slice %arg7[%shift_right_logical3A_112, %scatter3A_204, %scatter3A_205] : memref<4x64x128xf32, #tpu.memory_space<vmem>> -> memref<1x64x128xf32, #tpu.memory_space<vmem>>
      %scatter3A_207 = tpu.memref_squeeze %scatter3A_206 : memref<1x64x128xf32, #tpu.memory_space<vmem>> -> memref<64x128xf32, #tpu.memory_space<vmem>>
      tpu.vector_store_idx %scatter3A_207[%add3A_203, %broadcast_in_dim3A_145], %gather3A_200 : memref<64x128xf32, #tpu.memory_space<vmem>>[vector<16xi32>, vector<16xi32>], vector<16xf32>,
      %mul3A_208 = arith.constant 16 : i32
      %mul3A_209 = arith.muli %scan3A_102, %mul3A_208 : i32
      %add3A_210 = arith.constant 1 : i32
      %add3A_211 = arith.addi %mul3A_209, %add3A_210 : i32
      %slice3A_212 = vector.extract_strided_slice %scan3A_103 {offsets = [5], sizes = [1], strides = [1]} : vector<16xi32> to vector<1xi32>
      %squeeze3A_213 = vector.extract %slice3A_212[0] : i32 from vector<1xi32>
      %lt3A_214 = arith.constant 508 : i32
      %lt3A_215 = arith.cmpi slt, %add3A_211, %lt3A_214 : i32
      %convert_element_type3A_216 = arith.extui %lt3A_215 : i1 to i32
      %cond3A_217 = arith.constant 0 : i32
      %cond3A_218 = arith.cmpi ne, %convert_element_type3A_216, %cond3A_217 : i32
      scf.if %cond3A_218 {
        %shift_right_logical3A_1738 = arith.constant 7 : i32
        %shift_right_logical3A_1739 = arith.shrui %squeeze3A_213, %shift_right_logical3A_1738 : i32
        %shift_left3A_1740 = arith.constant 7 : i32
        %shift_left3A_1741 = arith.shli %shift_right_logical3A_1739, %shift_left3A_1740 : i32
        %multiple_of3A_1742 = tpu.assume_multiple %shift_left3A_1741, 128 : i32
        %dma_start3A_1743 = arith.constant 5 : i32
        %dma_start3A_1744 = arith.constant 0 : i32
        %dma_start3A_1745 = arith.constant 0 : i32
        %dma_start3A_1746 = tpu.memref_slice %arg6[%dma_start3A_1743, %dma_start3A_1744, %dma_start3A_1745] : memref<8x64x128xf32, #tpu.memory_space<vmem>> -> memref<1x64x128xf32, #tpu.memory_space<vmem>>
        %dma_start3A_1747 = tpu.memref_squeeze %dma_start3A_1746 : memref<1x64x128xf32, #tpu.memory_space<vmem>> -> memref<64x128xf32, #tpu.memory_space<vmem>>
        %dma_start3A_1748 = arith.constant 0 : i32
        %dma_start3A_1749 = tpu.memref_slice %arg2[%dma_start3A_1748, %multiple_of3A_1742] : memref<64x1000000xf32, #tpu.memory_space<hbm>> -> memref<64x128xf32, #tpu.memory_space<hbm>>
        %dma_start3A_1750 = arith.constant 0 : i32
        %dma_start3A_1751 = arith.constant 0 : i32
        %dma_start3A_1752 = tpu.memref_slice %arg6[%dma_start3A_1743, %dma_start3A_1750, %dma_start3A_1751] : memref<8x64x128xf32, #tpu.memory_space<vmem>> -> memref<1x64x128xf32, #tpu.memory_space<vmem>>
        %dma_start3A_1753 = tpu.memref_squeeze %dma_start3A_1752 : memref<1x64x128xf32, #tpu.memory_space<vmem>> -> memref<64x128xf32, #tpu.memory_space<vmem>>
        %dma_start3A_1754 = arith.constant 0 : i32
        %dma_start3A_1755 = tpu.memref_slice %arg2[%dma_start3A_1754, %multiple_of3A_1742] : memref<64x1000000xf32, #tpu.memory_space<hbm>> -> memref<64x128xf32, #tpu.memory_space<hbm>>
        tpu.enqueue_dma source(%dma_start3A_1755 : memref<64x128xf32, #tpu.memory_space<hbm>>) target(%dma_start3A_1753 : memref<64x128xf32, #tpu.memory_space<vmem>>) target_semaphore(%arg8 : memref<!tpu.dma_semaphore, #tpu.memory_space<semaphore_mem>>)
      } else {
      }
      %dma_wait3A_219 = arith.constant 0 : i32
      %dma_wait3A_220 = arith.constant 0 : i32
      %dma_wait3A_221 = arith.constant 0 : i32
      %dma_wait3A_222 = tpu.memref_slice %arg6[%dma_wait3A_219, %dma_wait3A_220, %dma_wait3A_221] : memref<8x64x128xf32, #tpu.memory_space<vmem>> -> memref<1x64x128xf32, #tpu.memory_space<vmem>>
      %dma_wait3A_223 = tpu.memref_squeeze %dma_wait3A_222 : memref<1x64x128xf32, #tpu.memory_space<vmem>> -> memref<64x128xf32, #tpu.memory_space<vmem>>
      %dma_wait3A_224 = arith.constant 0 : i32
      %dma_wait3A_225 = arith.constant 0 : i32
      %dma_wait3A_226 = tpu.memref_slice %arg2[%dma_wait3A_224, %dma_wait3A_225] : memref<64x1000000xf32, #tpu.memory_space<hbm>> -> memref<64x128xf32, #tpu.memory_space<hbm>>
      %dma_wait3A_227 = arith.constant 0 : i32
      %dma_wait3A_228 = arith.constant 0 : i32
      %dma_wait3A_229 = tpu.memref_slice %arg6[%dma_wait3A_219, %dma_wait3A_227, %dma_wait3A_228] : memref<8x64x128xf32, #tpu.memory_space<vmem>> -> memref<1x64x128xf32, #tpu.memory_space<vmem>>
      %dma_wait3A_230 = tpu.memref_squeeze %dma_wait3A_229 : memref<1x64x128xf32, #tpu.memory_space<vmem>> -> memref<64x128xf32, #tpu.memory_space<vmem>>
      %dma_wait3A_231 = arith.constant 0 : i32
      %dma_wait3A_232 = arith.constant 0 : i32
      %dma_wait3A_233 = tpu.memref_slice %arg2[%dma_wait3A_231, %dma_wait3A_232] : memref<64x1000000xf32, #tpu.memory_space<hbm>> -> memref<64x128xf32, #tpu.memory_space<hbm>>
      tpu.wait_dma2 semaphore(%arg8 : memref<!tpu.dma_semaphore, #tpu.memory_space<semaphore_mem>>) src(%dma_wait3A_233 : memref<64x128xf32, #tpu.memory_space<hbm>>) dst(%dma_wait3A_230 : memref<64x128xf32, #tpu.memory_space<vmem>>)
      %slice3A_234 = vector.extract_strided_slice %scan3A_103 {offsets = [1], sizes = [1], strides = [1]} : vector<16xi32> to vector<1xi32>
      %squeeze3A_235 = vector.extract %slice3A_234[0] : i32 from vector<1xi32>
      %and3A_236 = arith.constant 127 : i32
      %and3A_237 = arith.andi %squeeze3A_235, %and3A_236 : i32
      %broadcast_in_dim3A_238 = vector.broadcast %and3A_237 : i32 to vector<16xi32>
      %and3A_239 = arith.constant 7 : i32
      %and3A_240 = arith.andi %scan3A_102, %and3A_239 : i32
      %mul3A_241 = arith.constant 16 : i32
      %mul3A_242 = arith.muli %and3A_240, %mul3A_241 : i32
      %add3A_243 = arith.constant 1 : i32
      %add3A_244 = arith.addi %mul3A_242, %add3A_243 : i32
      %broadcast_in_dim3A_245 = vector.broadcast %add3A_244 : i32 to vector<16xi32>
      %add3A_246 = arith.constant 0 : i32
      %add3A_247 = vector.broadcast %add3A_246 : i32 to vector<16xi32>
      %add3A_248 = arith.addi %iota3A, %add3A_247 : vector<16xi32>
      %gather3A_249 = arith.constant 1 : i32
      %gather3A_250 = arith.constant 0 : i32
      %gather3A_251 = arith.constant 0 : i32
      %gather3A_252 = tpu.memref_slice %arg6[%gather3A_249, %gather3A_250, %gather3A_251] : memref<8x64x128xf32, #tpu.memory_space<vmem>> -> memref<1x64x128xf32, #tpu.memory_space<vmem>>
      %gather3A_253 = tpu.memref_squeeze %gather3A_252 : memref<1x64x128xf32, #tpu.memory_space<vmem>> -> memref<64x128xf32, #tpu.memory_space<vmem>>
      %gather3A_254 = tpu.vector_load_idx %gather3A_253[%add3A_248, %broadcast_in_dim3A_238] : memref<64x128xf32, #tpu.memory_space<vmem>>[vector<16xi32>, vector<16xi32>], vector<16xf32>,
      %add3A_255 = arith.constant 0 : i32
      %add3A_256 = vector.broadcast %add3A_255 : i32 to vector<16xi32>
      %add3A_257 = arith.addi %iota3A, %add3A_256 : vector<16xi32>
      %scatter3A_258 = arith.constant 0 : i32
      %scatter3A_259 = arith.constant 0 : i32
      %scatter3A_260 = tpu.memref_slice %arg7[%shift_right_logical3A_112, %scatter3A_258, %scatter3A_259] : memref<4x64x128xf32, #tpu.memory_space<vmem>> -> memref<1x64x128xf32, #tpu.memory_space<vmem>>
      %scatter3A_261 = tpu.memref_squeeze %scatter3A_260 : memref<1x64x128xf32, #tpu.memory_space<vmem>> -> memref<64x128xf32, #tpu.memory_space<vmem>>
      tpu.vector_store_idx %scatter3A_261[%add3A_257, %broadcast_in_dim3A_245], %gather3A_254 : memref<64x128xf32, #tpu.memory_space<vmem>>[vector<16xi32>, vector<16xi32>], vector<16xf32>,
      %add3A_262 = arith.constant 16 : i32
      %add3A_263 = vector.broadcast %add3A_262 : i32 to vector<16xi32>
      %add3A_264 = arith.addi %iota3A, %add3A_263 : vector<16xi32>
      %gather3A_265 = arith.constant 1 : i32
      %gather3A_266 = arith.constant 0 : i32
      %gather3A_267 = arith.constant 0 : i32
      %gather3A_268 = tpu.memref_slice %arg6[%gather3A_265, %gather3A_266, %gather3A_267] : memref<8x64x128xf32, #tpu.memory_space<vmem>> -> memref<1x64x128xf32, #tpu.memory_space<vmem>>
      %gather3A_269 = tpu.memref_squeeze %gather3A_268 : memref<1x64x128xf32, #tpu.memory_space<vmem>> -> memref<64x128xf32, #tpu.memory_space<vmem>>
      %gather3A_270 = tpu.vector_load_idx %gather3A_269[%add3A_264, %broadcast_in_dim3A_238] : memref<64x128xf32, #tpu.memory_space<vmem>>[vector<16xi32>, vector<16xi32>], vector<16xf32>,
      %add3A_271 = arith.constant 16 : i32
      %add3A_272 = vector.broadcast %add3A_271 : i32 to vector<16xi32>
      %add3A_273 = arith.addi %iota3A, %add3A_272 : vector<16xi32>
      %scatter3A_274 = arith.constant 0 : i32
      %scatter3A_275 = arith.constant 0 : i32
      %scatter3A_276 = tpu.memref_slice %arg7[%shift_right_logical3A_112, %scatter3A_274, %scatter3A_275] : memref<4x64x128xf32, #tpu.memory_space<vmem>> -> memref<1x64x128xf32, #tpu.memory_space<vmem>>
      %scatter3A_277 = tpu.memref_squeeze %scatter3A_276 : memref<1x64x128xf32, #tpu.memory_space<vmem>> -> memref<64x128xf32, #tpu.memory_space<vmem>>
      tpu.vector_store_idx %scatter3A_277[%add3A_273, %broadcast_in_dim3A_245], %gather3A_270 : memref<64x128xf32, #tpu.memory_space<vmem>>[vector<16xi32>, vector<16xi32>], vector<16xf32>,
      %add3A_278 = arith.constant 32 : i32
      %add3A_279 = vector.broadcast %add3A_278 : i32 to vector<16xi32>
      %add3A_280 = arith.addi %iota3A, %add3A_279 : vector<16xi32>
      %gather3A_281 = arith.constant 1 : i32
      %gather3A_282 = arith.constant 0 : i32
      %gather3A_283 = arith.constant 0 : i32
      %gather3A_284 = tpu.memref_slice %arg6[%gather3A_281, %gather3A_282, %gather3A_283] : memref<8x64x128xf32, #tpu.memory_space<vmem>> -> memref<1x64x128xf32, #tpu.memory_space<vmem>>
      %gather3A_285 = tpu.memref_squeeze %gather3A_284 : memref<1x64x128xf32, #tpu.memory_space<vmem>> -> memref<64x128xf32, #tpu.memory_space<vmem>>
      %gather3A_286 = tpu.vector_load_idx %gather3A_285[%add3A_280, %broadcast_in_dim3A_238] : memref<64x128xf32, #tpu.memory_space<vmem>>[vector<16xi32>, vector<16xi32>], vector<16xf32>,
      %add3A_287 = arith.constant 32 : i32
      %add3A_288 = vector.broadcast %add3A_287 : i32 to vector<16xi32>
      %add3A_289 = arith.addi %iota3A, %add3A_288 : vector<16xi32>
      %scatter3A_290 = arith.constant 0 : i32
      %scatter3A_291 = arith.constant 0 : i32
      %scatter3A_292 = tpu.memref_slice %arg7[%shift_right_logical3A_112, %scatter3A_290, %scatter3A_291] : memref<4x64x128xf32, #tpu.memory_space<vmem>> -> memref<1x64x128xf32, #tpu.memory_space<vmem>>
      %scatter3A_293 = tpu.memref_squeeze %scatter3A_292 : memref<1x64x128xf32, #tpu.memory_space<vmem>> -> memref<64x128xf32, #tpu.memory_space<vmem>>
      tpu.vector_store_idx %scatter3A_293[%add3A_289, %broadcast_in_dim3A_245], %gather3A_286 : memref<64x128xf32, #tpu.memory_space<vmem>>[vector<16xi32>, vector<16xi32>], vector<16xf32>,
      %add3A_294 = arith.constant 48 : i32
      %add3A_295 = vector.broadcast %add3A_294 : i32 to vector<16xi32>
      %add3A_296 = arith.addi %iota3A, %add3A_295 : vector<16xi32>
      %gather3A_297 = arith.constant 1 : i32
      %gather3A_298 = arith.constant 0 : i32
      %gather3A_299 = arith.constant 0 : i32
      %gather3A_300 = tpu.memref_slice %arg6[%gather3A_297, %gather3A_298, %gather3A_299] : memref<8x64x128xf32, #tpu.memory_space<vmem>> -> memref<1x64x128xf32, #tpu.memory_space<vmem>>
      %gather3A_301 = tpu.memref_squeeze %gather3A_300 : memref<1x64x128xf32, #tpu.memory_space<vmem>> -> memref<64x128xf32, #tpu.memory_space<vmem>>
      %gather3A_302 = tpu.vector_load_idx %gather3A_301[%add3A_296, %broadcast_in_dim3A_238] : memref<64x128xf32, #tpu.memory_space<vmem>>[vector<16xi32>, vector<16xi32>], vector<16xf32>,
      %add3A_303 = arith.constant 48 : i32
      %add3A_304 = vector.broadcast %add3A_303 : i32 to vector<16xi32>
      %add3A_305 = arith.addi %iota3A, %add3A_304 : vector<16xi32>
      %scatter3A_306 = arith.constant 0 : i32
      %scatter3A_307 = arith.constant 0 : i32
      %scatter3A_308 = tpu.memref_slice %arg7[%shift_right_logical3A_112, %scatter3A_306, %scatter3A_307] : memref<4x64x128xf32, #tpu.memory_space<vmem>> -> memref<1x64x128xf32, #tpu.memory_space<vmem>>
      %scatter3A_309 = tpu.memref_squeeze %scatter3A_308 : memref<1x64x128xf32, #tpu.memory_space<vmem>> -> memref<64x128xf32, #tpu.memory_space<vmem>>
      tpu.vector_store_idx %scatter3A_309[%add3A_305, %broadcast_in_dim3A_245], %gather3A_302 : memref<64x128xf32, #tpu.memory_space<vmem>>[vector<16xi32>, vector<16xi32>], vector<16xf32>,
      %mul3A_310 = arith.constant 16 : i32
      %mul3A_311 = arith.muli %scan3A_102, %mul3A_310 : i32
      %add3A_312 = arith.constant 2 : i32
      %add3A_313 = arith.addi %mul3A_311, %add3A_312 : i32
      %slice3A_314 = vector.extract_strided_slice %scan3A_103 {offsets = [6], sizes = [1], strides = [1]} : vector<16xi32> to vector<1xi32>
      %squeeze3A_315 = vector.extract %slice3A_314[0] : i32 from vector<1xi32>
      %lt3A_316 = arith.constant 508 : i32
      %lt3A_317 = arith.cmpi slt, %add3A_313, %lt3A_316 : i32
      %convert_element_type3A_318 = arith.extui %lt3A_317 : i1 to i32
      %cond3A_319 = arith.constant 0 : i32
      %cond3A_320 = arith.cmpi ne, %convert_element_type3A_318, %cond3A_319 : i32
      scf.if %cond3A_320 {
        %shift_right_logical3A_1738 = arith.constant 7 : i32
        %shift_right_logical3A_1739 = arith.shrui %squeeze3A_315, %shift_right_logical3A_1738 : i32
        %shift_left3A_1740 = arith.constant 7 : i32
        %shift_left3A_1741 = arith.shli %shift_right_logical3A_1739, %shift_left3A_1740 : i32
        %multiple_of3A_1742 = tpu.assume_multiple %shift_left3A_1741, 128 : i32
        %dma_start3A_1743 = arith.constant 6 : i32
        %dma_start3A_1744 = arith.constant 0 : i32
        %dma_start3A_1745 = arith.constant 0 : i32
        %dma_start3A_1746 = tpu.memref_slice %arg6[%dma_start3A_1743, %dma_start3A_1744, %dma_start3A_1745] : memref<8x64x128xf32, #tpu.memory_space<vmem>> -> memref<1x64x128xf32, #tpu.memory_space<vmem>>
        %dma_start3A_1747 = tpu.memref_squeeze %dma_start3A_1746 : memref<1x64x128xf32, #tpu.memory_space<vmem>> -> memref<64x128xf32, #tpu.memory_space<vmem>>
        %dma_start3A_1748 = arith.constant 0 : i32
        %dma_start3A_1749 = tpu.memref_slice %arg2[%dma_start3A_1748, %multiple_of3A_1742] : memref<64x1000000xf32, #tpu.memory_space<hbm>> -> memref<64x128xf32, #tpu.memory_space<hbm>>
        %dma_start3A_1750 = arith.constant 0 : i32
        %dma_start3A_1751 = arith.constant 0 : i32
        %dma_start3A_1752 = tpu.memref_slice %arg6[%dma_start3A_1743, %dma_start3A_1750, %dma_start3A_1751] : memref<8x64x128xf32, #tpu.memory_space<vmem>> -> memref<1x64x128xf32, #tpu.memory_space<vmem>>
        %dma_start3A_1753 = tpu.memref_squeeze %dma_start3A_1752 : memref<1x64x128xf32, #tpu.memory_space<vmem>> -> memref<64x128xf32, #tpu.memory_space<vmem>>
        %dma_start3A_1754 = arith.constant 0 : i32
        %dma_start3A_1755 = tpu.memref_slice %arg2[%dma_start3A_1754, %multiple_of3A_1742] : memref<64x1000000xf32, #tpu.memory_space<hbm>> -> memref<64x128xf32, #tpu.memory_space<hbm>>
        tpu.enqueue_dma source(%dma_start3A_1755 : memref<64x128xf32, #tpu.memory_space<hbm>>) target(%dma_start3A_1753 : memref<64x128xf32, #tpu.memory_space<vmem>>) target_semaphore(%arg8 : memref<!tpu.dma_semaphore, #tpu.memory_space<semaphore_mem>>)
      } else {
      }
      %dma_wait3A_321 = arith.constant 0 : i32
      %dma_wait3A_322 = arith.constant 0 : i32
      %dma_wait3A_323 = arith.constant 0 : i32
      %dma_wait3A_324 = tpu.memref_slice %arg6[%dma_wait3A_321, %dma_wait3A_322, %dma_wait3A_323] : memref<8x64x128xf32, #tpu.memory_space<vmem>> -> memref<1x64x128xf32, #tpu.memory_space<vmem>>
      %dma_wait3A_325 = tpu.memref_squeeze %dma_wait3A_324 : memref<1x64x128xf32, #tpu.memory_space<vmem>> -> memref<64x128xf32, #tpu.memory_space<vmem>>
      %dma_wait3A_326 = arith.constant 0 : i32
      %dma_wait3A_327 = arith.constant 0 : i32
      %dma_wait3A_328 = tpu.memref_slice %arg2[%dma_wait3A_326, %dma_wait3A_327] : memref<64x1000000xf32, #tpu.memory_space<hbm>> -> memref<64x128xf32, #tpu.memory_space<hbm>>
      %dma_wait3A_329 = arith.constant 0 : i32
      %dma_wait3A_330 = arith.constant 0 : i32
      %dma_wait3A_331 = tpu.memref_slice %arg6[%dma_wait3A_321, %dma_wait3A_329, %dma_wait3A_330] : memref<8x64x128xf32, #tpu.memory_space<vmem>> -> memref<1x64x128xf32, #tpu.memory_space<vmem>>
      %dma_wait3A_332 = tpu.memref_squeeze %dma_wait3A_331 : memref<1x64x128xf32, #tpu.memory_space<vmem>> -> memref<64x128xf32, #tpu.memory_space<vmem>>
      %dma_wait3A_333 = arith.constant 0 : i32
      %dma_wait3A_334 = arith.constant 0 : i32
      %dma_wait3A_335 = tpu.memref_slice %arg2[%dma_wait3A_333, %dma_wait3A_334] : memref<64x1000000xf32, #tpu.memory_space<hbm>> -> memref<64x128xf32, #tpu.memory_space<hbm>>
      tpu.wait_dma2 semaphore(%arg8 : memref<!tpu.dma_semaphore, #tpu.memory_space<semaphore_mem>>) src(%dma_wait3A_335 : memref<64x128xf32, #tpu.memory_space<hbm>>) dst(%dma_wait3A_332 : memref<64x128xf32, #tpu.memory_space<vmem>>)
      %slice3A_336 = vector.extract_strided_slice %scan3A_103 {offsets = [2], sizes = [1], strides = [1]} : vector<16xi32> to vector<1xi32>
      %squeeze3A_337 = vector.extract %slice3A_336[0] : i32 from vector<1xi32>
      %and3A_338 = arith.constant 127 : i32
      %and3A_339 = arith.andi %squeeze3A_337, %and3A_338 : i32
      %broadcast_in_dim3A_340 = vector.broadcast %and3A_339 : i32 to vector<16xi32>
      %and3A_341 = arith.constant 7 : i32
      %and3A_342 = arith.andi %scan3A_102, %and3A_341 : i32
      %mul3A_343 = arith.constant 16 : i32
      %mul3A_344 = arith.muli %and3A_342, %mul3A_343 : i32
      %add3A_345 = arith.constant 2 : i32
      %add3A_346 = arith.addi %mul3A_344, %add3A_345 : i32
      %broadcast_in_dim3A_347 = vector.broadcast %add3A_346 : i32 to vector<16xi32>
      %add3A_348 = arith.constant 0 : i32
      %add3A_349 = vector.broadcast %add3A_348 : i32 to vector<16xi32>
      %add3A_350 = arith.addi %iota3A, %add3A_349 : vector<16xi32>
      %gather3A_351 = arith.constant 2 : i32
      %gather3A_352 = arith.constant 0 : i32
      %gather3A_353 = arith.constant 0 : i32
      %gather3A_354 = tpu.memref_slice %arg6[%gather3A_351, %gather3A_352, %gather3A_353] : memref<8x64x128xf32, #tpu.memory_space<vmem>> -> memref<1x64x128xf32, #tpu.memory_space<vmem>>
      %gather3A_355 = tpu.memref_squeeze %gather3A_354 : memref<1x64x128xf32, #tpu.memory_space<vmem>> -> memref<64x128xf32, #tpu.memory_space<vmem>>
      %gather3A_356 = tpu.vector_load_idx %gather3A_355[%add3A_350, %broadcast_in_dim3A_340] : memref<64x128xf32, #tpu.memory_space<vmem>>[vector<16xi32>, vector<16xi32>], vector<16xf32>,
      %add3A_357 = arith.constant 0 : i32
      %add3A_358 = vector.broadcast %add3A_357 : i32 to vector<16xi32>
      %add3A_359 = arith.addi %iota3A, %add3A_358 : vector<16xi32>
      %scatter3A_360 = arith.constant 0 : i32
      %scatter3A_361 = arith.constant 0 : i32
      %scatter3A_362 = tpu.memref_slice %arg7[%shift_right_logical3A_112, %scatter3A_360, %scatter3A_361] : memref<4x64x128xf32, #tpu.memory_space<vmem>> -> memref<1x64x128xf32, #tpu.memory_space<vmem>>
      %scatter3A_363 = tpu.memref_squeeze %scatter3A_362 : memref<1x64x128xf32, #tpu.memory_space<vmem>> -> memref<64x128xf32, #tpu.memory_space<vmem>>
      tpu.vector_store_idx %scatter3A_363[%add3A_359, %broadcast_in_dim3A_347], %gather3A_356 : memref<64x128xf32, #tpu.memory_space<vmem>>[vector<16xi32>, vector<16xi32>], vector<16xf32>,
      %add3A_364 = arith.constant 16 : i32
      %add3A_365 = vector.broadcast %add3A_364 : i32 to vector<16xi32>
      %add3A_366 = arith.addi %iota3A, %add3A_365 : vector<16xi32>
      %gather3A_367 = arith.constant 2 : i32
      %gather3A_368 = arith.constant 0 : i32
      %gather3A_369 = arith.constant 0 : i32
      %gather3A_370 = tpu.memref_slice %arg6[%gather3A_367, %gather3A_368, %gather3A_369] : memref<8x64x128xf32, #tpu.memory_space<vmem>> -> memref<1x64x128xf32, #tpu.memory_space<vmem>>
      %gather3A_371 = tpu.memref_squeeze %gather3A_370 : memref<1x64x128xf32, #tpu.memory_space<vmem>> -> memref<64x128xf32, #tpu.memory_space<vmem>>
      %gather3A_372 = tpu.vector_load_idx %gather3A_371[%add3A_366, %broadcast_in_dim3A_340] : memref<64x128xf32, #tpu.memory_space<vmem>>[vector<16xi32>, vector<16xi32>], vector<16xf32>,
      %add3A_373 = arith.constant 16 : i32
      %add3A_374 = vector.broadcast %add3A_373 : i32 to vector<16xi32>
      %add3A_375 = arith.addi %iota3A, %add3A_374 : vector<16xi32>
      %scatter3A_376 = arith.constant 0 : i32
      %scatter3A_377 = arith.constant 0 : i32
      %scatter3A_378 = tpu.memref_slice %arg7[%shift_right_logical3A_112, %scatter3A_376, %scatter3A_377] : memref<4x64x128xf32, #tpu.memory_space<vmem>> -> memref<1x64x128xf32, #tpu.memory_space<vmem>>
      %scatter3A_379 = tpu.memref_squeeze %scatter3A_378 : memref<1x64x128xf32, #tpu.memory_space<vmem>> -> memref<64x128xf32, #tpu.memory_space<vmem>>
      tpu.vector_store_idx %scatter3A_379[%add3A_375, %broadcast_in_dim3A_347], %gather3A_372 : memref<64x128xf32, #tpu.memory_space<vmem>>[vector<16xi32>, vector<16xi32>], vector<16xf32>,
      %add3A_380 = arith.constant 32 : i32
      %add3A_381 = vector.broadcast %add3A_380 : i32 to vector<16xi32>
      %add3A_382 = arith.addi %iota3A, %add3A_381 : vector<16xi32>
      %gather3A_383 = arith.constant 2 : i32
      %gather3A_384 = arith.constant 0 : i32
      %gather3A_385 = arith.constant 0 : i32
      %gather3A_386 = tpu.memref_slice %arg6[%gather3A_383, %gather3A_384, %gather3A_385] : memref<8x64x128xf32, #tpu.memory_space<vmem>> -> memref<1x64x128xf32, #tpu.memory_space<vmem>>
      %gather3A_387 = tpu.memref_squeeze %gather3A_386 : memref<1x64x128xf32, #tpu.memory_space<vmem>> -> memref<64x128xf32, #tpu.memory_space<vmem>>
      %gather3A_388 = tpu.vector_load_idx %gather3A_387[%add3A_382, %broadcast_in_dim3A_340] : memref<64x128xf32, #tpu.memory_space<vmem>>[vector<16xi32>, vector<16xi32>], vector<16xf32>,
      %add3A_389 = arith.constant 32 : i32
      %add3A_390 = vector.broadcast %add3A_389 : i32 to vector<16xi32>
      %add3A_391 = arith.addi %iota3A, %add3A_390 : vector<16xi32>
      %scatter3A_392 = arith.constant 0 : i32
      %scatter3A_393 = arith.constant 0 : i32
      %scatter3A_394 = tpu.memref_slice %arg7[%shift_right_logical3A_112, %scatter3A_392, %scatter3A_393] : memref<4x64x128xf32, #tpu.memory_space<vmem>> -> memref<1x64x128xf32, #tpu.memory_space<vmem>>
      %scatter3A_395 = tpu.memref_squeeze %scatter3A_394 : memref<1x64x128xf32, #tpu.memory_space<vmem>> -> memref<64x128xf32, #tpu.memory_space<vmem>>
      tpu.vector_store_idx %scatter3A_395[%add3A_391, %broadcast_in_dim3A_347], %gather3A_388 : memref<64x128xf32, #tpu.memory_space<vmem>>[vector<16xi32>, vector<16xi32>], vector<16xf32>,
      %add3A_396 = arith.constant 48 : i32
      %add3A_397 = vector.broadcast %add3A_396 : i32 to vector<16xi32>
      %add3A_398 = arith.addi %iota3A, %add3A_397 : vector<16xi32>
      %gather3A_399 = arith.constant 2 : i32
      %gather3A_400 = arith.constant 0 : i32
      %gather3A_401 = arith.constant 0 : i32
      %gather3A_402 = tpu.memref_slice %arg6[%gather3A_399, %gather3A_400, %gather3A_401] : memref<8x64x128xf32, #tpu.memory_space<vmem>> -> memref<1x64x128xf32, #tpu.memory_space<vmem>>
      %gather3A_403 = tpu.memref_squeeze %gather3A_402 : memref<1x64x128xf32, #tpu.memory_space<vmem>> -> memref<64x128xf32, #tpu.memory_space<vmem>>
      %gather3A_404 = tpu.vector_load_idx %gather3A_403[%add3A_398, %broadcast_in_dim3A_340] : memref<64x128xf32, #tpu.memory_space<vmem>>[vector<16xi32>, vector<16xi32>], vector<16xf32>,
      %add3A_405 = arith.constant 48 : i32
      %add3A_406 = vector.broadcast %add3A_405 : i32 to vector<16xi32>
      %add3A_407 = arith.addi %iota3A, %add3A_406 : vector<16xi32>
      %scatter3A_408 = arith.constant 0 : i32
      %scatter3A_409 = arith.constant 0 : i32
      %scatter3A_410 = tpu.memref_slice %arg7[%shift_right_logical3A_112, %scatter3A_408, %scatter3A_409] : memref<4x64x128xf32, #tpu.memory_space<vmem>> -> memref<1x64x128xf32, #tpu.memory_space<vmem>>
      %scatter3A_411 = tpu.memref_squeeze %scatter3A_410 : memref<1x64x128xf32, #tpu.memory_space<vmem>> -> memref<64x128xf32, #tpu.memory_space<vmem>>
      tpu.vector_store_idx %scatter3A_411[%add3A_407, %broadcast_in_dim3A_347], %gather3A_404 : memref<64x128xf32, #tpu.memory_space<vmem>>[vector<16xi32>, vector<16xi32>], vector<16xf32>,
      %mul3A_412 = arith.constant 16 : i32
      %mul3A_413 = arith.muli %scan3A_102, %mul3A_412 : i32
      %add3A_414 = arith.constant 3 : i32
      %add3A_415 = arith.addi %mul3A_413, %add3A_414 : i32
      %slice3A_416 = vector.extract_strided_slice %scan3A_103 {offsets = [7], sizes = [1], strides = [1]} : vector<16xi32> to vector<1xi32>
      %squeeze3A_417 = vector.extract %slice3A_416[0] : i32 from vector<1xi32>
      %lt3A_418 = arith.constant 508 : i32
      %lt3A_419 = arith.cmpi slt, %add3A_415, %lt3A_418 : i32
      %convert_element_type3A_420 = arith.extui %lt3A_419 : i1 to i32
      %cond3A_421 = arith.constant 0 : i32
      %cond3A_422 = arith.cmpi ne, %convert_element_type3A_420, %cond3A_421 : i32
      scf.if %cond3A_422 {
        %shift_right_logical3A_1738 = arith.constant 7 : i32
        %shift_right_logical3A_1739 = arith.shrui %squeeze3A_417, %shift_right_logical3A_1738 : i32
        %shift_left3A_1740 = arith.constant 7 : i32
        %shift_left3A_1741 = arith.shli %shift_right_logical3A_1739, %shift_left3A_1740 : i32
        %multiple_of3A_1742 = tpu.assume_multiple %shift_left3A_1741, 128 : i32
        %dma_start3A_1743 = arith.constant 7 : i32
        %dma_start3A_1744 = arith.constant 0 : i32
        %dma_start3A_1745 = arith.constant 0 : i32
        %dma_start3A_1746 = tpu.memref_slice %arg6[%dma_start3A_1743, %dma_start3A_1744, %dma_start3A_1745] : memref<8x64x128xf32, #tpu.memory_space<vmem>> -> memref<1x64x128xf32, #tpu.memory_space<vmem>>
        %dma_start3A_1747 = tpu.memref_squeeze %dma_start3A_1746 : memref<1x64x128xf32, #tpu.memory_space<vmem>> -> memref<64x128xf32, #tpu.memory_space<vmem>>
        %dma_start3A_1748 = arith.constant 0 : i32
        %dma_start3A_1749 = tpu.memref_slice %arg2[%dma_start3A_1748, %multiple_of3A_1742] : memref<64x1000000xf32, #tpu.memory_space<hbm>> -> memref<64x128xf32, #tpu.memory_space<hbm>>
        %dma_start3A_1750 = arith.constant 0 : i32
        %dma_start3A_1751 = arith.constant 0 : i32
        %dma_start3A_1752 = tpu.memref_slice %arg6[%dma_start3A_1743, %dma_start3A_1750, %dma_start3A_1751] : memref<8x64x128xf32, #tpu.memory_space<vmem>> -> memref<1x64x128xf32, #tpu.memory_space<vmem>>
        %dma_start3A_1753 = tpu.memref_squeeze %dma_start3A_1752 : memref<1x64x128xf32, #tpu.memory_space<vmem>> -> memref<64x128xf32, #tpu.memory_space<vmem>>
        %dma_start3A_1754 = arith.constant 0 : i32
        %dma_start3A_1755 = tpu.memref_slice %arg2[%dma_start3A_1754, %multiple_of3A_1742] : memref<64x1000000xf32, #tpu.memory_space<hbm>> -> memref<64x128xf32, #tpu.memory_space<hbm>>
        tpu.enqueue_dma source(%dma_start3A_1755 : memref<64x128xf32, #tpu.memory_space<hbm>>) target(%dma_start3A_1753 : memref<64x128xf32, #tpu.memory_space<vmem>>) target_semaphore(%arg8 : memref<!tpu.dma_semaphore, #tpu.memory_space<semaphore_mem>>)
      } else {
      }
      %dma_wait3A_423 = arith.constant 0 : i32
      %dma_wait3A_424 = arith.constant 0 : i32
      %dma_wait3A_425 = arith.constant 0 : i32
      %dma_wait3A_426 = tpu.memref_slice %arg6[%dma_wait3A_423, %dma_wait3A_424, %dma_wait3A_425] : memref<8x64x128xf32, #tpu.memory_space<vmem>> -> memref<1x64x128xf32, #tpu.memory_space<vmem>>
      %dma_wait3A_427 = tpu.memref_squeeze %dma_wait3A_426 : memref<1x64x128xf32, #tpu.memory_space<vmem>> -> memref<64x128xf32, #tpu.memory_space<vmem>>
      %dma_wait3A_428 = arith.constant 0 : i32
      %dma_wait3A_429 = arith.constant 0 : i32
      %dma_wait3A_430 = tpu.memref_slice %arg2[%dma_wait3A_428, %dma_wait3A_429] : memref<64x1000000xf32, #tpu.memory_space<hbm>> -> memref<64x128xf32, #tpu.memory_space<hbm>>
      %dma_wait3A_431 = arith.constant 0 : i32
      %dma_wait3A_432 = arith.constant 0 : i32
      %dma_wait3A_433 = tpu.memref_slice %arg6[%dma_wait3A_423, %dma_wait3A_431, %dma_wait3A_432] : memref<8x64x128xf32, #tpu.memory_space<vmem>> -> memref<1x64x128xf32, #tpu.memory_space<vmem>>
      %dma_wait3A_434 = tpu.memref_squeeze %dma_wait3A_433 : memref<1x64x128xf32, #tpu.memory_space<vmem>> -> memref<64x128xf32, #tpu.memory_space<vmem>>
      %dma_wait3A_435 = arith.constant 0 : i32
      %dma_wait3A_436 = arith.constant 0 : i32
      %dma_wait3A_437 = tpu.memref_slice %arg2[%dma_wait3A_435, %dma_wait3A_436] : memref<64x1000000xf32, #tpu.memory_space<hbm>> -> memref<64x128xf32, #tpu.memory_space<hbm>>
      tpu.wait_dma2 semaphore(%arg8 : memref<!tpu.dma_semaphore, #tpu.memory_space<semaphore_mem>>) src(%dma_wait3A_437 : memref<64x128xf32, #tpu.memory_space<hbm>>) dst(%dma_wait3A_434 : memref<64x128xf32, #tpu.memory_space<vmem>>)
      %slice3A_438 = vector.extract_strided_slice %scan3A_103 {offsets = [3], sizes = [1], strides = [1]} : vector<16xi32> to vector<1xi32>
      %squeeze3A_439 = vector.extract %slice3A_438[0] : i32 from vector<1xi32>
      %and3A_440 = arith.constant 127 : i32
      %and3A_441 = arith.andi %squeeze3A_439, %and3A_440 : i32
      %broadcast_in_dim3A_442 = vector.broadcast %and3A_441 : i32 to vector<16xi32>
      %and3A_443 = arith.constant 7 : i32
      %and3A_444 = arith.andi %scan3A_102, %and3A_443 : i32
      %mul3A_445 = arith.constant 16 : i32
      %mul3A_446 = arith.muli %and3A_444, %mul3A_445 : i32
      %add3A_447 = arith.constant 3 : i32
      %add3A_448 = arith.addi %mul3A_446, %add3A_447 : i32
      %broadcast_in_dim3A_449 = vector.broadcast %add3A_448 : i32 to vector<16xi32>
      %add3A_450 = arith.constant 0 : i32
      %add3A_451 = vector.broadcast %add3A_450 : i32 to vector<16xi32>
      %add3A_452 = arith.addi %iota3A, %add3A_451 : vector<16xi32>
      %gather3A_453 = arith.constant 3 : i32
      %gather3A_454 = arith.constant 0 : i32
      %gather3A_455 = arith.constant 0 : i32
      %gather3A_456 = tpu.memref_slice %arg6[%gather3A_453, %gather3A_454, %gather3A_455] : memref<8x64x128xf32, #tpu.memory_space<vmem>> -> memref<1x64x128xf32, #tpu.memory_space<vmem>>
      %gather3A_457 = tpu.memref_squeeze %gather3A_456 : memref<1x64x128xf32, #tpu.memory_space<vmem>> -> memref<64x128xf32, #tpu.memory_space<vmem>>
      %gather3A_458 = tpu.vector_load_idx %gather3A_457[%add3A_452, %broadcast_in_dim3A_442] : memref<64x128xf32, #tpu.memory_space<vmem>>[vector<16xi32>, vector<16xi32>], vector<16xf32>,
      %add3A_459 = arith.constant 0 : i32
      %add3A_460 = vector.broadcast %add3A_459 : i32 to vector<16xi32>
      %add3A_461 = arith.addi %iota3A, %add3A_460 : vector<16xi32>
      %scatter3A_462 = arith.constant 0 : i32
      %scatter3A_463 = arith.constant 0 : i32
      %scatter3A_464 = tpu.memref_slice %arg7[%shift_right_logical3A_112, %scatter3A_462, %scatter3A_463] : memref<4x64x128xf32, #tpu.memory_space<vmem>> -> memref<1x64x128xf32, #tpu.memory_space<vmem>>
      %scatter3A_465 = tpu.memref_squeeze %scatter3A_464 : memref<1x64x128xf32, #tpu.memory_space<vmem>> -> memref<64x128xf32, #tpu.memory_space<vmem>>
      tpu.vector_store_idx %scatter3A_465[%add3A_461, %broadcast_in_dim3A_449], %gather3A_458 : memref<64x128xf32, #tpu.memory_space<vmem>>[vector<16xi32>, vector<16xi32>], vector<16xf32>,
      %add3A_466 = arith.constant 16 : i32
      %add3A_467 = vector.broadcast %add3A_466 : i32 to vector<16xi32>
      %add3A_468 = arith.addi %iota3A, %add3A_467 : vector<16xi32>
      %gather3A_469 = arith.constant 3 : i32
      %gather3A_470 = arith.constant 0 : i32
      %gather3A_471 = arith.constant 0 : i32
      %gather3A_472 = tpu.memref_slice %arg6[%gather3A_469, %gather3A_470, %gather3A_471] : memref<8x64x128xf32, #tpu.memory_space<vmem>> -> memref<1x64x128xf32, #tpu.memory_space<vmem>>
      %gather3A_473 = tpu.memref_squeeze %gather3A_472 : memref<1x64x128xf32, #tpu.memory_space<vmem>> -> memref<64x128xf32, #tpu.memory_space<vmem>>
      %gather3A_474 = tpu.vector_load_idx %gather3A_473[%add3A_468, %broadcast_in_dim3A_442] : memref<64x128xf32, #tpu.memory_space<vmem>>[vector<16xi32>, vector<16xi32>], vector<16xf32>,
      %add3A_475 = arith.constant 16 : i32
      %add3A_476 = vector.broadcast %add3A_475 : i32 to vector<16xi32>
      %add3A_477 = arith.addi %iota3A, %add3A_476 : vector<16xi32>
      %scatter3A_478 = arith.constant 0 : i32
      %scatter3A_479 = arith.constant 0 : i32
      %scatter3A_480 = tpu.memref_slice %arg7[%shift_right_logical3A_112, %scatter3A_478, %scatter3A_479] : memref<4x64x128xf32, #tpu.memory_space<vmem>> -> memref<1x64x128xf32, #tpu.memory_space<vmem>>
      %scatter3A_481 = tpu.memref_squeeze %scatter3A_480 : memref<1x64x128xf32, #tpu.memory_space<vmem>> -> memref<64x128xf32, #tpu.memory_space<vmem>>
      tpu.vector_store_idx %scatter3A_481[%add3A_477, %broadcast_in_dim3A_449], %gather3A_474 : memref<64x128xf32, #tpu.memory_space<vmem>>[vector<16xi32>, vector<16xi32>], vector<16xf32>,
      %add3A_482 = arith.constant 32 : i32
      %add3A_483 = vector.broadcast %add3A_482 : i32 to vector<16xi32>
      %add3A_484 = arith.addi %iota3A, %add3A_483 : vector<16xi32>
      %gather3A_485 = arith.constant 3 : i32
      %gather3A_486 = arith.constant 0 : i32
      %gather3A_487 = arith.constant 0 : i32
      %gather3A_488 = tpu.memref_slice %arg6[%gather3A_485, %gather3A_486, %gather3A_487] : memref<8x64x128xf32, #tpu.memory_space<vmem>> -> memref<1x64x128xf32, #tpu.memory_space<vmem>>
      %gather3A_489 = tpu.memref_squeeze %gather3A_488 : memref<1x64x128xf32, #tpu.memory_space<vmem>> -> memref<64x128xf32, #tpu.memory_space<vmem>>
      %gather3A_490 = tpu.vector_load_idx %gather3A_489[%add3A_484, %broadcast_in_dim3A_442] : memref<64x128xf32, #tpu.memory_space<vmem>>[vector<16xi32>, vector<16xi32>], vector<16xf32>,
      %add3A_491 = arith.constant 32 : i32
      %add3A_492 = vector.broadcast %add3A_491 : i32 to vector<16xi32>
      %add3A_493 = arith.addi %iota3A, %add3A_492 : vector<16xi32>
      %scatter3A_494 = arith.constant 0 : i32
      %scatter3A_495 = arith.constant 0 : i32
      %scatter3A_496 = tpu.memref_slice %arg7[%shift_right_logical3A_112, %scatter3A_494, %scatter3A_495] : memref<4x64x128xf32, #tpu.memory_space<vmem>> -> memref<1x64x128xf32, #tpu.memory_space<vmem>>
      %scatter3A_497 = tpu.memref_squeeze %scatter3A_496 : memref<1x64x128xf32, #tpu.memory_space<vmem>> -> memref<64x128xf32, #tpu.memory_space<vmem>>
      tpu.vector_store_idx %scatter3A_497[%add3A_493, %broadcast_in_dim3A_449], %gather3A_490 : memref<64x128xf32, #tpu.memory_space<vmem>>[vector<16xi32>, vector<16xi32>], vector<16xf32>,
      %add3A_498 = arith.constant 48 : i32
      %add3A_499 = vector.broadcast %add3A_498 : i32 to vector<16xi32>
      %add3A_500 = arith.addi %iota3A, %add3A_499 : vector<16xi32>
      %gather3A_501 = arith.constant 3 : i32
      %gather3A_502 = arith.constant 0 : i32
      %gather3A_503 = arith.constant 0 : i32
      %gather3A_504 = tpu.memref_slice %arg6[%gather3A_501, %gather3A_502, %gather3A_503] : memref<8x64x128xf32, #tpu.memory_space<vmem>> -> memref<1x64x128xf32, #tpu.memory_space<vmem>>
      %gather3A_505 = tpu.memref_squeeze %gather3A_504 : memref<1x64x128xf32, #tpu.memory_space<vmem>> -> memref<64x128xf32, #tpu.memory_space<vmem>>
      %gather3A_506 = tpu.vector_load_idx %gather3A_505[%add3A_500, %broadcast_in_dim3A_442] : memref<64x128xf32, #tpu.memory_space<vmem>>[vector<16xi32>, vector<16xi32>], vector<16xf32>,
      %add3A_507 = arith.constant 48 : i32
      %add3A_508 = vector.broadcast %add3A_507 : i32 to vector<16xi32>
      %add3A_509 = arith.addi %iota3A, %add3A_508 : vector<16xi32>
      %scatter3A_510 = arith.constant 0 : i32
      %scatter3A_511 = arith.constant 0 : i32
      %scatter3A_512 = tpu.memref_slice %arg7[%shift_right_logical3A_112, %scatter3A_510, %scatter3A_511] : memref<4x64x128xf32, #tpu.memory_space<vmem>> -> memref<1x64x128xf32, #tpu.memory_space<vmem>>
      %scatter3A_513 = tpu.memref_squeeze %scatter3A_512 : memref<1x64x128xf32, #tpu.memory_space<vmem>> -> memref<64x128xf32, #tpu.memory_space<vmem>>
      tpu.vector_store_idx %scatter3A_513[%add3A_509, %broadcast_in_dim3A_449], %gather3A_506 : memref<64x128xf32, #tpu.memory_space<vmem>>[vector<16xi32>, vector<16xi32>], vector<16xf32>,
      %mul3A_514 = arith.constant 16 : i32
      %mul3A_515 = arith.muli %scan3A_102, %mul3A_514 : i32
      %add3A_516 = arith.constant 4 : i32
      %add3A_517 = arith.addi %mul3A_515, %add3A_516 : i32
      %slice3A_518 = vector.extract_strided_slice %scan3A_103 {offsets = [8], sizes = [1], strides = [1]} : vector<16xi32> to vector<1xi32>
      %squeeze3A_519 = vector.extract %slice3A_518[0] : i32 from vector<1xi32>
      %lt3A_520 = arith.constant 508 : i32
      %lt3A_521 = arith.cmpi slt, %add3A_517, %lt3A_520 : i32
      %convert_element_type3A_522 = arith.extui %lt3A_521 : i1 to i32
      %cond3A_523 = arith.constant 0 : i32
      %cond3A_524 = arith.cmpi ne, %convert_element_type3A_522, %cond3A_523 : i32
      scf.if %cond3A_524 {
        %shift_right_logical3A_1738 = arith.constant 7 : i32
        %shift_right_logical3A_1739 = arith.shrui %squeeze3A_519, %shift_right_logical3A_1738 : i32
        %shift_left3A_1740 = arith.constant 7 : i32
        %shift_left3A_1741 = arith.shli %shift_right_logical3A_1739, %shift_left3A_1740 : i32
        %multiple_of3A_1742 = tpu.assume_multiple %shift_left3A_1741, 128 : i32
        %dma_start3A_1743 = arith.constant 0 : i32
        %dma_start3A_1744 = arith.constant 0 : i32
        %dma_start3A_1745 = arith.constant 0 : i32
        %dma_start3A_1746 = tpu.memref_slice %arg6[%dma_start3A_1743, %dma_start3A_1744, %dma_start3A_1745] : memref<8x64x128xf32, #tpu.memory_space<vmem>> -> memref<1x64x128xf32, #tpu.memory_space<vmem>>
        %dma_start3A_1747 = tpu.memref_squeeze %dma_start3A_1746 : memref<1x64x128xf32, #tpu.memory_space<vmem>> -> memref<64x128xf32, #tpu.memory_space<vmem>>
        %dma_start3A_1748 = arith.constant 0 : i32
        %dma_start3A_1749 = tpu.memref_slice %arg2[%dma_start3A_1748, %multiple_of3A_1742] : memref<64x1000000xf32, #tpu.memory_space<hbm>> -> memref<64x128xf32, #tpu.memory_space<hbm>>
        %dma_start3A_1750 = arith.constant 0 : i32
        %dma_start3A_1751 = arith.constant 0 : i32
        %dma_start3A_1752 = tpu.memref_slice %arg6[%dma_start3A_1743, %dma_start3A_1750, %dma_start3A_1751] : memref<8x64x128xf32, #tpu.memory_space<vmem>> -> memref<1x64x128xf32, #tpu.memory_space<vmem>>
        %dma_start3A_1753 = tpu.memref_squeeze %dma_start3A_1752 : memref<1x64x128xf32, #tpu.memory_space<vmem>> -> memref<64x128xf32, #tpu.memory_space<vmem>>
        %dma_start3A_1754 = arith.constant 0 : i32
        %dma_start3A_1755 = tpu.memref_slice %arg2[%dma_start3A_1754, %multiple_of3A_1742] : memref<64x1000000xf32, #tpu.memory_space<hbm>> -> memref<64x128xf32, #tpu.memory_space<hbm>>
        tpu.enqueue_dma source(%dma_start3A_1755 : memref<64x128xf32, #tpu.memory_space<hbm>>) target(%dma_start3A_1753 : memref<64x128xf32, #tpu.memory_space<vmem>>) target_semaphore(%arg8 : memref<!tpu.dma_semaphore, #tpu.memory_space<semaphore_mem>>)
      } else {
      }
      %dma_wait3A_525 = arith.constant 0 : i32
      %dma_wait3A_526 = arith.constant 0 : i32
      %dma_wait3A_527 = arith.constant 0 : i32
      %dma_wait3A_528 = tpu.memref_slice %arg6[%dma_wait3A_525, %dma_wait3A_526, %dma_wait3A_527] : memref<8x64x128xf32, #tpu.memory_space<vmem>> -> memref<1x64x128xf32, #tpu.memory_space<vmem>>
      %dma_wait3A_529 = tpu.memref_squeeze %dma_wait3A_528 : memref<1x64x128xf32, #tpu.memory_space<vmem>> -> memref<64x128xf32, #tpu.memory_space<vmem>>
      %dma_wait3A_530 = arith.constant 0 : i32
      %dma_wait3A_531 = arith.constant 0 : i32
      %dma_wait3A_532 = tpu.memref_slice %arg2[%dma_wait3A_530, %dma_wait3A_531] : memref<64x1000000xf32, #tpu.memory_space<hbm>> -> memref<64x128xf32, #tpu.memory_space<hbm>>
      %dma_wait3A_533 = arith.constant 0 : i32
      %dma_wait3A_534 = arith.constant 0 : i32
      %dma_wait3A_535 = tpu.memref_slice %arg6[%dma_wait3A_525, %dma_wait3A_533, %dma_wait3A_534] : memref<8x64x128xf32, #tpu.memory_space<vmem>> -> memref<1x64x128xf32, #tpu.memory_space<vmem>>
      %dma_wait3A_536 = tpu.memref_squeeze %dma_wait3A_535 : memref<1x64x128xf32, #tpu.memory_space<vmem>> -> memref<64x128xf32, #tpu.memory_space<vmem>>
      %dma_wait3A_537 = arith.constant 0 : i32
      %dma_wait3A_538 = arith.constant 0 : i32
      %dma_wait3A_539 = tpu.memref_slice %arg2[%dma_wait3A_537, %dma_wait3A_538] : memref<64x1000000xf32, #tpu.memory_space<hbm>> -> memref<64x128xf32, #tpu.memory_space<hbm>>
      tpu.wait_dma2 semaphore(%arg8 : memref<!tpu.dma_semaphore, #tpu.memory_space<semaphore_mem>>) src(%dma_wait3A_539 : memref<64x128xf32, #tpu.memory_space<hbm>>) dst(%dma_wait3A_536 : memref<64x128xf32, #tpu.memory_space<vmem>>)
      %slice3A_540 = vector.extract_strided_slice %scan3A_103 {offsets = [4], sizes = [1], strides = [1]} : vector<16xi32> to vector<1xi32>
      %squeeze3A_541 = vector.extract %slice3A_540[0] : i32 from vector<1xi32>
      %and3A_542 = arith.constant 127 : i32
      %and3A_543 = arith.andi %squeeze3A_541, %and3A_542 : i32
      %broadcast_in_dim3A_544 = vector.broadcast %and3A_543 : i32 to vector<16xi32>
      %and3A_545 = arith.constant 7 : i32
      %and3A_546 = arith.andi %scan3A_102, %and3A_545 : i32
      %mul3A_547 = arith.constant 16 : i32
      %mul3A_548 = arith.muli %and3A_546, %mul3A_547 : i32
      %add3A_549 = arith.constant 4 : i32
      %add3A_550 = arith.addi %mul3A_548, %add3A_549 : i32
      %broadcast_in_dim3A_551 = vector.broadcast %add3A_550 : i32 to vector<16xi32>
      %add3A_552 = arith.constant 0 : i32
      %add3A_553 = vector.broadcast %add3A_552 : i32 to vector<16xi32>
      %add3A_554 = arith.addi %iota3A, %add3A_553 : vector<16xi32>
      %gather3A_555 = arith.constant 4 : i32
      %gather3A_556 = arith.constant 0 : i32
      %gather3A_557 = arith.constant 0 : i32
      %gather3A_558 = tpu.memref_slice %arg6[%gather3A_555, %gather3A_556, %gather3A_557] : memref<8x64x128xf32, #tpu.memory_space<vmem>> -> memref<1x64x128xf32, #tpu.memory_space<vmem>>
      %gather3A_559 = tpu.memref_squeeze %gather3A_558 : memref<1x64x128xf32, #tpu.memory_space<vmem>> -> memref<64x128xf32, #tpu.memory_space<vmem>>
      %gather3A_560 = tpu.vector_load_idx %gather3A_559[%add3A_554, %broadcast_in_dim3A_544] : memref<64x128xf32, #tpu.memory_space<vmem>>[vector<16xi32>, vector<16xi32>], vector<16xf32>,
      %add3A_561 = arith.constant 0 : i32
      %add3A_562 = vector.broadcast %add3A_561 : i32 to vector<16xi32>
      %add3A_563 = arith.addi %iota3A, %add3A_562 : vector<16xi32>
      %scatter3A_564 = arith.constant 0 : i32
      %scatter3A_565 = arith.constant 0 : i32
      %scatter3A_566 = tpu.memref_slice %arg7[%shift_right_logical3A_112, %scatter3A_564, %scatter3A_565] : memref<4x64x128xf32, #tpu.memory_space<vmem>> -> memref<1x64x128xf32, #tpu.memory_space<vmem>>
      %scatter3A_567 = tpu.memref_squeeze %scatter3A_566 : memref<1x64x128xf32, #tpu.memory_space<vmem>> -> memref<64x128xf32, #tpu.memory_space<vmem>>
      tpu.vector_store_idx %scatter3A_567[%add3A_563, %broadcast_in_dim3A_551], %gather3A_560 : memref<64x128xf32, #tpu.memory_space<vmem>>[vector<16xi32>, vector<16xi32>], vector<16xf32>,
      %add3A_568 = arith.constant 16 : i32
      %add3A_569 = vector.broadcast %add3A_568 : i32 to vector<16xi32>
      %add3A_570 = arith.addi %iota3A, %add3A_569 : vector<16xi32>
      %gather3A_571 = arith.constant 4 : i32
      %gather3A_572 = arith.constant 0 : i32
      %gather3A_573 = arith.constant 0 : i32
      %gather3A_574 = tpu.memref_slice %arg6[%gather3A_571, %gather3A_572, %gather3A_573] : memref<8x64x128xf32, #tpu.memory_space<vmem>> -> memref<1x64x128xf32, #tpu.memory_space<vmem>>
      %gather3A_575 = tpu.memref_squeeze %gather3A_574 : memref<1x64x128xf32, #tpu.memory_space<vmem>> -> memref<64x128xf32, #tpu.memory_space<vmem>>
      %gather3A_576 = tpu.vector_load_idx %gather3A_575[%add3A_570, %broadcast_in_dim3A_544] : memref<64x128xf32, #tpu.memory_space<vmem>>[vector<16xi32>, vector<16xi32>], vector<16xf32>,
      %add3A_577 = arith.constant 16 : i32
      %add3A_578 = vector.broadcast %add3A_577 : i32 to vector<16xi32>
      %add3A_579 = arith.addi %iota3A, %add3A_578 : vector<16xi32>
      %scatter3A_580 = arith.constant 0 : i32
      %scatter3A_581 = arith.constant 0 : i32
      %scatter3A_582 = tpu.memref_slice %arg7[%shift_right_logical3A_112, %scatter3A_580, %scatter3A_581] : memref<4x64x128xf32, #tpu.memory_space<vmem>> -> memref<1x64x128xf32, #tpu.memory_space<vmem>>
      %scatter3A_583 = tpu.memref_squeeze %scatter3A_582 : memref<1x64x128xf32, #tpu.memory_space<vmem>> -> memref<64x128xf32, #tpu.memory_space<vmem>>
      tpu.vector_store_idx %scatter3A_583[%add3A_579, %broadcast_in_dim3A_551], %gather3A_576 : memref<64x128xf32, #tpu.memory_space<vmem>>[vector<16xi32>, vector<16xi32>], vector<16xf32>,
      %add3A_584 = arith.constant 32 : i32
      %add3A_585 = vector.broadcast %add3A_584 : i32 to vector<16xi32>
      %add3A_586 = arith.addi %iota3A, %add3A_585 : vector<16xi32>
      %gather3A_587 = arith.constant 4 : i32
      %gather3A_588 = arith.constant 0 : i32
      %gather3A_589 = arith.constant 0 : i32
      %gather3A_590 = tpu.memref_slice %arg6[%gather3A_587, %gather3A_588, %gather3A_589] : memref<8x64x128xf32, #tpu.memory_space<vmem>> -> memref<1x64x128xf32, #tpu.memory_space<vmem>>
      %gather3A_591 = tpu.memref_squeeze %gather3A_590 : memref<1x64x128xf32, #tpu.memory_space<vmem>> -> memref<64x128xf32, #tpu.memory_space<vmem>>
      %gather3A_592 = tpu.vector_load_idx %gather3A_591[%add3A_586, %broadcast_in_dim3A_544] : memref<64x128xf32, #tpu.memory_space<vmem>>[vector<16xi32>, vector<16xi32>], vector<16xf32>,
      %add3A_593 = arith.constant 32 : i32
      %add3A_594 = vector.broadcast %add3A_593 : i32 to vector<16xi32>
      %add3A_595 = arith.addi %iota3A, %add3A_594 : vector<16xi32>
      %scatter3A_596 = arith.constant 0 : i32
      %scatter3A_597 = arith.constant 0 : i32
      %scatter3A_598 = tpu.memref_slice %arg7[%shift_right_logical3A_112, %scatter3A_596, %scatter3A_597] : memref<4x64x128xf32, #tpu.memory_space<vmem>> -> memref<1x64x128xf32, #tpu.memory_space<vmem>>
      %scatter3A_599 = tpu.memref_squeeze %scatter3A_598 : memref<1x64x128xf32, #tpu.memory_space<vmem>> -> memref<64x128xf32, #tpu.memory_space<vmem>>
      tpu.vector_store_idx %scatter3A_599[%add3A_595, %broadcast_in_dim3A_551], %gather3A_592 : memref<64x128xf32, #tpu.memory_space<vmem>>[vector<16xi32>, vector<16xi32>], vector<16xf32>,
      %add3A_600 = arith.constant 48 : i32
      %add3A_601 = vector.broadcast %add3A_600 : i32 to vector<16xi32>
      %add3A_602 = arith.addi %iota3A, %add3A_601 : vector<16xi32>
      %gather3A_603 = arith.constant 4 : i32
      %gather3A_604 = arith.constant 0 : i32
      %gather3A_605 = arith.constant 0 : i32
      %gather3A_606 = tpu.memref_slice %arg6[%gather3A_603, %gather3A_604, %gather3A_605] : memref<8x64x128xf32, #tpu.memory_space<vmem>> -> memref<1x64x128xf32, #tpu.memory_space<vmem>>
      %gather3A_607 = tpu.memref_squeeze %gather3A_606 : memref<1x64x128xf32, #tpu.memory_space<vmem>> -> memref<64x128xf32, #tpu.memory_space<vmem>>
      %gather3A_608 = tpu.vector_load_idx %gather3A_607[%add3A_602, %broadcast_in_dim3A_544] : memref<64x128xf32, #tpu.memory_space<vmem>>[vector<16xi32>, vector<16xi32>], vector<16xf32>,
      %add3A_609 = arith.constant 48 : i32
      %add3A_610 = vector.broadcast %add3A_609 : i32 to vector<16xi32>
      %add3A_611 = arith.addi %iota3A, %add3A_610 : vector<16xi32>
      %scatter3A_612 = arith.constant 0 : i32
      %scatter3A_613 = arith.constant 0 : i32
      %scatter3A_614 = tpu.memref_slice %arg7[%shift_right_logical3A_112, %scatter3A_612, %scatter3A_613] : memref<4x64x128xf32, #tpu.memory_space<vmem>> -> memref<1x64x128xf32, #tpu.memory_space<vmem>>
      %scatter3A_615 = tpu.memref_squeeze %scatter3A_614 : memref<1x64x128xf32, #tpu.memory_space<vmem>> -> memref<64x128xf32, #tpu.memory_space<vmem>>
      tpu.vector_store_idx %scatter3A_615[%add3A_611, %broadcast_in_dim3A_551], %gather3A_608 : memref<64x128xf32, #tpu.memory_space<vmem>>[vector<16xi32>, vector<16xi32>], vector<16xf32>,
      %mul3A_616 = arith.constant 16 : i32
      %mul3A_617 = arith.muli %scan3A_102, %mul3A_616 : i32
      %add3A_618 = arith.constant 5 : i32
      %add3A_619 = arith.addi %mul3A_617, %add3A_618 : i32
      %slice3A_620 = vector.extract_strided_slice %scan3A_103 {offsets = [9], sizes = [1], strides = [1]} : vector<16xi32> to vector<1xi32>
      %squeeze3A_621 = vector.extract %slice3A_620[0] : i32 from vector<1xi32>
      %lt3A_622 = arith.constant 508 : i32
      %lt3A_623 = arith.cmpi slt, %add3A_619, %lt3A_622 : i32
      %convert_element_type3A_624 = arith.extui %lt3A_623 : i1 to i32
      %cond3A_625 = arith.constant 0 : i32
      %cond3A_626 = arith.cmpi ne, %convert_element_type3A_624, %cond3A_625 : i32
      scf.if %cond3A_626 {
        %shift_right_logical3A_1738 = arith.constant 7 : i32
        %shift_right_logical3A_1739 = arith.shrui %squeeze3A_621, %shift_right_logical3A_1738 : i32
        %shift_left3A_1740 = arith.constant 7 : i32
        %shift_left3A_1741 = arith.shli %shift_right_logical3A_1739, %shift_left3A_1740 : i32
        %multiple_of3A_1742 = tpu.assume_multiple %shift_left3A_1741, 128 : i32
        %dma_start3A_1743 = arith.constant 1 : i32
        %dma_start3A_1744 = arith.constant 0 : i32
        %dma_start3A_1745 = arith.constant 0 : i32
        %dma_start3A_1746 = tpu.memref_slice %arg6[%dma_start3A_1743, %dma_start3A_1744, %dma_start3A_1745] : memref<8x64x128xf32, #tpu.memory_space<vmem>> -> memref<1x64x128xf32, #tpu.memory_space<vmem>>
        %dma_start3A_1747 = tpu.memref_squeeze %dma_start3A_1746 : memref<1x64x128xf32, #tpu.memory_space<vmem>> -> memref<64x128xf32, #tpu.memory_space<vmem>>
        %dma_start3A_1748 = arith.constant 0 : i32
        %dma_start3A_1749 = tpu.memref_slice %arg2[%dma_start3A_1748, %multiple_of3A_1742] : memref<64x1000000xf32, #tpu.memory_space<hbm>> -> memref<64x128xf32, #tpu.memory_space<hbm>>
        %dma_start3A_1750 = arith.constant 0 : i32
        %dma_start3A_1751 = arith.constant 0 : i32
        %dma_start3A_1752 = tpu.memref_slice %arg6[%dma_start3A_1743, %dma_start3A_1750, %dma_start3A_1751] : memref<8x64x128xf32, #tpu.memory_space<vmem>> -> memref<1x64x128xf32, #tpu.memory_space<vmem>>
        %dma_start3A_1753 = tpu.memref_squeeze %dma_start3A_1752 : memref<1x64x128xf32, #tpu.memory_space<vmem>> -> memref<64x128xf32, #tpu.memory_space<vmem>>
        %dma_start3A_1754 = arith.constant 0 : i32
        %dma_start3A_1755 = tpu.memref_slice %arg2[%dma_start3A_1754, %multiple_of3A_1742] : memref<64x1000000xf32, #tpu.memory_space<hbm>> -> memref<64x128xf32, #tpu.memory_space<hbm>>
        tpu.enqueue_dma source(%dma_start3A_1755 : memref<64x128xf32, #tpu.memory_space<hbm>>) target(%dma_start3A_1753 : memref<64x128xf32, #tpu.memory_space<vmem>>) target_semaphore(%arg8 : memref<!tpu.dma_semaphore, #tpu.memory_space<semaphore_mem>>)
      } else {
      }
      %dma_wait3A_627 = arith.constant 0 : i32
      %dma_wait3A_628 = arith.constant 0 : i32
      %dma_wait3A_629 = arith.constant 0 : i32
      %dma_wait3A_630 = tpu.memref_slice %arg6[%dma_wait3A_627, %dma_wait3A_628, %dma_wait3A_629] : memref<8x64x128xf32, #tpu.memory_space<vmem>> -> memref<1x64x128xf32, #tpu.memory_space<vmem>>
      %dma_wait3A_631 = tpu.memref_squeeze %dma_wait3A_630 : memref<1x64x128xf32, #tpu.memory_space<vmem>> -> memref<64x128xf32, #tpu.memory_space<vmem>>
      %dma_wait3A_632 = arith.constant 0 : i32
      %dma_wait3A_633 = arith.constant 0 : i32
      %dma_wait3A_634 = tpu.memref_slice %arg2[%dma_wait3A_632, %dma_wait3A_633] : memref<64x1000000xf32, #tpu.memory_space<hbm>> -> memref<64x128xf32, #tpu.memory_space<hbm>>
      %dma_wait3A_635 = arith.constant 0 : i32
      %dma_wait3A_636 = arith.constant 0 : i32
      %dma_wait3A_637 = tpu.memref_slice %arg6[%dma_wait3A_627, %dma_wait3A_635, %dma_wait3A_636] : memref<8x64x128xf32, #tpu.memory_space<vmem>> -> memref<1x64x128xf32, #tpu.memory_space<vmem>>
      %dma_wait3A_638 = tpu.memref_squeeze %dma_wait3A_637 : memref<1x64x128xf32, #tpu.memory_space<vmem>> -> memref<64x128xf32, #tpu.memory_space<vmem>>
      %dma_wait3A_639 = arith.constant 0 : i32
      %dma_wait3A_640 = arith.constant 0 : i32
      %dma_wait3A_641 = tpu.memref_slice %arg2[%dma_wait3A_639, %dma_wait3A_640] : memref<64x1000000xf32, #tpu.memory_space<hbm>> -> memref<64x128xf32, #tpu.memory_space<hbm>>
      tpu.wait_dma2 semaphore(%arg8 : memref<!tpu.dma_semaphore, #tpu.memory_space<semaphore_mem>>) src(%dma_wait3A_641 : memref<64x128xf32, #tpu.memory_space<hbm>>) dst(%dma_wait3A_638 : memref<64x128xf32, #tpu.memory_space<vmem>>)
      %slice3A_642 = vector.extract_strided_slice %scan3A_103 {offsets = [5], sizes = [1], strides = [1]} : vector<16xi32> to vector<1xi32>
      %squeeze3A_643 = vector.extract %slice3A_642[0] : i32 from vector<1xi32>
      %and3A_644 = arith.constant 127 : i32
      %and3A_645 = arith.andi %squeeze3A_643, %and3A_644 : i32
      %broadcast_in_dim3A_646 = vector.broadcast %and3A_645 : i32 to vector<16xi32>
      %and3A_647 = arith.constant 7 : i32
      %and3A_648 = arith.andi %scan3A_102, %and3A_647 : i32
      %mul3A_649 = arith.constant 16 : i32
      %mul3A_650 = arith.muli %and3A_648, %mul3A_649 : i32
      %add3A_651 = arith.constant 5 : i32
      %add3A_652 = arith.addi %mul3A_650, %add3A_651 : i32
      %broadcast_in_dim3A_653 = vector.broadcast %add3A_652 : i32 to vector<16xi32>
      %add3A_654 = arith.constant 0 : i32
      %add3A_655 = vector.broadcast %add3A_654 : i32 to vector<16xi32>
      %add3A_656 = arith.addi %iota3A, %add3A_655 : vector<16xi32>
      %gather3A_657 = arith.constant 5 : i32
      %gather3A_658 = arith.constant 0 : i32
      %gather3A_659 = arith.constant 0 : i32
      %gather3A_660 = tpu.memref_slice %arg6[%gather3A_657, %gather3A_658, %gather3A_659] : memref<8x64x128xf32, #tpu.memory_space<vmem>> -> memref<1x64x128xf32, #tpu.memory_space<vmem>>
      %gather3A_661 = tpu.memref_squeeze %gather3A_660 : memref<1x64x128xf32, #tpu.memory_space<vmem>> -> memref<64x128xf32, #tpu.memory_space<vmem>>
      %gather3A_662 = tpu.vector_load_idx %gather3A_661[%add3A_656, %broadcast_in_dim3A_646] : memref<64x128xf32, #tpu.memory_space<vmem>>[vector<16xi32>, vector<16xi32>], vector<16xf32>,
      %add3A_663 = arith.constant 0 : i32
      %add3A_664 = vector.broadcast %add3A_663 : i32 to vector<16xi32>
      %add3A_665 = arith.addi %iota3A, %add3A_664 : vector<16xi32>
      %scatter3A_666 = arith.constant 0 : i32
      %scatter3A_667 = arith.constant 0 : i32
      %scatter3A_668 = tpu.memref_slice %arg7[%shift_right_logical3A_112, %scatter3A_666, %scatter3A_667] : memref<4x64x128xf32, #tpu.memory_space<vmem>> -> memref<1x64x128xf32, #tpu.memory_space<vmem>>
      %scatter3A_669 = tpu.memref_squeeze %scatter3A_668 : memref<1x64x128xf32, #tpu.memory_space<vmem>> -> memref<64x128xf32, #tpu.memory_space<vmem>>
      tpu.vector_store_idx %scatter3A_669[%add3A_665, %broadcast_in_dim3A_653], %gather3A_662 : memref<64x128xf32, #tpu.memory_space<vmem>>[vector<16xi32>, vector<16xi32>], vector<16xf32>,
      %add3A_670 = arith.constant 16 : i32
      %add3A_671 = vector.broadcast %add3A_670 : i32 to vector<16xi32>
      %add3A_672 = arith.addi %iota3A, %add3A_671 : vector<16xi32>
      %gather3A_673 = arith.constant 5 : i32
      %gather3A_674 = arith.constant 0 : i32
      %gather3A_675 = arith.constant 0 : i32
      %gather3A_676 = tpu.memref_slice %arg6[%gather3A_673, %gather3A_674, %gather3A_675] : memref<8x64x128xf32, #tpu.memory_space<vmem>> -> memref<1x64x128xf32, #tpu.memory_space<vmem>>
      %gather3A_677 = tpu.memref_squeeze %gather3A_676 : memref<1x64x128xf32, #tpu.memory_space<vmem>> -> memref<64x128xf32, #tpu.memory_space<vmem>>
      %gather3A_678 = tpu.vector_load_idx %gather3A_677[%add3A_672, %broadcast_in_dim3A_646] : memref<64x128xf32, #tpu.memory_space<vmem>>[vector<16xi32>, vector<16xi32>], vector<16xf32>,
      %add3A_679 = arith.constant 16 : i32
      %add3A_680 = vector.broadcast %add3A_679 : i32 to vector<16xi32>
      %add3A_681 = arith.addi %iota3A, %add3A_680 : vector<16xi32>
      %scatter3A_682 = arith.constant 0 : i32
      %scatter3A_683 = arith.constant 0 : i32
      %scatter3A_684 = tpu.memref_slice %arg7[%shift_right_logical3A_112, %scatter3A_682, %scatter3A_683] : memref<4x64x128xf32, #tpu.memory_space<vmem>> -> memref<1x64x128xf32, #tpu.memory_space<vmem>>
      %scatter3A_685 = tpu.memref_squeeze %scatter3A_684 : memref<1x64x128xf32, #tpu.memory_space<vmem>> -> memref<64x128xf32, #tpu.memory_space<vmem>>
      tpu.vector_store_idx %scatter3A_685[%add3A_681, %broadcast_in_dim3A_653], %gather3A_678 : memref<64x128xf32, #tpu.memory_space<vmem>>[vector<16xi32>, vector<16xi32>], vector<16xf32>,
      %add3A_686 = arith.constant 32 : i32
      %add3A_687 = vector.broadcast %add3A_686 : i32 to vector<16xi32>
      %add3A_688 = arith.addi %iota3A, %add3A_687 : vector<16xi32>
      %gather3A_689 = arith.constant 5 : i32
      %gather3A_690 = arith.constant 0 : i32
      %gather3A_691 = arith.constant 0 : i32
      %gather3A_692 = tpu.memref_slice %arg6[%gather3A_689, %gather3A_690, %gather3A_691] : memref<8x64x128xf32, #tpu.memory_space<vmem>> -> memref<1x64x128xf32, #tpu.memory_space<vmem>>
      %gather3A_693 = tpu.memref_squeeze %gather3A_692 : memref<1x64x128xf32, #tpu.memory_space<vmem>> -> memref<64x128xf32, #tpu.memory_space<vmem>>
      %gather3A_694 = tpu.vector_load_idx %gather3A_693[%add3A_688, %broadcast_in_dim3A_646] : memref<64x128xf32, #tpu.memory_space<vmem>>[vector<16xi32>, vector<16xi32>], vector<16xf32>,
      %add3A_695 = arith.constant 32 : i32
      %add3A_696 = vector.broadcast %add3A_695 : i32 to vector<16xi32>
      %add3A_697 = arith.addi %iota3A, %add3A_696 : vector<16xi32>
      %scatter3A_698 = arith.constant 0 : i32
      %scatter3A_699 = arith.constant 0 : i32
      %scatter3A_700 = tpu.memref_slice %arg7[%shift_right_logical3A_112, %scatter3A_698, %scatter3A_699] : memref<4x64x128xf32, #tpu.memory_space<vmem>> -> memref<1x64x128xf32, #tpu.memory_space<vmem>>
      %scatter3A_701 = tpu.memref_squeeze %scatter3A_700 : memref<1x64x128xf32, #tpu.memory_space<vmem>> -> memref<64x128xf32, #tpu.memory_space<vmem>>
      tpu.vector_store_idx %scatter3A_701[%add3A_697, %broadcast_in_dim3A_653], %gather3A_694 : memref<64x128xf32, #tpu.memory_space<vmem>>[vector<16xi32>, vector<16xi32>], vector<16xf32>,
      %add3A_702 = arith.constant 48 : i32
      %add3A_703 = vector.broadcast %add3A_702 : i32 to vector<16xi32>
      %add3A_704 = arith.addi %iota3A, %add3A_703 : vector<16xi32>
      %gather3A_705 = arith.constant 5 : i32
      %gather3A_706 = arith.constant 0 : i32
      %gather3A_707 = arith.constant 0 : i32
      %gather3A_708 = tpu.memref_slice %arg6[%gather3A_705, %gather3A_706, %gather3A_707] : memref<8x64x128xf32, #tpu.memory_space<vmem>> -> memref<1x64x128xf32, #tpu.memory_space<vmem>>
      %gather3A_709 = tpu.memref_squeeze %gather3A_708 : memref<1x64x128xf32, #tpu.memory_space<vmem>> -> memref<64x128xf32, #tpu.memory_space<vmem>>
      %gather3A_710 = tpu.vector_load_idx %gather3A_709[%add3A_704, %broadcast_in_dim3A_646] : memref<64x128xf32, #tpu.memory_space<vmem>>[vector<16xi32>, vector<16xi32>], vector<16xf32>,
      %add3A_711 = arith.constant 48 : i32
      %add3A_712 = vector.broadcast %add3A_711 : i32 to vector<16xi32>
      %add3A_713 = arith.addi %iota3A, %add3A_712 : vector<16xi32>
      %scatter3A_714 = arith.constant 0 : i32
      %scatter3A_715 = arith.constant 0 : i32
      %scatter3A_716 = tpu.memref_slice %arg7[%shift_right_logical3A_112, %scatter3A_714, %scatter3A_715] : memref<4x64x128xf32, #tpu.memory_space<vmem>> -> memref<1x64x128xf32, #tpu.memory_space<vmem>>
      %scatter3A_717 = tpu.memref_squeeze %scatter3A_716 : memref<1x64x128xf32, #tpu.memory_space<vmem>> -> memref<64x128xf32, #tpu.memory_space<vmem>>
      tpu.vector_store_idx %scatter3A_717[%add3A_713, %broadcast_in_dim3A_653], %gather3A_710 : memref<64x128xf32, #tpu.memory_space<vmem>>[vector<16xi32>, vector<16xi32>], vector<16xf32>,
      %mul3A_718 = arith.constant 16 : i32
      %mul3A_719 = arith.muli %scan3A_102, %mul3A_718 : i32
      %add3A_720 = arith.constant 6 : i32
      %add3A_721 = arith.addi %mul3A_719, %add3A_720 : i32
      %slice3A_722 = vector.extract_strided_slice %scan3A_103 {offsets = [10], sizes = [1], strides = [1]} : vector<16xi32> to vector<1xi32>
      %squeeze3A_723 = vector.extract %slice3A_722[0] : i32 from vector<1xi32>
      %lt3A_724 = arith.constant 508 : i32
      %lt3A_725 = arith.cmpi slt, %add3A_721, %lt3A_724 : i32
      %convert_element_type3A_726 = arith.extui %lt3A_725 : i1 to i32
      %cond3A_727 = arith.constant 0 : i32
      %cond3A_728 = arith.cmpi ne, %convert_element_type3A_726, %cond3A_727 : i32
      scf.if %cond3A_728 {
        %shift_right_logical3A_1738 = arith.constant 7 : i32
        %shift_right_logical3A_1739 = arith.shrui %squeeze3A_723, %shift_right_logical3A_1738 : i32
        %shift_left3A_1740 = arith.constant 7 : i32
        %shift_left3A_1741 = arith.shli %shift_right_logical3A_1739, %shift_left3A_1740 : i32
        %multiple_of3A_1742 = tpu.assume_multiple %shift_left3A_1741, 128 : i32
        %dma_start3A_1743 = arith.constant 2 : i32
        %dma_start3A_1744 = arith.constant 0 : i32
        %dma_start3A_1745 = arith.constant 0 : i32
        %dma_start3A_1746 = tpu.memref_slice %arg6[%dma_start3A_1743, %dma_start3A_1744, %dma_start3A_1745] : memref<8x64x128xf32, #tpu.memory_space<vmem>> -> memref<1x64x128xf32, #tpu.memory_space<vmem>>
        %dma_start3A_1747 = tpu.memref_squeeze %dma_start3A_1746 : memref<1x64x128xf32, #tpu.memory_space<vmem>> -> memref<64x128xf32, #tpu.memory_space<vmem>>
        %dma_start3A_1748 = arith.constant 0 : i32
        %dma_start3A_1749 = tpu.memref_slice %arg2[%dma_start3A_1748, %multiple_of3A_1742] : memref<64x1000000xf32, #tpu.memory_space<hbm>> -> memref<64x128xf32, #tpu.memory_space<hbm>>
        %dma_start3A_1750 = arith.constant 0 : i32
        %dma_start3A_1751 = arith.constant 0 : i32
        %dma_start3A_1752 = tpu.memref_slice %arg6[%dma_start3A_1743, %dma_start3A_1750, %dma_start3A_1751] : memref<8x64x128xf32, #tpu.memory_space<vmem>> -> memref<1x64x128xf32, #tpu.memory_space<vmem>>
        %dma_start3A_1753 = tpu.memref_squeeze %dma_start3A_1752 : memref<1x64x128xf32, #tpu.memory_space<vmem>> -> memref<64x128xf32, #tpu.memory_space<vmem>>
        %dma_start3A_1754 = arith.constant 0 : i32
        %dma_start3A_1755 = tpu.memref_slice %arg2[%dma_start3A_1754, %multiple_of3A_1742] : memref<64x1000000xf32, #tpu.memory_space<hbm>> -> memref<64x128xf32, #tpu.memory_space<hbm>>
        tpu.enqueue_dma source(%dma_start3A_1755 : memref<64x128xf32, #tpu.memory_space<hbm>>) target(%dma_start3A_1753 : memref<64x128xf32, #tpu.memory_space<vmem>>) target_semaphore(%arg8 : memref<!tpu.dma_semaphore, #tpu.memory_space<semaphore_mem>>)
      } else {
      }
      %dma_wait3A_729 = arith.constant 0 : i32
      %dma_wait3A_730 = arith.constant 0 : i32
      %dma_wait3A_731 = arith.constant 0 : i32
      %dma_wait3A_732 = tpu.memref_slice %arg6[%dma_wait3A_729, %dma_wait3A_730, %dma_wait3A_731] : memref<8x64x128xf32, #tpu.memory_space<vmem>> -> memref<1x64x128xf32, #tpu.memory_space<vmem>>
      %dma_wait3A_733 = tpu.memref_squeeze %dma_wait3A_732 : memref<1x64x128xf32, #tpu.memory_space<vmem>> -> memref<64x128xf32, #tpu.memory_space<vmem>>
      %dma_wait3A_734 = arith.constant 0 : i32
      %dma_wait3A_735 = arith.constant 0 : i32
      %dma_wait3A_736 = tpu.memref_slice %arg2[%dma_wait3A_734, %dma_wait3A_735] : memref<64x1000000xf32, #tpu.memory_space<hbm>> -> memref<64x128xf32, #tpu.memory_space<hbm>>
      %dma_wait3A_737 = arith.constant 0 : i32
      %dma_wait3A_738 = arith.constant 0 : i32
      %dma_wait3A_739 = tpu.memref_slice %arg6[%dma_wait3A_729, %dma_wait3A_737, %dma_wait3A_738] : memref<8x64x128xf32, #tpu.memory_space<vmem>> -> memref<1x64x128xf32, #tpu.memory_space<vmem>>
      %dma_wait3A_740 = tpu.memref_squeeze %dma_wait3A_739 : memref<1x64x128xf32, #tpu.memory_space<vmem>> -> memref<64x128xf32, #tpu.memory_space<vmem>>
      %dma_wait3A_741 = arith.constant 0 : i32
      %dma_wait3A_742 = arith.constant 0 : i32
      %dma_wait3A_743 = tpu.memref_slice %arg2[%dma_wait3A_741, %dma_wait3A_742] : memref<64x1000000xf32, #tpu.memory_space<hbm>> -> memref<64x128xf32, #tpu.memory_space<hbm>>
      tpu.wait_dma2 semaphore(%arg8 : memref<!tpu.dma_semaphore, #tpu.memory_space<semaphore_mem>>) src(%dma_wait3A_743 : memref<64x128xf32, #tpu.memory_space<hbm>>) dst(%dma_wait3A_740 : memref<64x128xf32, #tpu.memory_space<vmem>>)
      %slice3A_744 = vector.extract_strided_slice %scan3A_103 {offsets = [6], sizes = [1], strides = [1]} : vector<16xi32> to vector<1xi32>
      %squeeze3A_745 = vector.extract %slice3A_744[0] : i32 from vector<1xi32>
      %and3A_746 = arith.constant 127 : i32
      %and3A_747 = arith.andi %squeeze3A_745, %and3A_746 : i32
      %broadcast_in_dim3A_748 = vector.broadcast %and3A_747 : i32 to vector<16xi32>
      %and3A_749 = arith.constant 7 : i32
      %and3A_750 = arith.andi %scan3A_102, %and3A_749 : i32
      %mul3A_751 = arith.constant 16 : i32
      %mul3A_752 = arith.muli %and3A_750, %mul3A_751 : i32
      %add3A_753 = arith.constant 6 : i32
      %add3A_754 = arith.addi %mul3A_752, %add3A_753 : i32
      %broadcast_in_dim3A_755 = vector.broadcast %add3A_754 : i32 to vector<16xi32>
      %add3A_756 = arith.constant 0 : i32
      %add3A_757 = vector.broadcast %add3A_756 : i32 to vector<16xi32>
      %add3A_758 = arith.addi %iota3A, %add3A_757 : vector<16xi32>
      %gather3A_759 = arith.constant 6 : i32
      %gather3A_760 = arith.constant 0 : i32
      %gather3A_761 = arith.constant 0 : i32
      %gather3A_762 = tpu.memref_slice %arg6[%gather3A_759, %gather3A_760, %gather3A_761] : memref<8x64x128xf32, #tpu.memory_space<vmem>> -> memref<1x64x128xf32, #tpu.memory_space<vmem>>
      %gather3A_763 = tpu.memref_squeeze %gather3A_762 : memref<1x64x128xf32, #tpu.memory_space<vmem>> -> memref<64x128xf32, #tpu.memory_space<vmem>>
      %gather3A_764 = tpu.vector_load_idx %gather3A_763[%add3A_758, %broadcast_in_dim3A_748] : memref<64x128xf32, #tpu.memory_space<vmem>>[vector<16xi32>, vector<16xi32>], vector<16xf32>,
      %add3A_765 = arith.constant 0 : i32
      %add3A_766 = vector.broadcast %add3A_765 : i32 to vector<16xi32>
      %add3A_767 = arith.addi %iota3A, %add3A_766 : vector<16xi32>
      %scatter3A_768 = arith.constant 0 : i32
      %scatter3A_769 = arith.constant 0 : i32
      %scatter3A_770 = tpu.memref_slice %arg7[%shift_right_logical3A_112, %scatter3A_768, %scatter3A_769] : memref<4x64x128xf32, #tpu.memory_space<vmem>> -> memref<1x64x128xf32, #tpu.memory_space<vmem>>
      %scatter3A_771 = tpu.memref_squeeze %scatter3A_770 : memref<1x64x128xf32, #tpu.memory_space<vmem>> -> memref<64x128xf32, #tpu.memory_space<vmem>>
      tpu.vector_store_idx %scatter3A_771[%add3A_767, %broadcast_in_dim3A_755], %gather3A_764 : memref<64x128xf32, #tpu.memory_space<vmem>>[vector<16xi32>, vector<16xi32>], vector<16xf32>,
      %add3A_772 = arith.constant 16 : i32
      %add3A_773 = vector.broadcast %add3A_772 : i32 to vector<16xi32>
      %add3A_774 = arith.addi %iota3A, %add3A_773 : vector<16xi32>
      %gather3A_775 = arith.constant 6 : i32
      %gather3A_776 = arith.constant 0 : i32
      %gather3A_777 = arith.constant 0 : i32
      %gather3A_778 = tpu.memref_slice %arg6[%gather3A_775, %gather3A_776, %gather3A_777] : memref<8x64x128xf32, #tpu.memory_space<vmem>> -> memref<1x64x128xf32, #tpu.memory_space<vmem>>
      %gather3A_779 = tpu.memref_squeeze %gather3A_778 : memref<1x64x128xf32, #tpu.memory_space<vmem>> -> memref<64x128xf32, #tpu.memory_space<vmem>>
      %gather3A_780 = tpu.vector_load_idx %gather3A_779[%add3A_774, %broadcast_in_dim3A_748] : memref<64x128xf32, #tpu.memory_space<vmem>>[vector<16xi32>, vector<16xi32>], vector<16xf32>,
      %add3A_781 = arith.constant 16 : i32
      %add3A_782 = vector.broadcast %add3A_781 : i32 to vector<16xi32>
      %add3A_783 = arith.addi %iota3A, %add3A_782 : vector<16xi32>
      %scatter3A_784 = arith.constant 0 : i32
      %scatter3A_785 = arith.constant 0 : i32
      %scatter3A_786 = tpu.memref_slice %arg7[%shift_right_logical3A_112, %scatter3A_784, %scatter3A_785] : memref<4x64x128xf32, #tpu.memory_space<vmem>> -> memref<1x64x128xf32, #tpu.memory_space<vmem>>
      %scatter3A_787 = tpu.memref_squeeze %scatter3A_786 : memref<1x64x128xf32, #tpu.memory_space<vmem>> -> memref<64x128xf32, #tpu.memory_space<vmem>>
      tpu.vector_store_idx %scatter3A_787[%add3A_783, %broadcast_in_dim3A_755], %gather3A_780 : memref<64x128xf32, #tpu.memory_space<vmem>>[vector<16xi32>, vector<16xi32>], vector<16xf32>,
      %add3A_788 = arith.constant 32 : i32
      %add3A_789 = vector.broadcast %add3A_788 : i32 to vector<16xi32>
      %add3A_790 = arith.addi %iota3A, %add3A_789 : vector<16xi32>
      %gather3A_791 = arith.constant 6 : i32
      %gather3A_792 = arith.constant 0 : i32
      %gather3A_793 = arith.constant 0 : i32
      %gather3A_794 = tpu.memref_slice %arg6[%gather3A_791, %gather3A_792, %gather3A_793] : memref<8x64x128xf32, #tpu.memory_space<vmem>> -> memref<1x64x128xf32, #tpu.memory_space<vmem>>
      %gather3A_795 = tpu.memref_squeeze %gather3A_794 : memref<1x64x128xf32, #tpu.memory_space<vmem>> -> memref<64x128xf32, #tpu.memory_space<vmem>>
      %gather3A_796 = tpu.vector_load_idx %gather3A_795[%add3A_790, %broadcast_in_dim3A_748] : memref<64x128xf32, #tpu.memory_space<vmem>>[vector<16xi32>, vector<16xi32>], vector<16xf32>,
      %add3A_797 = arith.constant 32 : i32
      %add3A_798 = vector.broadcast %add3A_797 : i32 to vector<16xi32>
      %add3A_799 = arith.addi %iota3A, %add3A_798 : vector<16xi32>
      %scatter3A_800 = arith.constant 0 : i32
      %scatter3A_801 = arith.constant 0 : i32
      %scatter3A_802 = tpu.memref_slice %arg7[%shift_right_logical3A_112, %scatter3A_800, %scatter3A_801] : memref<4x64x128xf32, #tpu.memory_space<vmem>> -> memref<1x64x128xf32, #tpu.memory_space<vmem>>
      %scatter3A_803 = tpu.memref_squeeze %scatter3A_802 : memref<1x64x128xf32, #tpu.memory_space<vmem>> -> memref<64x128xf32, #tpu.memory_space<vmem>>
      tpu.vector_store_idx %scatter3A_803[%add3A_799, %broadcast_in_dim3A_755], %gather3A_796 : memref<64x128xf32, #tpu.memory_space<vmem>>[vector<16xi32>, vector<16xi32>], vector<16xf32>,
      %add3A_804 = arith.constant 48 : i32
      %add3A_805 = vector.broadcast %add3A_804 : i32 to vector<16xi32>
      %add3A_806 = arith.addi %iota3A, %add3A_805 : vector<16xi32>
      %gather3A_807 = arith.constant 6 : i32
      %gather3A_808 = arith.constant 0 : i32
      %gather3A_809 = arith.constant 0 : i32
      %gather3A_810 = tpu.memref_slice %arg6[%gather3A_807, %gather3A_808, %gather3A_809] : memref<8x64x128xf32, #tpu.memory_space<vmem>> -> memref<1x64x128xf32, #tpu.memory_space<vmem>>
      %gather3A_811 = tpu.memref_squeeze %gather3A_810 : memref<1x64x128xf32, #tpu.memory_space<vmem>> -> memref<64x128xf32, #tpu.memory_space<vmem>>
      %gather3A_812 = tpu.vector_load_idx %gather3A_811[%add3A_806, %broadcast_in_dim3A_748] : memref<64x128xf32, #tpu.memory_space<vmem>>[vector<16xi32>, vector<16xi32>], vector<16xf32>,
      %add3A_813 = arith.constant 48 : i32
      %add3A_814 = vector.broadcast %add3A_813 : i32 to vector<16xi32>
      %add3A_815 = arith.addi %iota3A, %add3A_814 : vector<16xi32>
      %scatter3A_816 = arith.constant 0 : i32
      %scatter3A_817 = arith.constant 0 : i32
      %scatter3A_818 = tpu.memref_slice %arg7[%shift_right_logical3A_112, %scatter3A_816, %scatter3A_817] : memref<4x64x128xf32, #tpu.memory_space<vmem>> -> memref<1x64x128xf32, #tpu.memory_space<vmem>>
      %scatter3A_819 = tpu.memref_squeeze %scatter3A_818 : memref<1x64x128xf32, #tpu.memory_space<vmem>> -> memref<64x128xf32, #tpu.memory_space<vmem>>
      tpu.vector_store_idx %scatter3A_819[%add3A_815, %broadcast_in_dim3A_755], %gather3A_812 : memref<64x128xf32, #tpu.memory_space<vmem>>[vector<16xi32>, vector<16xi32>], vector<16xf32>,
      %mul3A_820 = arith.constant 16 : i32
      %mul3A_821 = arith.muli %scan3A_102, %mul3A_820 : i32
      %add3A_822 = arith.constant 7 : i32
      %add3A_823 = arith.addi %mul3A_821, %add3A_822 : i32
      %slice3A_824 = vector.extract_strided_slice %scan3A_103 {offsets = [11], sizes = [1], strides = [1]} : vector<16xi32> to vector<1xi32>
      %squeeze3A_825 = vector.extract %slice3A_824[0] : i32 from vector<1xi32>
      %lt3A_826 = arith.constant 508 : i32
      %lt3A_827 = arith.cmpi slt, %add3A_823, %lt3A_826 : i32
      %convert_element_type3A_828 = arith.extui %lt3A_827 : i1 to i32
      %cond3A_829 = arith.constant 0 : i32
      %cond3A_830 = arith.cmpi ne, %convert_element_type3A_828, %cond3A_829 : i32
      scf.if %cond3A_830 {
        %shift_right_logical3A_1738 = arith.constant 7 : i32
        %shift_right_logical3A_1739 = arith.shrui %squeeze3A_825, %shift_right_logical3A_1738 : i32
        %shift_left3A_1740 = arith.constant 7 : i32
        %shift_left3A_1741 = arith.shli %shift_right_logical3A_1739, %shift_left3A_1740 : i32
        %multiple_of3A_1742 = tpu.assume_multiple %shift_left3A_1741, 128 : i32
        %dma_start3A_1743 = arith.constant 3 : i32
        %dma_start3A_1744 = arith.constant 0 : i32
        %dma_start3A_1745 = arith.constant 0 : i32
        %dma_start3A_1746 = tpu.memref_slice %arg6[%dma_start3A_1743, %dma_start3A_1744, %dma_start3A_1745] : memref<8x64x128xf32, #tpu.memory_space<vmem>> -> memref<1x64x128xf32, #tpu.memory_space<vmem>>
        %dma_start3A_1747 = tpu.memref_squeeze %dma_start3A_1746 : memref<1x64x128xf32, #tpu.memory_space<vmem>> -> memref<64x128xf32, #tpu.memory_space<vmem>>
        %dma_start3A_1748 = arith.constant 0 : i32
        %dma_start3A_1749 = tpu.memref_slice %arg2[%dma_start3A_1748, %multiple_of3A_1742] : memref<64x1000000xf32, #tpu.memory_space<hbm>> -> memref<64x128xf32, #tpu.memory_space<hbm>>
        %dma_start3A_1750 = arith.constant 0 : i32
        %dma_start3A_1751 = arith.constant 0 : i32
        %dma_start3A_1752 = tpu.memref_slice %arg6[%dma_start3A_1743, %dma_start3A_1750, %dma_start3A_1751] : memref<8x64x128xf32, #tpu.memory_space<vmem>> -> memref<1x64x128xf32, #tpu.memory_space<vmem>>
        %dma_start3A_1753 = tpu.memref_squeeze %dma_start3A_1752 : memref<1x64x128xf32, #tpu.memory_space<vmem>> -> memref<64x128xf32, #tpu.memory_space<vmem>>
        %dma_start3A_1754 = arith.constant 0 : i32
        %dma_start3A_1755 = tpu.memref_slice %arg2[%dma_start3A_1754, %multiple_of3A_1742] : memref<64x1000000xf32, #tpu.memory_space<hbm>> -> memref<64x128xf32, #tpu.memory_space<hbm>>
        tpu.enqueue_dma source(%dma_start3A_1755 : memref<64x128xf32, #tpu.memory_space<hbm>>) target(%dma_start3A_1753 : memref<64x128xf32, #tpu.memory_space<vmem>>) target_semaphore(%arg8 : memref<!tpu.dma_semaphore, #tpu.memory_space<semaphore_mem>>)
      } else {
      }
      %dma_wait3A_831 = arith.constant 0 : i32
      %dma_wait3A_832 = arith.constant 0 : i32
      %dma_wait3A_833 = arith.constant 0 : i32
      %dma_wait3A_834 = tpu.memref_slice %arg6[%dma_wait3A_831, %dma_wait3A_832, %dma_wait3A_833] : memref<8x64x128xf32, #tpu.memory_space<vmem>> -> memref<1x64x128xf32, #tpu.memory_space<vmem>>
      %dma_wait3A_835 = tpu.memref_squeeze %dma_wait3A_834 : memref<1x64x128xf32, #tpu.memory_space<vmem>> -> memref<64x128xf32, #tpu.memory_space<vmem>>
      %dma_wait3A_836 = arith.constant 0 : i32
      %dma_wait3A_837 = arith.constant 0 : i32
      %dma_wait3A_838 = tpu.memref_slice %arg2[%dma_wait3A_836, %dma_wait3A_837] : memref<64x1000000xf32, #tpu.memory_space<hbm>> -> memref<64x128xf32, #tpu.memory_space<hbm>>
      %dma_wait3A_839 = arith.constant 0 : i32
      %dma_wait3A_840 = arith.constant 0 : i32
      %dma_wait3A_841 = tpu.memref_slice %arg6[%dma_wait3A_831, %dma_wait3A_839, %dma_wait3A_840] : memref<8x64x128xf32, #tpu.memory_space<vmem>> -> memref<1x64x128xf32, #tpu.memory_space<vmem>>
      %dma_wait3A_842 = tpu.memref_squeeze %dma_wait3A_841 : memref<1x64x128xf32, #tpu.memory_space<vmem>> -> memref<64x128xf32, #tpu.memory_space<vmem>>
      %dma_wait3A_843 = arith.constant 0 : i32
      %dma_wait3A_844 = arith.constant 0 : i32
      %dma_wait3A_845 = tpu.memref_slice %arg2[%dma_wait3A_843, %dma_wait3A_844] : memref<64x1000000xf32, #tpu.memory_space<hbm>> -> memref<64x128xf32, #tpu.memory_space<hbm>>
      tpu.wait_dma2 semaphore(%arg8 : memref<!tpu.dma_semaphore, #tpu.memory_space<semaphore_mem>>) src(%dma_wait3A_845 : memref<64x128xf32, #tpu.memory_space<hbm>>) dst(%dma_wait3A_842 : memref<64x128xf32, #tpu.memory_space<vmem>>)
      %slice3A_846 = vector.extract_strided_slice %scan3A_103 {offsets = [7], sizes = [1], strides = [1]} : vector<16xi32> to vector<1xi32>
      %squeeze3A_847 = vector.extract %slice3A_846[0] : i32 from vector<1xi32>
      %and3A_848 = arith.constant 127 : i32
      %and3A_849 = arith.andi %squeeze3A_847, %and3A_848 : i32
      %broadcast_in_dim3A_850 = vector.broadcast %and3A_849 : i32 to vector<16xi32>
      %and3A_851 = arith.constant 7 : i32
      %and3A_852 = arith.andi %scan3A_102, %and3A_851 : i32
      %mul3A_853 = arith.constant 16 : i32
      %mul3A_854 = arith.muli %and3A_852, %mul3A_853 : i32
      %add3A_855 = arith.constant 7 : i32
      %add3A_856 = arith.addi %mul3A_854, %add3A_855 : i32
      %broadcast_in_dim3A_857 = vector.broadcast %add3A_856 : i32 to vector<16xi32>
      %add3A_858 = arith.constant 0 : i32
      %add3A_859 = vector.broadcast %add3A_858 : i32 to vector<16xi32>
      %add3A_860 = arith.addi %iota3A, %add3A_859 : vector<16xi32>
      %gather3A_861 = arith.constant 7 : i32
      %gather3A_862 = arith.constant 0 : i32
      %gather3A_863 = arith.constant 0 : i32
      %gather3A_864 = tpu.memref_slice %arg6[%gather3A_861, %gather3A_862, %gather3A_863] : memref<8x64x128xf32, #tpu.memory_space<vmem>> -> memref<1x64x128xf32, #tpu.memory_space<vmem>>
      %gather3A_865 = tpu.memref_squeeze %gather3A_864 : memref<1x64x128xf32, #tpu.memory_space<vmem>> -> memref<64x128xf32, #tpu.memory_space<vmem>>
      %gather3A_866 = tpu.vector_load_idx %gather3A_865[%add3A_860, %broadcast_in_dim3A_850] : memref<64x128xf32, #tpu.memory_space<vmem>>[vector<16xi32>, vector<16xi32>], vector<16xf32>,
      %add3A_867 = arith.constant 0 : i32
      %add3A_868 = vector.broadcast %add3A_867 : i32 to vector<16xi32>
      %add3A_869 = arith.addi %iota3A, %add3A_868 : vector<16xi32>
      %scatter3A_870 = arith.constant 0 : i32
      %scatter3A_871 = arith.constant 0 : i32
      %scatter3A_872 = tpu.memref_slice %arg7[%shift_right_logical3A_112, %scatter3A_870, %scatter3A_871] : memref<4x64x128xf32, #tpu.memory_space<vmem>> -> memref<1x64x128xf32, #tpu.memory_space<vmem>>
      %scatter3A_873 = tpu.memref_squeeze %scatter3A_872 : memref<1x64x128xf32, #tpu.memory_space<vmem>> -> memref<64x128xf32, #tpu.memory_space<vmem>>
      tpu.vector_store_idx %scatter3A_873[%add3A_869, %broadcast_in_dim3A_857], %gather3A_866 : memref<64x128xf32, #tpu.memory_space<vmem>>[vector<16xi32>, vector<16xi32>], vector<16xf32>,
      %add3A_874 = arith.constant 16 : i32
      %add3A_875 = vector.broadcast %add3A_874 : i32 to vector<16xi32>
      %add3A_876 = arith.addi %iota3A, %add3A_875 : vector<16xi32>
      %gather3A_877 = arith.constant 7 : i32
      %gather3A_878 = arith.constant 0 : i32
      %gather3A_879 = arith.constant 0 : i32
      %gather3A_880 = tpu.memref_slice %arg6[%gather3A_877, %gather3A_878, %gather3A_879] : memref<8x64x128xf32, #tpu.memory_space<vmem>> -> memref<1x64x128xf32, #tpu.memory_space<vmem>>
      %gather3A_881 = tpu.memref_squeeze %gather3A_880 : memref<1x64x128xf32, #tpu.memory_space<vmem>> -> memref<64x128xf32, #tpu.memory_space<vmem>>
      %gather3A_882 = tpu.vector_load_idx %gather3A_881[%add3A_876, %broadcast_in_dim3A_850] : memref<64x128xf32, #tpu.memory_space<vmem>>[vector<16xi32>, vector<16xi32>], vector<16xf32>,
      %add3A_883 = arith.constant 16 : i32
      %add3A_884 = vector.broadcast %add3A_883 : i32 to vector<16xi32>
      %add3A_885 = arith.addi %iota3A, %add3A_884 : vector<16xi32>
      %scatter3A_886 = arith.constant 0 : i32
      %scatter3A_887 = arith.constant 0 : i32
      %scatter3A_888 = tpu.memref_slice %arg7[%shift_right_logical3A_112, %scatter3A_886, %scatter3A_887] : memref<4x64x128xf32, #tpu.memory_space<vmem>> -> memref<1x64x128xf32, #tpu.memory_space<vmem>>
      %scatter3A_889 = tpu.memref_squeeze %scatter3A_888 : memref<1x64x128xf32, #tpu.memory_space<vmem>> -> memref<64x128xf32, #tpu.memory_space<vmem>>
      tpu.vector_store_idx %scatter3A_889[%add3A_885, %broadcast_in_dim3A_857], %gather3A_882 : memref<64x128xf32, #tpu.memory_space<vmem>>[vector<16xi32>, vector<16xi32>], vector<16xf32>,
      %add3A_890 = arith.constant 32 : i32
      %add3A_891 = vector.broadcast %add3A_890 : i32 to vector<16xi32>
      %add3A_892 = arith.addi %iota3A, %add3A_891 : vector<16xi32>
      %gather3A_893 = arith.constant 7 : i32
      %gather3A_894 = arith.constant 0 : i32
      %gather3A_895 = arith.constant 0 : i32
      %gather3A_896 = tpu.memref_slice %arg6[%gather3A_893, %gather3A_894, %gather3A_895] : memref<8x64x128xf32, #tpu.memory_space<vmem>> -> memref<1x64x128xf32, #tpu.memory_space<vmem>>
      %gather3A_897 = tpu.memref_squeeze %gather3A_896 : memref<1x64x128xf32, #tpu.memory_space<vmem>> -> memref<64x128xf32, #tpu.memory_space<vmem>>
      %gather3A_898 = tpu.vector_load_idx %gather3A_897[%add3A_892, %broadcast_in_dim3A_850] : memref<64x128xf32, #tpu.memory_space<vmem>>[vector<16xi32>, vector<16xi32>], vector<16xf32>,
      %add3A_899 = arith.constant 32 : i32
      %add3A_900 = vector.broadcast %add3A_899 : i32 to vector<16xi32>
      %add3A_901 = arith.addi %iota3A, %add3A_900 : vector<16xi32>
      %scatter3A_902 = arith.constant 0 : i32
      %scatter3A_903 = arith.constant 0 : i32
      %scatter3A_904 = tpu.memref_slice %arg7[%shift_right_logical3A_112, %scatter3A_902, %scatter3A_903] : memref<4x64x128xf32, #tpu.memory_space<vmem>> -> memref<1x64x128xf32, #tpu.memory_space<vmem>>
      %scatter3A_905 = tpu.memref_squeeze %scatter3A_904 : memref<1x64x128xf32, #tpu.memory_space<vmem>> -> memref<64x128xf32, #tpu.memory_space<vmem>>
      tpu.vector_store_idx %scatter3A_905[%add3A_901, %broadcast_in_dim3A_857], %gather3A_898 : memref<64x128xf32, #tpu.memory_space<vmem>>[vector<16xi32>, vector<16xi32>], vector<16xf32>,
      %add3A_906 = arith.constant 48 : i32
      %add3A_907 = vector.broadcast %add3A_906 : i32 to vector<16xi32>
      %add3A_908 = arith.addi %iota3A, %add3A_907 : vector<16xi32>
      %gather3A_909 = arith.constant 7 : i32
      %gather3A_910 = arith.constant 0 : i32
      %gather3A_911 = arith.constant 0 : i32
      %gather3A_912 = tpu.memref_slice %arg6[%gather3A_909, %gather3A_910, %gather3A_911] : memref<8x64x128xf32, #tpu.memory_space<vmem>> -> memref<1x64x128xf32, #tpu.memory_space<vmem>>
      %gather3A_913 = tpu.memref_squeeze %gather3A_912 : memref<1x64x128xf32, #tpu.memory_space<vmem>> -> memref<64x128xf32, #tpu.memory_space<vmem>>
      %gather3A_914 = tpu.vector_load_idx %gather3A_913[%add3A_908, %broadcast_in_dim3A_850] : memref<64x128xf32, #tpu.memory_space<vmem>>[vector<16xi32>, vector<16xi32>], vector<16xf32>,
      %add3A_915 = arith.constant 48 : i32
      %add3A_916 = vector.broadcast %add3A_915 : i32 to vector<16xi32>
      %add3A_917 = arith.addi %iota3A, %add3A_916 : vector<16xi32>
      %scatter3A_918 = arith.constant 0 : i32
      %scatter3A_919 = arith.constant 0 : i32
      %scatter3A_920 = tpu.memref_slice %arg7[%shift_right_logical3A_112, %scatter3A_918, %scatter3A_919] : memref<4x64x128xf32, #tpu.memory_space<vmem>> -> memref<1x64x128xf32, #tpu.memory_space<vmem>>
      %scatter3A_921 = tpu.memref_squeeze %scatter3A_920 : memref<1x64x128xf32, #tpu.memory_space<vmem>> -> memref<64x128xf32, #tpu.memory_space<vmem>>
      tpu.vector_store_idx %scatter3A_921[%add3A_917, %broadcast_in_dim3A_857], %gather3A_914 : memref<64x128xf32, #tpu.memory_space<vmem>>[vector<16xi32>, vector<16xi32>], vector<16xf32>,
      %mul3A_922 = arith.constant 16 : i32
      %mul3A_923 = arith.muli %scan3A_102, %mul3A_922 : i32
      %add3A_924 = arith.constant 8 : i32
      %add3A_925 = arith.addi %mul3A_923, %add3A_924 : i32
      %slice3A_926 = vector.extract_strided_slice %scan3A_103 {offsets = [12], sizes = [1], strides = [1]} : vector<16xi32> to vector<1xi32>
      %squeeze3A_927 = vector.extract %slice3A_926[0] : i32 from vector<1xi32>
      %lt3A_928 = arith.constant 508 : i32
      %lt3A_929 = arith.cmpi slt, %add3A_925, %lt3A_928 : i32
      %convert_element_type3A_930 = arith.extui %lt3A_929 : i1 to i32
      %cond3A_931 = arith.constant 0 : i32
      %cond3A_932 = arith.cmpi ne, %convert_element_type3A_930, %cond3A_931 : i32
      scf.if %cond3A_932 {
        %shift_right_logical3A_1738 = arith.constant 7 : i32
        %shift_right_logical3A_1739 = arith.shrui %squeeze3A_927, %shift_right_logical3A_1738 : i32
        %shift_left3A_1740 = arith.constant 7 : i32
        %shift_left3A_1741 = arith.shli %shift_right_logical3A_1739, %shift_left3A_1740 : i32
        %multiple_of3A_1742 = tpu.assume_multiple %shift_left3A_1741, 128 : i32
        %dma_start3A_1743 = arith.constant 4 : i32
        %dma_start3A_1744 = arith.constant 0 : i32
        %dma_start3A_1745 = arith.constant 0 : i32
        %dma_start3A_1746 = tpu.memref_slice %arg6[%dma_start3A_1743, %dma_start3A_1744, %dma_start3A_1745] : memref<8x64x128xf32, #tpu.memory_space<vmem>> -> memref<1x64x128xf32, #tpu.memory_space<vmem>>
        %dma_start3A_1747 = tpu.memref_squeeze %dma_start3A_1746 : memref<1x64x128xf32, #tpu.memory_space<vmem>> -> memref<64x128xf32, #tpu.memory_space<vmem>>
        %dma_start3A_1748 = arith.constant 0 : i32
        %dma_start3A_1749 = tpu.memref_slice %arg2[%dma_start3A_1748, %multiple_of3A_1742] : memref<64x1000000xf32, #tpu.memory_space<hbm>> -> memref<64x128xf32, #tpu.memory_space<hbm>>
        %dma_start3A_1750 = arith.constant 0 : i32
        %dma_start3A_1751 = arith.constant 0 : i32
        %dma_start3A_1752 = tpu.memref_slice %arg6[%dma_start3A_1743, %dma_start3A_1750, %dma_start3A_1751] : memref<8x64x128xf32, #tpu.memory_space<vmem>> -> memref<1x64x128xf32, #tpu.memory_space<vmem>>
        %dma_start3A_1753 = tpu.memref_squeeze %dma_start3A_1752 : memref<1x64x128xf32, #tpu.memory_space<vmem>> -> memref<64x128xf32, #tpu.memory_space<vmem>>
        %dma_start3A_1754 = arith.constant 0 : i32
        %dma_start3A_1755 = tpu.memref_slice %arg2[%dma_start3A_1754, %multiple_of3A_1742] : memref<64x1000000xf32, #tpu.memory_space<hbm>> -> memref<64x128xf32, #tpu.memory_space<hbm>>
        tpu.enqueue_dma source(%dma_start3A_1755 : memref<64x128xf32, #tpu.memory_space<hbm>>) target(%dma_start3A_1753 : memref<64x128xf32, #tpu.memory_space<vmem>>) target_semaphore(%arg8 : memref<!tpu.dma_semaphore, #tpu.memory_space<semaphore_mem>>)
      } else {
      }
      %dma_wait3A_933 = arith.constant 0 : i32
      %dma_wait3A_934 = arith.constant 0 : i32
      %dma_wait3A_935 = arith.constant 0 : i32
      %dma_wait3A_936 = tpu.memref_slice %arg6[%dma_wait3A_933, %dma_wait3A_934, %dma_wait3A_935] : memref<8x64x128xf32, #tpu.memory_space<vmem>> -> memref<1x64x128xf32, #tpu.memory_space<vmem>>
      %dma_wait3A_937 = tpu.memref_squeeze %dma_wait3A_936 : memref<1x64x128xf32, #tpu.memory_space<vmem>> -> memref<64x128xf32, #tpu.memory_space<vmem>>
      %dma_wait3A_938 = arith.constant 0 : i32
      %dma_wait3A_939 = arith.constant 0 : i32
      %dma_wait3A_940 = tpu.memref_slice %arg2[%dma_wait3A_938, %dma_wait3A_939] : memref<64x1000000xf32, #tpu.memory_space<hbm>> -> memref<64x128xf32, #tpu.memory_space<hbm>>
      %dma_wait3A_941 = arith.constant 0 : i32
      %dma_wait3A_942 = arith.constant 0 : i32
      %dma_wait3A_943 = tpu.memref_slice %arg6[%dma_wait3A_933, %dma_wait3A_941, %dma_wait3A_942] : memref<8x64x128xf32, #tpu.memory_space<vmem>> -> memref<1x64x128xf32, #tpu.memory_space<vmem>>
      %dma_wait3A_944 = tpu.memref_squeeze %dma_wait3A_943 : memref<1x64x128xf32, #tpu.memory_space<vmem>> -> memref<64x128xf32, #tpu.memory_space<vmem>>
      %dma_wait3A_945 = arith.constant 0 : i32
      %dma_wait3A_946 = arith.constant 0 : i32
      %dma_wait3A_947 = tpu.memref_slice %arg2[%dma_wait3A_945, %dma_wait3A_946] : memref<64x1000000xf32, #tpu.memory_space<hbm>> -> memref<64x128xf32, #tpu.memory_space<hbm>>
      tpu.wait_dma2 semaphore(%arg8 : memref<!tpu.dma_semaphore, #tpu.memory_space<semaphore_mem>>) src(%dma_wait3A_947 : memref<64x128xf32, #tpu.memory_space<hbm>>) dst(%dma_wait3A_944 : memref<64x128xf32, #tpu.memory_space<vmem>>)
      %slice3A_948 = vector.extract_strided_slice %scan3A_103 {offsets = [8], sizes = [1], strides = [1]} : vector<16xi32> to vector<1xi32>
      %squeeze3A_949 = vector.extract %slice3A_948[0] : i32 from vector<1xi32>
      %and3A_950 = arith.constant 127 : i32
      %and3A_951 = arith.andi %squeeze3A_949, %and3A_950 : i32
      %broadcast_in_dim3A_952 = vector.broadcast %and3A_951 : i32 to vector<16xi32>
      %and3A_953 = arith.constant 7 : i32
      %and3A_954 = arith.andi %scan3A_102, %and3A_953 : i32
      %mul3A_955 = arith.constant 16 : i32
      %mul3A_956 = arith.muli %and3A_954, %mul3A_955 : i32
      %add3A_957 = arith.constant 8 : i32
      %add3A_958 = arith.addi %mul3A_956, %add3A_957 : i32
      %broadcast_in_dim3A_959 = vector.broadcast %add3A_958 : i32 to vector<16xi32>
      %add3A_960 = arith.constant 0 : i32
      %add3A_961 = vector.broadcast %add3A_960 : i32 to vector<16xi32>
      %add3A_962 = arith.addi %iota3A, %add3A_961 : vector<16xi32>
      %gather3A_963 = arith.constant 0 : i32
      %gather3A_964 = arith.constant 0 : i32
      %gather3A_965 = arith.constant 0 : i32
      %gather3A_966 = tpu.memref_slice %arg6[%gather3A_963, %gather3A_964, %gather3A_965] : memref<8x64x128xf32, #tpu.memory_space<vmem>> -> memref<1x64x128xf32, #tpu.memory_space<vmem>>
      %gather3A_967 = tpu.memref_squeeze %gather3A_966 : memref<1x64x128xf32, #tpu.memory_space<vmem>> -> memref<64x128xf32, #tpu.memory_space<vmem>>
      %gather3A_968 = tpu.vector_load_idx %gather3A_967[%add3A_962, %broadcast_in_dim3A_952] : memref<64x128xf32, #tpu.memory_space<vmem>>[vector<16xi32>, vector<16xi32>], vector<16xf32>,
      %add3A_969 = arith.constant 0 : i32
      %add3A_970 = vector.broadcast %add3A_969 : i32 to vector<16xi32>
      %add3A_971 = arith.addi %iota3A, %add3A_970 : vector<16xi32>
      %scatter3A_972 = arith.constant 0 : i32
      %scatter3A_973 = arith.constant 0 : i32
      %scatter3A_974 = tpu.memref_slice %arg7[%shift_right_logical3A_112, %scatter3A_972, %scatter3A_973] : memref<4x64x128xf32, #tpu.memory_space<vmem>> -> memref<1x64x128xf32, #tpu.memory_space<vmem>>
      %scatter3A_975 = tpu.memref_squeeze %scatter3A_974 : memref<1x64x128xf32, #tpu.memory_space<vmem>> -> memref<64x128xf32, #tpu.memory_space<vmem>>
      tpu.vector_store_idx %scatter3A_975[%add3A_971, %broadcast_in_dim3A_959], %gather3A_968 : memref<64x128xf32, #tpu.memory_space<vmem>>[vector<16xi32>, vector<16xi32>], vector<16xf32>,
      %add3A_976 = arith.constant 16 : i32
      %add3A_977 = vector.broadcast %add3A_976 : i32 to vector<16xi32>
      %add3A_978 = arith.addi %iota3A, %add3A_977 : vector<16xi32>
      %gather3A_979 = arith.constant 0 : i32
      %gather3A_980 = arith.constant 0 : i32
      %gather3A_981 = arith.constant 0 : i32
      %gather3A_982 = tpu.memref_slice %arg6[%gather3A_979, %gather3A_980, %gather3A_981] : memref<8x64x128xf32, #tpu.memory_space<vmem>> -> memref<1x64x128xf32, #tpu.memory_space<vmem>>
      %gather3A_983 = tpu.memref_squeeze %gather3A_982 : memref<1x64x128xf32, #tpu.memory_space<vmem>> -> memref<64x128xf32, #tpu.memory_space<vmem>>
      %gather3A_984 = tpu.vector_load_idx %gather3A_983[%add3A_978, %broadcast_in_dim3A_952] : memref<64x128xf32, #tpu.memory_space<vmem>>[vector<16xi32>, vector<16xi32>], vector<16xf32>,
      %add3A_985 = arith.constant 16 : i32
      %add3A_986 = vector.broadcast %add3A_985 : i32 to vector<16xi32>
      %add3A_987 = arith.addi %iota3A, %add3A_986 : vector<16xi32>
      %scatter3A_988 = arith.constant 0 : i32
      %scatter3A_989 = arith.constant 0 : i32
      %scatter3A_990 = tpu.memref_slice %arg7[%shift_right_logical3A_112, %scatter3A_988, %scatter3A_989] : memref<4x64x128xf32, #tpu.memory_space<vmem>> -> memref<1x64x128xf32, #tpu.memory_space<vmem>>
      %scatter3A_991 = tpu.memref_squeeze %scatter3A_990 : memref<1x64x128xf32, #tpu.memory_space<vmem>> -> memref<64x128xf32, #tpu.memory_space<vmem>>
      tpu.vector_store_idx %scatter3A_991[%add3A_987, %broadcast_in_dim3A_959], %gather3A_984 : memref<64x128xf32, #tpu.memory_space<vmem>>[vector<16xi32>, vector<16xi32>], vector<16xf32>,
      %add3A_992 = arith.constant 32 : i32
      %add3A_993 = vector.broadcast %add3A_992 : i32 to vector<16xi32>
      %add3A_994 = arith.addi %iota3A, %add3A_993 : vector<16xi32>
      %gather3A_995 = arith.constant 0 : i32
      %gather3A_996 = arith.constant 0 : i32
      %gather3A_997 = arith.constant 0 : i32
      %gather3A_998 = tpu.memref_slice %arg6[%gather3A_995, %gather3A_996, %gather3A_997] : memref<8x64x128xf32, #tpu.memory_space<vmem>> -> memref<1x64x128xf32, #tpu.memory_space<vmem>>
      %gather3A_999 = tpu.memref_squeeze %gather3A_998 : memref<1x64x128xf32, #tpu.memory_space<vmem>> -> memref<64x128xf32, #tpu.memory_space<vmem>>
      %gather3A_1000 = tpu.vector_load_idx %gather3A_999[%add3A_994, %broadcast_in_dim3A_952] : memref<64x128xf32, #tpu.memory_space<vmem>>[vector<16xi32>, vector<16xi32>], vector<16xf32>,
      %add3A_1001 = arith.constant 32 : i32
      %add3A_1002 = vector.broadcast %add3A_1001 : i32 to vector<16xi32>
      %add3A_1003 = arith.addi %iota3A, %add3A_1002 : vector<16xi32>
      %scatter3A_1004 = arith.constant 0 : i32
      %scatter3A_1005 = arith.constant 0 : i32
      %scatter3A_1006 = tpu.memref_slice %arg7[%shift_right_logical3A_112, %scatter3A_1004, %scatter3A_1005] : memref<4x64x128xf32, #tpu.memory_space<vmem>> -> memref<1x64x128xf32, #tpu.memory_space<vmem>>
      %scatter3A_1007 = tpu.memref_squeeze %scatter3A_1006 : memref<1x64x128xf32, #tpu.memory_space<vmem>> -> memref<64x128xf32, #tpu.memory_space<vmem>>
      tpu.vector_store_idx %scatter3A_1007[%add3A_1003, %broadcast_in_dim3A_959], %gather3A_1000 : memref<64x128xf32, #tpu.memory_space<vmem>>[vector<16xi32>, vector<16xi32>], vector<16xf32>,
      %add3A_1008 = arith.constant 48 : i32
      %add3A_1009 = vector.broadcast %add3A_1008 : i32 to vector<16xi32>
      %add3A_1010 = arith.addi %iota3A, %add3A_1009 : vector<16xi32>
      %gather3A_1011 = arith.constant 0 : i32
      %gather3A_1012 = arith.constant 0 : i32
      %gather3A_1013 = arith.constant 0 : i32
      %gather3A_1014 = tpu.memref_slice %arg6[%gather3A_1011, %gather3A_1012, %gather3A_1013] : memref<8x64x128xf32, #tpu.memory_space<vmem>> -> memref<1x64x128xf32, #tpu.memory_space<vmem>>
      %gather3A_1015 = tpu.memref_squeeze %gather3A_1014 : memref<1x64x128xf32, #tpu.memory_space<vmem>> -> memref<64x128xf32, #tpu.memory_space<vmem>>
      %gather3A_1016 = tpu.vector_load_idx %gather3A_1015[%add3A_1010, %broadcast_in_dim3A_952] : memref<64x128xf32, #tpu.memory_space<vmem>>[vector<16xi32>, vector<16xi32>], vector<16xf32>,
      %add3A_1017 = arith.constant 48 : i32
      %add3A_1018 = vector.broadcast %add3A_1017 : i32 to vector<16xi32>
      %add3A_1019 = arith.addi %iota3A, %add3A_1018 : vector<16xi32>
      %scatter3A_1020 = arith.constant 0 : i32
      %scatter3A_1021 = arith.constant 0 : i32
      %scatter3A_1022 = tpu.memref_slice %arg7[%shift_right_logical3A_112, %scatter3A_1020, %scatter3A_1021] : memref<4x64x128xf32, #tpu.memory_space<vmem>> -> memref<1x64x128xf32, #tpu.memory_space<vmem>>
      %scatter3A_1023 = tpu.memref_squeeze %scatter3A_1022 : memref<1x64x128xf32, #tpu.memory_space<vmem>> -> memref<64x128xf32, #tpu.memory_space<vmem>>
      tpu.vector_store_idx %scatter3A_1023[%add3A_1019, %broadcast_in_dim3A_959], %gather3A_1016 : memref<64x128xf32, #tpu.memory_space<vmem>>[vector<16xi32>, vector<16xi32>], vector<16xf32>,
      %mul3A_1024 = arith.constant 16 : i32
      %mul3A_1025 = arith.muli %scan3A_102, %mul3A_1024 : i32
      %add3A_1026 = arith.constant 9 : i32
      %add3A_1027 = arith.addi %mul3A_1025, %add3A_1026 : i32
      %slice3A_1028 = vector.extract_strided_slice %scan3A_103 {offsets = [13], sizes = [1], strides = [1]} : vector<16xi32> to vector<1xi32>
      %squeeze3A_1029 = vector.extract %slice3A_1028[0] : i32 from vector<1xi32>
      %lt3A_1030 = arith.constant 508 : i32
      %lt3A_1031 = arith.cmpi slt, %add3A_1027, %lt3A_1030 : i32
      %convert_element_type3A_1032 = arith.extui %lt3A_1031 : i1 to i32
      %cond3A_1033 = arith.constant 0 : i32
      %cond3A_1034 = arith.cmpi ne, %convert_element_type3A_1032, %cond3A_1033 : i32
      scf.if %cond3A_1034 {
        %shift_right_logical3A_1738 = arith.constant 7 : i32
        %shift_right_logical3A_1739 = arith.shrui %squeeze3A_1029, %shift_right_logical3A_1738 : i32
        %shift_left3A_1740 = arith.constant 7 : i32
        %shift_left3A_1741 = arith.shli %shift_right_logical3A_1739, %shift_left3A_1740 : i32
        %multiple_of3A_1742 = tpu.assume_multiple %shift_left3A_1741, 128 : i32
        %dma_start3A_1743 = arith.constant 5 : i32
        %dma_start3A_1744 = arith.constant 0 : i32
        %dma_start3A_1745 = arith.constant 0 : i32
        %dma_start3A_1746 = tpu.memref_slice %arg6[%dma_start3A_1743, %dma_start3A_1744, %dma_start3A_1745] : memref<8x64x128xf32, #tpu.memory_space<vmem>> -> memref<1x64x128xf32, #tpu.memory_space<vmem>>
        %dma_start3A_1747 = tpu.memref_squeeze %dma_start3A_1746 : memref<1x64x128xf32, #tpu.memory_space<vmem>> -> memref<64x128xf32, #tpu.memory_space<vmem>>
        %dma_start3A_1748 = arith.constant 0 : i32
        %dma_start3A_1749 = tpu.memref_slice %arg2[%dma_start3A_1748, %multiple_of3A_1742] : memref<64x1000000xf32, #tpu.memory_space<hbm>> -> memref<64x128xf32, #tpu.memory_space<hbm>>
        %dma_start3A_1750 = arith.constant 0 : i32
        %dma_start3A_1751 = arith.constant 0 : i32
        %dma_start3A_1752 = tpu.memref_slice %arg6[%dma_start3A_1743, %dma_start3A_1750, %dma_start3A_1751] : memref<8x64x128xf32, #tpu.memory_space<vmem>> -> memref<1x64x128xf32, #tpu.memory_space<vmem>>
        %dma_start3A_1753 = tpu.memref_squeeze %dma_start3A_1752 : memref<1x64x128xf32, #tpu.memory_space<vmem>> -> memref<64x128xf32, #tpu.memory_space<vmem>>
        %dma_start3A_1754 = arith.constant 0 : i32
        %dma_start3A_1755 = tpu.memref_slice %arg2[%dma_start3A_1754, %multiple_of3A_1742] : memref<64x1000000xf32, #tpu.memory_space<hbm>> -> memref<64x128xf32, #tpu.memory_space<hbm>>
        tpu.enqueue_dma source(%dma_start3A_1755 : memref<64x128xf32, #tpu.memory_space<hbm>>) target(%dma_start3A_1753 : memref<64x128xf32, #tpu.memory_space<vmem>>) target_semaphore(%arg8 : memref<!tpu.dma_semaphore, #tpu.memory_space<semaphore_mem>>)
      } else {
      }
      %dma_wait3A_1035 = arith.constant 0 : i32
      %dma_wait3A_1036 = arith.constant 0 : i32
      %dma_wait3A_1037 = arith.constant 0 : i32
      %dma_wait3A_1038 = tpu.memref_slice %arg6[%dma_wait3A_1035, %dma_wait3A_1036, %dma_wait3A_1037] : memref<8x64x128xf32, #tpu.memory_space<vmem>> -> memref<1x64x128xf32, #tpu.memory_space<vmem>>
      %dma_wait3A_1039 = tpu.memref_squeeze %dma_wait3A_1038 : memref<1x64x128xf32, #tpu.memory_space<vmem>> -> memref<64x128xf32, #tpu.memory_space<vmem>>
      %dma_wait3A_1040 = arith.constant 0 : i32
      %dma_wait3A_1041 = arith.constant 0 : i32
      %dma_wait3A_1042 = tpu.memref_slice %arg2[%dma_wait3A_1040, %dma_wait3A_1041] : memref<64x1000000xf32, #tpu.memory_space<hbm>> -> memref<64x128xf32, #tpu.memory_space<hbm>>
      %dma_wait3A_1043 = arith.constant 0 : i32
      %dma_wait3A_1044 = arith.constant 0 : i32
      %dma_wait3A_1045 = tpu.memref_slice %arg6[%dma_wait3A_1035, %dma_wait3A_1043, %dma_wait3A_1044] : memref<8x64x128xf32, #tpu.memory_space<vmem>> -> memref<1x64x128xf32, #tpu.memory_space<vmem>>
      %dma_wait3A_1046 = tpu.memref_squeeze %dma_wait3A_1045 : memref<1x64x128xf32, #tpu.memory_space<vmem>> -> memref<64x128xf32, #tpu.memory_space<vmem>>
      %dma_wait3A_1047 = arith.constant 0 : i32
      %dma_wait3A_1048 = arith.constant 0 : i32
      %dma_wait3A_1049 = tpu.memref_slice %arg2[%dma_wait3A_1047, %dma_wait3A_1048] : memref<64x1000000xf32, #tpu.memory_space<hbm>> -> memref<64x128xf32, #tpu.memory_space<hbm>>
      tpu.wait_dma2 semaphore(%arg8 : memref<!tpu.dma_semaphore, #tpu.memory_space<semaphore_mem>>) src(%dma_wait3A_1049 : memref<64x128xf32, #tpu.memory_space<hbm>>) dst(%dma_wait3A_1046 : memref<64x128xf32, #tpu.memory_space<vmem>>)
      %slice3A_1050 = vector.extract_strided_slice %scan3A_103 {offsets = [9], sizes = [1], strides = [1]} : vector<16xi32> to vector<1xi32>
      %squeeze3A_1051 = vector.extract %slice3A_1050[0] : i32 from vector<1xi32>
      %and3A_1052 = arith.constant 127 : i32
      %and3A_1053 = arith.andi %squeeze3A_1051, %and3A_1052 : i32
      %broadcast_in_dim3A_1054 = vector.broadcast %and3A_1053 : i32 to vector<16xi32>
      %and3A_1055 = arith.constant 7 : i32
      %and3A_1056 = arith.andi %scan3A_102, %and3A_1055 : i32
      %mul3A_1057 = arith.constant 16 : i32
      %mul3A_1058 = arith.muli %and3A_1056, %mul3A_1057 : i32
      %add3A_1059 = arith.constant 9 : i32
      %add3A_1060 = arith.addi %mul3A_1058, %add3A_1059 : i32
      %broadcast_in_dim3A_1061 = vector.broadcast %add3A_1060 : i32 to vector<16xi32>
      %add3A_1062 = arith.constant 0 : i32
      %add3A_1063 = vector.broadcast %add3A_1062 : i32 to vector<16xi32>
      %add3A_1064 = arith.addi %iota3A, %add3A_1063 : vector<16xi32>
      %gather3A_1065 = arith.constant 1 : i32
      %gather3A_1066 = arith.constant 0 : i32
      %gather3A_1067 = arith.constant 0 : i32
      %gather3A_1068 = tpu.memref_slice %arg6[%gather3A_1065, %gather3A_1066, %gather3A_1067] : memref<8x64x128xf32, #tpu.memory_space<vmem>> -> memref<1x64x128xf32, #tpu.memory_space<vmem>>
      %gather3A_1069 = tpu.memref_squeeze %gather3A_1068 : memref<1x64x128xf32, #tpu.memory_space<vmem>> -> memref<64x128xf32, #tpu.memory_space<vmem>>
      %gather3A_1070 = tpu.vector_load_idx %gather3A_1069[%add3A_1064, %broadcast_in_dim3A_1054] : memref<64x128xf32, #tpu.memory_space<vmem>>[vector<16xi32>, vector<16xi32>], vector<16xf32>,
      %add3A_1071 = arith.constant 0 : i32
      %add3A_1072 = vector.broadcast %add3A_1071 : i32 to vector<16xi32>
      %add3A_1073 = arith.addi %iota3A, %add3A_1072 : vector<16xi32>
      %scatter3A_1074 = arith.constant 0 : i32
      %scatter3A_1075 = arith.constant 0 : i32
      %scatter3A_1076 = tpu.memref_slice %arg7[%shift_right_logical3A_112, %scatter3A_1074, %scatter3A_1075] : memref<4x64x128xf32, #tpu.memory_space<vmem>> -> memref<1x64x128xf32, #tpu.memory_space<vmem>>
      %scatter3A_1077 = tpu.memref_squeeze %scatter3A_1076 : memref<1x64x128xf32, #tpu.memory_space<vmem>> -> memref<64x128xf32, #tpu.memory_space<vmem>>
      tpu.vector_store_idx %scatter3A_1077[%add3A_1073, %broadcast_in_dim3A_1061], %gather3A_1070 : memref<64x128xf32, #tpu.memory_space<vmem>>[vector<16xi32>, vector<16xi32>], vector<16xf32>,
      %add3A_1078 = arith.constant 16 : i32
      %add3A_1079 = vector.broadcast %add3A_1078 : i32 to vector<16xi32>
      %add3A_1080 = arith.addi %iota3A, %add3A_1079 : vector<16xi32>
      %gather3A_1081 = arith.constant 1 : i32
      %gather3A_1082 = arith.constant 0 : i32
      %gather3A_1083 = arith.constant 0 : i32
      %gather3A_1084 = tpu.memref_slice %arg6[%gather3A_1081, %gather3A_1082, %gather3A_1083] : memref<8x64x128xf32, #tpu.memory_space<vmem>> -> memref<1x64x128xf32, #tpu.memory_space<vmem>>
      %gather3A_1085 = tpu.memref_squeeze %gather3A_1084 : memref<1x64x128xf32, #tpu.memory_space<vmem>> -> memref<64x128xf32, #tpu.memory_space<vmem>>
      %gather3A_1086 = tpu.vector_load_idx %gather3A_1085[%add3A_1080, %broadcast_in_dim3A_1054] : memref<64x128xf32, #tpu.memory_space<vmem>>[vector<16xi32>, vector<16xi32>], vector<16xf32>,
      %add3A_1087 = arith.constant 16 : i32
      %add3A_1088 = vector.broadcast %add3A_1087 : i32 to vector<16xi32>
      %add3A_1089 = arith.addi %iota3A, %add3A_1088 : vector<16xi32>
      %scatter3A_1090 = arith.constant 0 : i32
      %scatter3A_1091 = arith.constant 0 : i32
      %scatter3A_1092 = tpu.memref_slice %arg7[%shift_right_logical3A_112, %scatter3A_1090, %scatter3A_1091] : memref<4x64x128xf32, #tpu.memory_space<vmem>> -> memref<1x64x128xf32, #tpu.memory_space<vmem>>
      %scatter3A_1093 = tpu.memref_squeeze %scatter3A_1092 : memref<1x64x128xf32, #tpu.memory_space<vmem>> -> memref<64x128xf32, #tpu.memory_space<vmem>>
      tpu.vector_store_idx %scatter3A_1093[%add3A_1089, %broadcast_in_dim3A_1061], %gather3A_1086 : memref<64x128xf32, #tpu.memory_space<vmem>>[vector<16xi32>, vector<16xi32>], vector<16xf32>,
      %add3A_1094 = arith.constant 32 : i32
      %add3A_1095 = vector.broadcast %add3A_1094 : i32 to vector<16xi32>
      %add3A_1096 = arith.addi %iota3A, %add3A_1095 : vector<16xi32>
      %gather3A_1097 = arith.constant 1 : i32
      %gather3A_1098 = arith.constant 0 : i32
      %gather3A_1099 = arith.constant 0 : i32
      %gather3A_1100 = tpu.memref_slice %arg6[%gather3A_1097, %gather3A_1098, %gather3A_1099] : memref<8x64x128xf32, #tpu.memory_space<vmem>> -> memref<1x64x128xf32, #tpu.memory_space<vmem>>
      %gather3A_1101 = tpu.memref_squeeze %gather3A_1100 : memref<1x64x128xf32, #tpu.memory_space<vmem>> -> memref<64x128xf32, #tpu.memory_space<vmem>>
      %gather3A_1102 = tpu.vector_load_idx %gather3A_1101[%add3A_1096, %broadcast_in_dim3A_1054] : memref<64x128xf32, #tpu.memory_space<vmem>>[vector<16xi32>, vector<16xi32>], vector<16xf32>,
      %add3A_1103 = arith.constant 32 : i32
      %add3A_1104 = vector.broadcast %add3A_1103 : i32 to vector<16xi32>
      %add3A_1105 = arith.addi %iota3A, %add3A_1104 : vector<16xi32>
      %scatter3A_1106 = arith.constant 0 : i32
      %scatter3A_1107 = arith.constant 0 : i32
      %scatter3A_1108 = tpu.memref_slice %arg7[%shift_right_logical3A_112, %scatter3A_1106, %scatter3A_1107] : memref<4x64x128xf32, #tpu.memory_space<vmem>> -> memref<1x64x128xf32, #tpu.memory_space<vmem>>
      %scatter3A_1109 = tpu.memref_squeeze %scatter3A_1108 : memref<1x64x128xf32, #tpu.memory_space<vmem>> -> memref<64x128xf32, #tpu.memory_space<vmem>>
      tpu.vector_store_idx %scatter3A_1109[%add3A_1105, %broadcast_in_dim3A_1061], %gather3A_1102 : memref<64x128xf32, #tpu.memory_space<vmem>>[vector<16xi32>, vector<16xi32>], vector<16xf32>,
      %add3A_1110 = arith.constant 48 : i32
      %add3A_1111 = vector.broadcast %add3A_1110 : i32 to vector<16xi32>
      %add3A_1112 = arith.addi %iota3A, %add3A_1111 : vector<16xi32>
      %gather3A_1113 = arith.constant 1 : i32
      %gather3A_1114 = arith.constant 0 : i32
      %gather3A_1115 = arith.constant 0 : i32
      %gather3A_1116 = tpu.memref_slice %arg6[%gather3A_1113, %gather3A_1114, %gather3A_1115] : memref<8x64x128xf32, #tpu.memory_space<vmem>> -> memref<1x64x128xf32, #tpu.memory_space<vmem>>
      %gather3A_1117 = tpu.memref_squeeze %gather3A_1116 : memref<1x64x128xf32, #tpu.memory_space<vmem>> -> memref<64x128xf32, #tpu.memory_space<vmem>>
      %gather3A_1118 = tpu.vector_load_idx %gather3A_1117[%add3A_1112, %broadcast_in_dim3A_1054] : memref<64x128xf32, #tpu.memory_space<vmem>>[vector<16xi32>, vector<16xi32>], vector<16xf32>,
      %add3A_1119 = arith.constant 48 : i32
      %add3A_1120 = vector.broadcast %add3A_1119 : i32 to vector<16xi32>
      %add3A_1121 = arith.addi %iota3A, %add3A_1120 : vector<16xi32>
      %scatter3A_1122 = arith.constant 0 : i32
      %scatter3A_1123 = arith.constant 0 : i32
      %scatter3A_1124 = tpu.memref_slice %arg7[%shift_right_logical3A_112, %scatter3A_1122, %scatter3A_1123] : memref<4x64x128xf32, #tpu.memory_space<vmem>> -> memref<1x64x128xf32, #tpu.memory_space<vmem>>
      %scatter3A_1125 = tpu.memref_squeeze %scatter3A_1124 : memref<1x64x128xf32, #tpu.memory_space<vmem>> -> memref<64x128xf32, #tpu.memory_space<vmem>>
      tpu.vector_store_idx %scatter3A_1125[%add3A_1121, %broadcast_in_dim3A_1061], %gather3A_1118 : memref<64x128xf32, #tpu.memory_space<vmem>>[vector<16xi32>, vector<16xi32>], vector<16xf32>,
      %mul3A_1126 = arith.constant 16 : i32
      %mul3A_1127 = arith.muli %scan3A_102, %mul3A_1126 : i32
      %add3A_1128 = arith.constant 10 : i32
      %add3A_1129 = arith.addi %mul3A_1127, %add3A_1128 : i32
      %slice3A_1130 = vector.extract_strided_slice %scan3A_103 {offsets = [14], sizes = [1], strides = [1]} : vector<16xi32> to vector<1xi32>
      %squeeze3A_1131 = vector.extract %slice3A_1130[0] : i32 from vector<1xi32>
      %lt3A_1132 = arith.constant 508 : i32
      %lt3A_1133 = arith.cmpi slt, %add3A_1129, %lt3A_1132 : i32
      %convert_element_type3A_1134 = arith.extui %lt3A_1133 : i1 to i32
      %cond3A_1135 = arith.constant 0 : i32
      %cond3A_1136 = arith.cmpi ne, %convert_element_type3A_1134, %cond3A_1135 : i32
      scf.if %cond3A_1136 {
        %shift_right_logical3A_1738 = arith.constant 7 : i32
        %shift_right_logical3A_1739 = arith.shrui %squeeze3A_1131, %shift_right_logical3A_1738 : i32
        %shift_left3A_1740 = arith.constant 7 : i32
        %shift_left3A_1741 = arith.shli %shift_right_logical3A_1739, %shift_left3A_1740 : i32
        %multiple_of3A_1742 = tpu.assume_multiple %shift_left3A_1741, 128 : i32
        %dma_start3A_1743 = arith.constant 6 : i32
        %dma_start3A_1744 = arith.constant 0 : i32
        %dma_start3A_1745 = arith.constant 0 : i32
        %dma_start3A_1746 = tpu.memref_slice %arg6[%dma_start3A_1743, %dma_start3A_1744, %dma_start3A_1745] : memref<8x64x128xf32, #tpu.memory_space<vmem>> -> memref<1x64x128xf32, #tpu.memory_space<vmem>>
        %dma_start3A_1747 = tpu.memref_squeeze %dma_start3A_1746 : memref<1x64x128xf32, #tpu.memory_space<vmem>> -> memref<64x128xf32, #tpu.memory_space<vmem>>
        %dma_start3A_1748 = arith.constant 0 : i32
        %dma_start3A_1749 = tpu.memref_slice %arg2[%dma_start3A_1748, %multiple_of3A_1742] : memref<64x1000000xf32, #tpu.memory_space<hbm>> -> memref<64x128xf32, #tpu.memory_space<hbm>>
        %dma_start3A_1750 = arith.constant 0 : i32
        %dma_start3A_1751 = arith.constant 0 : i32
        %dma_start3A_1752 = tpu.memref_slice %arg6[%dma_start3A_1743, %dma_start3A_1750, %dma_start3A_1751] : memref<8x64x128xf32, #tpu.memory_space<vmem>> -> memref<1x64x128xf32, #tpu.memory_space<vmem>>
        %dma_start3A_1753 = tpu.memref_squeeze %dma_start3A_1752 : memref<1x64x128xf32, #tpu.memory_space<vmem>> -> memref<64x128xf32, #tpu.memory_space<vmem>>
        %dma_start3A_1754 = arith.constant 0 : i32
        %dma_start3A_1755 = tpu.memref_slice %arg2[%dma_start3A_1754, %multiple_of3A_1742] : memref<64x1000000xf32, #tpu.memory_space<hbm>> -> memref<64x128xf32, #tpu.memory_space<hbm>>
        tpu.enqueue_dma source(%dma_start3A_1755 : memref<64x128xf32, #tpu.memory_space<hbm>>) target(%dma_start3A_1753 : memref<64x128xf32, #tpu.memory_space<vmem>>) target_semaphore(%arg8 : memref<!tpu.dma_semaphore, #tpu.memory_space<semaphore_mem>>)
      } else {
      }
      %dma_wait3A_1137 = arith.constant 0 : i32
      %dma_wait3A_1138 = arith.constant 0 : i32
      %dma_wait3A_1139 = arith.constant 0 : i32
      %dma_wait3A_1140 = tpu.memref_slice %arg6[%dma_wait3A_1137, %dma_wait3A_1138, %dma_wait3A_1139] : memref<8x64x128xf32, #tpu.memory_space<vmem>> -> memref<1x64x128xf32, #tpu.memory_space<vmem>>
      %dma_wait3A_1141 = tpu.memref_squeeze %dma_wait3A_1140 : memref<1x64x128xf32, #tpu.memory_space<vmem>> -> memref<64x128xf32, #tpu.memory_space<vmem>>
      %dma_wait3A_1142 = arith.constant 0 : i32
      %dma_wait3A_1143 = arith.constant 0 : i32
      %dma_wait3A_1144 = tpu.memref_slice %arg2[%dma_wait3A_1142, %dma_wait3A_1143] : memref<64x1000000xf32, #tpu.memory_space<hbm>> -> memref<64x128xf32, #tpu.memory_space<hbm>>
      %dma_wait3A_1145 = arith.constant 0 : i32
      %dma_wait3A_1146 = arith.constant 0 : i32
      %dma_wait3A_1147 = tpu.memref_slice %arg6[%dma_wait3A_1137, %dma_wait3A_1145, %dma_wait3A_1146] : memref<8x64x128xf32, #tpu.memory_space<vmem>> -> memref<1x64x128xf32, #tpu.memory_space<vmem>>
      %dma_wait3A_1148 = tpu.memref_squeeze %dma_wait3A_1147 : memref<1x64x128xf32, #tpu.memory_space<vmem>> -> memref<64x128xf32, #tpu.memory_space<vmem>>
      %dma_wait3A_1149 = arith.constant 0 : i32
      %dma_wait3A_1150 = arith.constant 0 : i32
      %dma_wait3A_1151 = tpu.memref_slice %arg2[%dma_wait3A_1149, %dma_wait3A_1150] : memref<64x1000000xf32, #tpu.memory_space<hbm>> -> memref<64x128xf32, #tpu.memory_space<hbm>>
      tpu.wait_dma2 semaphore(%arg8 : memref<!tpu.dma_semaphore, #tpu.memory_space<semaphore_mem>>) src(%dma_wait3A_1151 : memref<64x128xf32, #tpu.memory_space<hbm>>) dst(%dma_wait3A_1148 : memref<64x128xf32, #tpu.memory_space<vmem>>)
      %slice3A_1152 = vector.extract_strided_slice %scan3A_103 {offsets = [10], sizes = [1], strides = [1]} : vector<16xi32> to vector<1xi32>
      %squeeze3A_1153 = vector.extract %slice3A_1152[0] : i32 from vector<1xi32>
      %and3A_1154 = arith.constant 127 : i32
      %and3A_1155 = arith.andi %squeeze3A_1153, %and3A_1154 : i32
      %broadcast_in_dim3A_1156 = vector.broadcast %and3A_1155 : i32 to vector<16xi32>
      %and3A_1157 = arith.constant 7 : i32
      %and3A_1158 = arith.andi %scan3A_102, %and3A_1157 : i32
      %mul3A_1159 = arith.constant 16 : i32
      %mul3A_1160 = arith.muli %and3A_1158, %mul3A_1159 : i32
      %add3A_1161 = arith.constant 10 : i32
      %add3A_1162 = arith.addi %mul3A_1160, %add3A_1161 : i32
      %broadcast_in_dim3A_1163 = vector.broadcast %add3A_1162 : i32 to vector<16xi32>
      %add3A_1164 = arith.constant 0 : i32
      %add3A_1165 = vector.broadcast %add3A_1164 : i32 to vector<16xi32>
      %add3A_1166 = arith.addi %iota3A, %add3A_1165 : vector<16xi32>
      %gather3A_1167 = arith.constant 2 : i32
      %gather3A_1168 = arith.constant 0 : i32
      %gather3A_1169 = arith.constant 0 : i32
      %gather3A_1170 = tpu.memref_slice %arg6[%gather3A_1167, %gather3A_1168, %gather3A_1169] : memref<8x64x128xf32, #tpu.memory_space<vmem>> -> memref<1x64x128xf32, #tpu.memory_space<vmem>>
      %gather3A_1171 = tpu.memref_squeeze %gather3A_1170 : memref<1x64x128xf32, #tpu.memory_space<vmem>> -> memref<64x128xf32, #tpu.memory_space<vmem>>
      %gather3A_1172 = tpu.vector_load_idx %gather3A_1171[%add3A_1166, %broadcast_in_dim3A_1156] : memref<64x128xf32, #tpu.memory_space<vmem>>[vector<16xi32>, vector<16xi32>], vector<16xf32>,
      %add3A_1173 = arith.constant 0 : i32
      %add3A_1174 = vector.broadcast %add3A_1173 : i32 to vector<16xi32>
      %add3A_1175 = arith.addi %iota3A, %add3A_1174 : vector<16xi32>
      %scatter3A_1176 = arith.constant 0 : i32
      %scatter3A_1177 = arith.constant 0 : i32
      %scatter3A_1178 = tpu.memref_slice %arg7[%shift_right_logical3A_112, %scatter3A_1176, %scatter3A_1177] : memref<4x64x128xf32, #tpu.memory_space<vmem>> -> memref<1x64x128xf32, #tpu.memory_space<vmem>>
      %scatter3A_1179 = tpu.memref_squeeze %scatter3A_1178 : memref<1x64x128xf32, #tpu.memory_space<vmem>> -> memref<64x128xf32, #tpu.memory_space<vmem>>
      tpu.vector_store_idx %scatter3A_1179[%add3A_1175, %broadcast_in_dim3A_1163], %gather3A_1172 : memref<64x128xf32, #tpu.memory_space<vmem>>[vector<16xi32>, vector<16xi32>], vector<16xf32>,
      %add3A_1180 = arith.constant 16 : i32
      %add3A_1181 = vector.broadcast %add3A_1180 : i32 to vector<16xi32>
      %add3A_1182 = arith.addi %iota3A, %add3A_1181 : vector<16xi32>
      %gather3A_1183 = arith.constant 2 : i32
      %gather3A_1184 = arith.constant 0 : i32
      %gather3A_1185 = arith.constant 0 : i32
      %gather3A_1186 = tpu.memref_slice %arg6[%gather3A_1183, %gather3A_1184, %gather3A_1185] : memref<8x64x128xf32, #tpu.memory_space<vmem>> -> memref<1x64x128xf32, #tpu.memory_space<vmem>>
      %gather3A_1187 = tpu.memref_squeeze %gather3A_1186 : memref<1x64x128xf32, #tpu.memory_space<vmem>> -> memref<64x128xf32, #tpu.memory_space<vmem>>
      %gather3A_1188 = tpu.vector_load_idx %gather3A_1187[%add3A_1182, %broadcast_in_dim3A_1156] : memref<64x128xf32, #tpu.memory_space<vmem>>[vector<16xi32>, vector<16xi32>], vector<16xf32>,
      %add3A_1189 = arith.constant 16 : i32
      %add3A_1190 = vector.broadcast %add3A_1189 : i32 to vector<16xi32>
      %add3A_1191 = arith.addi %iota3A, %add3A_1190 : vector<16xi32>
      %scatter3A_1192 = arith.constant 0 : i32
      %scatter3A_1193 = arith.constant 0 : i32
      %scatter3A_1194 = tpu.memref_slice %arg7[%shift_right_logical3A_112, %scatter3A_1192, %scatter3A_1193] : memref<4x64x128xf32, #tpu.memory_space<vmem>> -> memref<1x64x128xf32, #tpu.memory_space<vmem>>
      %scatter3A_1195 = tpu.memref_squeeze %scatter3A_1194 : memref<1x64x128xf32, #tpu.memory_space<vmem>> -> memref<64x128xf32, #tpu.memory_space<vmem>>
      tpu.vector_store_idx %scatter3A_1195[%add3A_1191, %broadcast_in_dim3A_1163], %gather3A_1188 : memref<64x128xf32, #tpu.memory_space<vmem>>[vector<16xi32>, vector<16xi32>], vector<16xf32>,
      %add3A_1196 = arith.constant 32 : i32
      %add3A_1197 = vector.broadcast %add3A_1196 : i32 to vector<16xi32>
      %add3A_1198 = arith.addi %iota3A, %add3A_1197 : vector<16xi32>
      %gather3A_1199 = arith.constant 2 : i32
      %gather3A_1200 = arith.constant 0 : i32
      %gather3A_1201 = arith.constant 0 : i32
      %gather3A_1202 = tpu.memref_slice %arg6[%gather3A_1199, %gather3A_1200, %gather3A_1201] : memref<8x64x128xf32, #tpu.memory_space<vmem>> -> memref<1x64x128xf32, #tpu.memory_space<vmem>>
      %gather3A_1203 = tpu.memref_squeeze %gather3A_1202 : memref<1x64x128xf32, #tpu.memory_space<vmem>> -> memref<64x128xf32, #tpu.memory_space<vmem>>
      %gather3A_1204 = tpu.vector_load_idx %gather3A_1203[%add3A_1198, %broadcast_in_dim3A_1156] : memref<64x128xf32, #tpu.memory_space<vmem>>[vector<16xi32>, vector<16xi32>], vector<16xf32>,
      %add3A_1205 = arith.constant 32 : i32
      %add3A_1206 = vector.broadcast %add3A_1205 : i32 to vector<16xi32>
      %add3A_1207 = arith.addi %iota3A, %add3A_1206 : vector<16xi32>
      %scatter3A_1208 = arith.constant 0 : i32
      %scatter3A_1209 = arith.constant 0 : i32
      %scatter3A_1210 = tpu.memref_slice %arg7[%shift_right_logical3A_112, %scatter3A_1208, %scatter3A_1209] : memref<4x64x128xf32, #tpu.memory_space<vmem>> -> memref<1x64x128xf32, #tpu.memory_space<vmem>>
      %scatter3A_1211 = tpu.memref_squeeze %scatter3A_1210 : memref<1x64x128xf32, #tpu.memory_space<vmem>> -> memref<64x128xf32, #tpu.memory_space<vmem>>
      tpu.vector_store_idx %scatter3A_1211[%add3A_1207, %broadcast_in_dim3A_1163], %gather3A_1204 : memref<64x128xf32, #tpu.memory_space<vmem>>[vector<16xi32>, vector<16xi32>], vector<16xf32>,
      %add3A_1212 = arith.constant 48 : i32
      %add3A_1213 = vector.broadcast %add3A_1212 : i32 to vector<16xi32>
      %add3A_1214 = arith.addi %iota3A, %add3A_1213 : vector<16xi32>
      %gather3A_1215 = arith.constant 2 : i32
      %gather3A_1216 = arith.constant 0 : i32
      %gather3A_1217 = arith.constant 0 : i32
      %gather3A_1218 = tpu.memref_slice %arg6[%gather3A_1215, %gather3A_1216, %gather3A_1217] : memref<8x64x128xf32, #tpu.memory_space<vmem>> -> memref<1x64x128xf32, #tpu.memory_space<vmem>>
      %gather3A_1219 = tpu.memref_squeeze %gather3A_1218 : memref<1x64x128xf32, #tpu.memory_space<vmem>> -> memref<64x128xf32, #tpu.memory_space<vmem>>
      %gather3A_1220 = tpu.vector_load_idx %gather3A_1219[%add3A_1214, %broadcast_in_dim3A_1156] : memref<64x128xf32, #tpu.memory_space<vmem>>[vector<16xi32>, vector<16xi32>], vector<16xf32>,
      %add3A_1221 = arith.constant 48 : i32
      %add3A_1222 = vector.broadcast %add3A_1221 : i32 to vector<16xi32>
      %add3A_1223 = arith.addi %iota3A, %add3A_1222 : vector<16xi32>
      %scatter3A_1224 = arith.constant 0 : i32
      %scatter3A_1225 = arith.constant 0 : i32
      %scatter3A_1226 = tpu.memref_slice %arg7[%shift_right_logical3A_112, %scatter3A_1224, %scatter3A_1225] : memref<4x64x128xf32, #tpu.memory_space<vmem>> -> memref<1x64x128xf32, #tpu.memory_space<vmem>>
      %scatter3A_1227 = tpu.memref_squeeze %scatter3A_1226 : memref<1x64x128xf32, #tpu.memory_space<vmem>> -> memref<64x128xf32, #tpu.memory_space<vmem>>
      tpu.vector_store_idx %scatter3A_1227[%add3A_1223, %broadcast_in_dim3A_1163], %gather3A_1220 : memref<64x128xf32, #tpu.memory_space<vmem>>[vector<16xi32>, vector<16xi32>], vector<16xf32>,
      %mul3A_1228 = arith.constant 16 : i32
      %mul3A_1229 = arith.muli %scan3A_102, %mul3A_1228 : i32
      %add3A_1230 = arith.constant 11 : i32
      %add3A_1231 = arith.addi %mul3A_1229, %add3A_1230 : i32
      %slice3A_1232 = vector.extract_strided_slice %scan3A_103 {offsets = [15], sizes = [1], strides = [1]} : vector<16xi32> to vector<1xi32>
      %squeeze3A_1233 = vector.extract %slice3A_1232[0] : i32 from vector<1xi32>
      %lt3A_1234 = arith.constant 508 : i32
      %lt3A_1235 = arith.cmpi slt, %add3A_1231, %lt3A_1234 : i32
      %convert_element_type3A_1236 = arith.extui %lt3A_1235 : i1 to i32
      %cond3A_1237 = arith.constant 0 : i32
      %cond3A_1238 = arith.cmpi ne, %convert_element_type3A_1236, %cond3A_1237 : i32
      scf.if %cond3A_1238 {
        %shift_right_logical3A_1738 = arith.constant 7 : i32
        %shift_right_logical3A_1739 = arith.shrui %squeeze3A_1233, %shift_right_logical3A_1738 : i32
        %shift_left3A_1740 = arith.constant 7 : i32
        %shift_left3A_1741 = arith.shli %shift_right_logical3A_1739, %shift_left3A_1740 : i32
        %multiple_of3A_1742 = tpu.assume_multiple %shift_left3A_1741, 128 : i32
        %dma_start3A_1743 = arith.constant 7 : i32
        %dma_start3A_1744 = arith.constant 0 : i32
        %dma_start3A_1745 = arith.constant 0 : i32
        %dma_start3A_1746 = tpu.memref_slice %arg6[%dma_start3A_1743, %dma_start3A_1744, %dma_start3A_1745] : memref<8x64x128xf32, #tpu.memory_space<vmem>> -> memref<1x64x128xf32, #tpu.memory_space<vmem>>
        %dma_start3A_1747 = tpu.memref_squeeze %dma_start3A_1746 : memref<1x64x128xf32, #tpu.memory_space<vmem>> -> memref<64x128xf32, #tpu.memory_space<vmem>>
        %dma_start3A_1748 = arith.constant 0 : i32
        %dma_start3A_1749 = tpu.memref_slice %arg2[%dma_start3A_1748, %multiple_of3A_1742] : memref<64x1000000xf32, #tpu.memory_space<hbm>> -> memref<64x128xf32, #tpu.memory_space<hbm>>
        %dma_start3A_1750 = arith.constant 0 : i32
        %dma_start3A_1751 = arith.constant 0 : i32
        %dma_start3A_1752 = tpu.memref_slice %arg6[%dma_start3A_1743, %dma_start3A_1750, %dma_start3A_1751] : memref<8x64x128xf32, #tpu.memory_space<vmem>> -> memref<1x64x128xf32, #tpu.memory_space<vmem>>
        %dma_start3A_1753 = tpu.memref_squeeze %dma_start3A_1752 : memref<1x64x128xf32, #tpu.memory_space<vmem>> -> memref<64x128xf32, #tpu.memory_space<vmem>>
        %dma_start3A_1754 = arith.constant 0 : i32
        %dma_start3A_1755 = tpu.memref_slice %arg2[%dma_start3A_1754, %multiple_of3A_1742] : memref<64x1000000xf32, #tpu.memory_space<hbm>> -> memref<64x128xf32, #tpu.memory_space<hbm>>
        tpu.enqueue_dma source(%dma_start3A_1755 : memref<64x128xf32, #tpu.memory_space<hbm>>) target(%dma_start3A_1753 : memref<64x128xf32, #tpu.memory_space<vmem>>) target_semaphore(%arg8 : memref<!tpu.dma_semaphore, #tpu.memory_space<semaphore_mem>>)
      } else {
      }
      %dma_wait3A_1239 = arith.constant 0 : i32
      %dma_wait3A_1240 = arith.constant 0 : i32
      %dma_wait3A_1241 = arith.constant 0 : i32
      %dma_wait3A_1242 = tpu.memref_slice %arg6[%dma_wait3A_1239, %dma_wait3A_1240, %dma_wait3A_1241] : memref<8x64x128xf32, #tpu.memory_space<vmem>> -> memref<1x64x128xf32, #tpu.memory_space<vmem>>
      %dma_wait3A_1243 = tpu.memref_squeeze %dma_wait3A_1242 : memref<1x64x128xf32, #tpu.memory_space<vmem>> -> memref<64x128xf32, #tpu.memory_space<vmem>>
      %dma_wait3A_1244 = arith.constant 0 : i32
      %dma_wait3A_1245 = arith.constant 0 : i32
      %dma_wait3A_1246 = tpu.memref_slice %arg2[%dma_wait3A_1244, %dma_wait3A_1245] : memref<64x1000000xf32, #tpu.memory_space<hbm>> -> memref<64x128xf32, #tpu.memory_space<hbm>>
      %dma_wait3A_1247 = arith.constant 0 : i32
      %dma_wait3A_1248 = arith.constant 0 : i32
      %dma_wait3A_1249 = tpu.memref_slice %arg6[%dma_wait3A_1239, %dma_wait3A_1247, %dma_wait3A_1248] : memref<8x64x128xf32, #tpu.memory_space<vmem>> -> memref<1x64x128xf32, #tpu.memory_space<vmem>>
      %dma_wait3A_1250 = tpu.memref_squeeze %dma_wait3A_1249 : memref<1x64x128xf32, #tpu.memory_space<vmem>> -> memref<64x128xf32, #tpu.memory_space<vmem>>
      %dma_wait3A_1251 = arith.constant 0 : i32
      %dma_wait3A_1252 = arith.constant 0 : i32
      %dma_wait3A_1253 = tpu.memref_slice %arg2[%dma_wait3A_1251, %dma_wait3A_1252] : memref<64x1000000xf32, #tpu.memory_space<hbm>> -> memref<64x128xf32, #tpu.memory_space<hbm>>
      tpu.wait_dma2 semaphore(%arg8 : memref<!tpu.dma_semaphore, #tpu.memory_space<semaphore_mem>>) src(%dma_wait3A_1253 : memref<64x128xf32, #tpu.memory_space<hbm>>) dst(%dma_wait3A_1250 : memref<64x128xf32, #tpu.memory_space<vmem>>)
      %slice3A_1254 = vector.extract_strided_slice %scan3A_103 {offsets = [11], sizes = [1], strides = [1]} : vector<16xi32> to vector<1xi32>
      %squeeze3A_1255 = vector.extract %slice3A_1254[0] : i32 from vector<1xi32>
      %and3A_1256 = arith.constant 127 : i32
      %and3A_1257 = arith.andi %squeeze3A_1255, %and3A_1256 : i32
      %broadcast_in_dim3A_1258 = vector.broadcast %and3A_1257 : i32 to vector<16xi32>
      %and3A_1259 = arith.constant 7 : i32
      %and3A_1260 = arith.andi %scan3A_102, %and3A_1259 : i32
      %mul3A_1261 = arith.constant 16 : i32
      %mul3A_1262 = arith.muli %and3A_1260, %mul3A_1261 : i32
      %add3A_1263 = arith.constant 11 : i32
      %add3A_1264 = arith.addi %mul3A_1262, %add3A_1263 : i32
      %broadcast_in_dim3A_1265 = vector.broadcast %add3A_1264 : i32 to vector<16xi32>
      %add3A_1266 = arith.constant 0 : i32
      %add3A_1267 = vector.broadcast %add3A_1266 : i32 to vector<16xi32>
      %add3A_1268 = arith.addi %iota3A, %add3A_1267 : vector<16xi32>
      %gather3A_1269 = arith.constant 3 : i32
      %gather3A_1270 = arith.constant 0 : i32
      %gather3A_1271 = arith.constant 0 : i32
      %gather3A_1272 = tpu.memref_slice %arg6[%gather3A_1269, %gather3A_1270, %gather3A_1271] : memref<8x64x128xf32, #tpu.memory_space<vmem>> -> memref<1x64x128xf32, #tpu.memory_space<vmem>>
      %gather3A_1273 = tpu.memref_squeeze %gather3A_1272 : memref<1x64x128xf32, #tpu.memory_space<vmem>> -> memref<64x128xf32, #tpu.memory_space<vmem>>
      %gather3A_1274 = tpu.vector_load_idx %gather3A_1273[%add3A_1268, %broadcast_in_dim3A_1258] : memref<64x128xf32, #tpu.memory_space<vmem>>[vector<16xi32>, vector<16xi32>], vector<16xf32>,
      %add3A_1275 = arith.constant 0 : i32
      %add3A_1276 = vector.broadcast %add3A_1275 : i32 to vector<16xi32>
      %add3A_1277 = arith.addi %iota3A, %add3A_1276 : vector<16xi32>
      %scatter3A_1278 = arith.constant 0 : i32
      %scatter3A_1279 = arith.constant 0 : i32
      %scatter3A_1280 = tpu.memref_slice %arg7[%shift_right_logical3A_112, %scatter3A_1278, %scatter3A_1279] : memref<4x64x128xf32, #tpu.memory_space<vmem>> -> memref<1x64x128xf32, #tpu.memory_space<vmem>>
      %scatter3A_1281 = tpu.memref_squeeze %scatter3A_1280 : memref<1x64x128xf32, #tpu.memory_space<vmem>> -> memref<64x128xf32, #tpu.memory_space<vmem>>
      tpu.vector_store_idx %scatter3A_1281[%add3A_1277, %broadcast_in_dim3A_1265], %gather3A_1274 : memref<64x128xf32, #tpu.memory_space<vmem>>[vector<16xi32>, vector<16xi32>], vector<16xf32>,
      %add3A_1282 = arith.constant 16 : i32
      %add3A_1283 = vector.broadcast %add3A_1282 : i32 to vector<16xi32>
      %add3A_1284 = arith.addi %iota3A, %add3A_1283 : vector<16xi32>
      %gather3A_1285 = arith.constant 3 : i32
      %gather3A_1286 = arith.constant 0 : i32
      %gather3A_1287 = arith.constant 0 : i32
      %gather3A_1288 = tpu.memref_slice %arg6[%gather3A_1285, %gather3A_1286, %gather3A_1287] : memref<8x64x128xf32, #tpu.memory_space<vmem>> -> memref<1x64x128xf32, #tpu.memory_space<vmem>>
      %gather3A_1289 = tpu.memref_squeeze %gather3A_1288 : memref<1x64x128xf32, #tpu.memory_space<vmem>> -> memref<64x128xf32, #tpu.memory_space<vmem>>
      %gather3A_1290 = tpu.vector_load_idx %gather3A_1289[%add3A_1284, %broadcast_in_dim3A_1258] : memref<64x128xf32, #tpu.memory_space<vmem>>[vector<16xi32>, vector<16xi32>], vector<16xf32>,
      %add3A_1291 = arith.constant 16 : i32
      %add3A_1292 = vector.broadcast %add3A_1291 : i32 to vector<16xi32>
      %add3A_1293 = arith.addi %iota3A, %add3A_1292 : vector<16xi32>
      %scatter3A_1294 = arith.constant 0 : i32
      %scatter3A_1295 = arith.constant 0 : i32
      %scatter3A_1296 = tpu.memref_slice %arg7[%shift_right_logical3A_112, %scatter3A_1294, %scatter3A_1295] : memref<4x64x128xf32, #tpu.memory_space<vmem>> -> memref<1x64x128xf32, #tpu.memory_space<vmem>>
      %scatter3A_1297 = tpu.memref_squeeze %scatter3A_1296 : memref<1x64x128xf32, #tpu.memory_space<vmem>> -> memref<64x128xf32, #tpu.memory_space<vmem>>
      tpu.vector_store_idx %scatter3A_1297[%add3A_1293, %broadcast_in_dim3A_1265], %gather3A_1290 : memref<64x128xf32, #tpu.memory_space<vmem>>[vector<16xi32>, vector<16xi32>], vector<16xf32>,
      %add3A_1298 = arith.constant 32 : i32
      %add3A_1299 = vector.broadcast %add3A_1298 : i32 to vector<16xi32>
      %add3A_1300 = arith.addi %iota3A, %add3A_1299 : vector<16xi32>
      %gather3A_1301 = arith.constant 3 : i32
      %gather3A_1302 = arith.constant 0 : i32
      %gather3A_1303 = arith.constant 0 : i32
      %gather3A_1304 = tpu.memref_slice %arg6[%gather3A_1301, %gather3A_1302, %gather3A_1303] : memref<8x64x128xf32, #tpu.memory_space<vmem>> -> memref<1x64x128xf32, #tpu.memory_space<vmem>>
      %gather3A_1305 = tpu.memref_squeeze %gather3A_1304 : memref<1x64x128xf32, #tpu.memory_space<vmem>> -> memref<64x128xf32, #tpu.memory_space<vmem>>
      %gather3A_1306 = tpu.vector_load_idx %gather3A_1305[%add3A_1300, %broadcast_in_dim3A_1258] : memref<64x128xf32, #tpu.memory_space<vmem>>[vector<16xi32>, vector<16xi32>], vector<16xf32>,
      %add3A_1307 = arith.constant 32 : i32
      %add3A_1308 = vector.broadcast %add3A_1307 : i32 to vector<16xi32>
      %add3A_1309 = arith.addi %iota3A, %add3A_1308 : vector<16xi32>
      %scatter3A_1310 = arith.constant 0 : i32
      %scatter3A_1311 = arith.constant 0 : i32
      %scatter3A_1312 = tpu.memref_slice %arg7[%shift_right_logical3A_112, %scatter3A_1310, %scatter3A_1311] : memref<4x64x128xf32, #tpu.memory_space<vmem>> -> memref<1x64x128xf32, #tpu.memory_space<vmem>>
      %scatter3A_1313 = tpu.memref_squeeze %scatter3A_1312 : memref<1x64x128xf32, #tpu.memory_space<vmem>> -> memref<64x128xf32, #tpu.memory_space<vmem>>
      tpu.vector_store_idx %scatter3A_1313[%add3A_1309, %broadcast_in_dim3A_1265], %gather3A_1306 : memref<64x128xf32, #tpu.memory_space<vmem>>[vector<16xi32>, vector<16xi32>], vector<16xf32>,
      %add3A_1314 = arith.constant 48 : i32
      %add3A_1315 = vector.broadcast %add3A_1314 : i32 to vector<16xi32>
      %add3A_1316 = arith.addi %iota3A, %add3A_1315 : vector<16xi32>
      %gather3A_1317 = arith.constant 3 : i32
      %gather3A_1318 = arith.constant 0 : i32
      %gather3A_1319 = arith.constant 0 : i32
      %gather3A_1320 = tpu.memref_slice %arg6[%gather3A_1317, %gather3A_1318, %gather3A_1319] : memref<8x64x128xf32, #tpu.memory_space<vmem>> -> memref<1x64x128xf32, #tpu.memory_space<vmem>>
      %gather3A_1321 = tpu.memref_squeeze %gather3A_1320 : memref<1x64x128xf32, #tpu.memory_space<vmem>> -> memref<64x128xf32, #tpu.memory_space<vmem>>
      %gather3A_1322 = tpu.vector_load_idx %gather3A_1321[%add3A_1316, %broadcast_in_dim3A_1258] : memref<64x128xf32, #tpu.memory_space<vmem>>[vector<16xi32>, vector<16xi32>], vector<16xf32>,
      %add3A_1323 = arith.constant 48 : i32
      %add3A_1324 = vector.broadcast %add3A_1323 : i32 to vector<16xi32>
      %add3A_1325 = arith.addi %iota3A, %add3A_1324 : vector<16xi32>
      %scatter3A_1326 = arith.constant 0 : i32
      %scatter3A_1327 = arith.constant 0 : i32
      %scatter3A_1328 = tpu.memref_slice %arg7[%shift_right_logical3A_112, %scatter3A_1326, %scatter3A_1327] : memref<4x64x128xf32, #tpu.memory_space<vmem>> -> memref<1x64x128xf32, #tpu.memory_space<vmem>>
      %scatter3A_1329 = tpu.memref_squeeze %scatter3A_1328 : memref<1x64x128xf32, #tpu.memory_space<vmem>> -> memref<64x128xf32, #tpu.memory_space<vmem>>
      tpu.vector_store_idx %scatter3A_1329[%add3A_1325, %broadcast_in_dim3A_1265], %gather3A_1322 : memref<64x128xf32, #tpu.memory_space<vmem>>[vector<16xi32>, vector<16xi32>], vector<16xf32>,
      %mul3A_1330 = arith.constant 16 : i32
      %mul3A_1331 = arith.muli %scan3A_102, %mul3A_1330 : i32
      %add3A_1332 = arith.constant 12 : i32
      %add3A_1333 = arith.addi %mul3A_1331, %add3A_1332 : i32
      %slice3A_1334 = vector.extract_strided_slice %get3A_110 {offsets = [0], sizes = [1], strides = [1]} : vector<16xi32> to vector<1xi32>
      %squeeze3A_1335 = vector.extract %slice3A_1334[0] : i32 from vector<1xi32>
      %lt3A_1336 = arith.constant 508 : i32
      %lt3A_1337 = arith.cmpi slt, %add3A_1333, %lt3A_1336 : i32
      %convert_element_type3A_1338 = arith.extui %lt3A_1337 : i1 to i32
      %cond3A_1339 = arith.constant 0 : i32
      %cond3A_1340 = arith.cmpi ne, %convert_element_type3A_1338, %cond3A_1339 : i32
      scf.if %cond3A_1340 {
        %shift_right_logical3A_1738 = arith.constant 7 : i32
        %shift_right_logical3A_1739 = arith.shrui %squeeze3A_1335, %shift_right_logical3A_1738 : i32
        %shift_left3A_1740 = arith.constant 7 : i32
        %shift_left3A_1741 = arith.shli %shift_right_logical3A_1739, %shift_left3A_1740 : i32
        %multiple_of3A_1742 = tpu.assume_multiple %shift_left3A_1741, 128 : i32
        %dma_start3A_1743 = arith.constant 0 : i32
        %dma_start3A_1744 = arith.constant 0 : i32
        %dma_start3A_1745 = arith.constant 0 : i32
        %dma_start3A_1746 = tpu.memref_slice %arg6[%dma_start3A_1743, %dma_start3A_1744, %dma_start3A_1745] : memref<8x64x128xf32, #tpu.memory_space<vmem>> -> memref<1x64x128xf32, #tpu.memory_space<vmem>>
        %dma_start3A_1747 = tpu.memref_squeeze %dma_start3A_1746 : memref<1x64x128xf32, #tpu.memory_space<vmem>> -> memref<64x128xf32, #tpu.memory_space<vmem>>
        %dma_start3A_1748 = arith.constant 0 : i32
        %dma_start3A_1749 = tpu.memref_slice %arg2[%dma_start3A_1748, %multiple_of3A_1742] : memref<64x1000000xf32, #tpu.memory_space<hbm>> -> memref<64x128xf32, #tpu.memory_space<hbm>>
        %dma_start3A_1750 = arith.constant 0 : i32
        %dma_start3A_1751 = arith.constant 0 : i32
        %dma_start3A_1752 = tpu.memref_slice %arg6[%dma_start3A_1743, %dma_start3A_1750, %dma_start3A_1751] : memref<8x64x128xf32, #tpu.memory_space<vmem>> -> memref<1x64x128xf32, #tpu.memory_space<vmem>>
        %dma_start3A_1753 = tpu.memref_squeeze %dma_start3A_1752 : memref<1x64x128xf32, #tpu.memory_space<vmem>> -> memref<64x128xf32, #tpu.memory_space<vmem>>
        %dma_start3A_1754 = arith.constant 0 : i32
        %dma_start3A_1755 = tpu.memref_slice %arg2[%dma_start3A_1754, %multiple_of3A_1742] : memref<64x1000000xf32, #tpu.memory_space<hbm>> -> memref<64x128xf32, #tpu.memory_space<hbm>>
        tpu.enqueue_dma source(%dma_start3A_1755 : memref<64x128xf32, #tpu.memory_space<hbm>>) target(%dma_start3A_1753 : memref<64x128xf32, #tpu.memory_space<vmem>>) target_semaphore(%arg8 : memref<!tpu.dma_semaphore, #tpu.memory_space<semaphore_mem>>)
      } else {
      }
      %dma_wait3A_1341 = arith.constant 0 : i32
      %dma_wait3A_1342 = arith.constant 0 : i32
      %dma_wait3A_1343 = arith.constant 0 : i32
      %dma_wait3A_1344 = tpu.memref_slice %arg6[%dma_wait3A_1341, %dma_wait3A_1342, %dma_wait3A_1343] : memref<8x64x128xf32, #tpu.memory_space<vmem>> -> memref<1x64x128xf32, #tpu.memory_space<vmem>>
      %dma_wait3A_1345 = tpu.memref_squeeze %dma_wait3A_1344 : memref<1x64x128xf32, #tpu.memory_space<vmem>> -> memref<64x128xf32, #tpu.memory_space<vmem>>
      %dma_wait3A_1346 = arith.constant 0 : i32
      %dma_wait3A_1347 = arith.constant 0 : i32
      %dma_wait3A_1348 = tpu.memref_slice %arg2[%dma_wait3A_1346, %dma_wait3A_1347] : memref<64x1000000xf32, #tpu.memory_space<hbm>> -> memref<64x128xf32, #tpu.memory_space<hbm>>
      %dma_wait3A_1349 = arith.constant 0 : i32
      %dma_wait3A_1350 = arith.constant 0 : i32
      %dma_wait3A_1351 = tpu.memref_slice %arg6[%dma_wait3A_1341, %dma_wait3A_1349, %dma_wait3A_1350] : memref<8x64x128xf32, #tpu.memory_space<vmem>> -> memref<1x64x128xf32, #tpu.memory_space<vmem>>
      %dma_wait3A_1352 = tpu.memref_squeeze %dma_wait3A_1351 : memref<1x64x128xf32, #tpu.memory_space<vmem>> -> memref<64x128xf32, #tpu.memory_space<vmem>>
      %dma_wait3A_1353 = arith.constant 0 : i32
      %dma_wait3A_1354 = arith.constant 0 : i32
      %dma_wait3A_1355 = tpu.memref_slice %arg2[%dma_wait3A_1353, %dma_wait3A_1354] : memref<64x1000000xf32, #tpu.memory_space<hbm>> -> memref<64x128xf32, #tpu.memory_space<hbm>>
      tpu.wait_dma2 semaphore(%arg8 : memref<!tpu.dma_semaphore, #tpu.memory_space<semaphore_mem>>) src(%dma_wait3A_1355 : memref<64x128xf32, #tpu.memory_space<hbm>>) dst(%dma_wait3A_1352 : memref<64x128xf32, #tpu.memory_space<vmem>>)
      %slice3A_1356 = vector.extract_strided_slice %scan3A_103 {offsets = [12], sizes = [1], strides = [1]} : vector<16xi32> to vector<1xi32>
      %squeeze3A_1357 = vector.extract %slice3A_1356[0] : i32 from vector<1xi32>
      %and3A_1358 = arith.constant 127 : i32
      %and3A_1359 = arith.andi %squeeze3A_1357, %and3A_1358 : i32
      %broadcast_in_dim3A_1360 = vector.broadcast %and3A_1359 : i32 to vector<16xi32>
      %and3A_1361 = arith.constant 7 : i32
      %and3A_1362 = arith.andi %scan3A_102, %and3A_1361 : i32
      %mul3A_1363 = arith.constant 16 : i32
      %mul3A_1364 = arith.muli %and3A_1362, %mul3A_1363 : i32
      %add3A_1365 = arith.constant 12 : i32
      %add3A_1366 = arith.addi %mul3A_1364, %add3A_1365 : i32
      %broadcast_in_dim3A_1367 = vector.broadcast %add3A_1366 : i32 to vector<16xi32>
      %add3A_1368 = arith.constant 0 : i32
      %add3A_1369 = vector.broadcast %add3A_1368 : i32 to vector<16xi32>
      %add3A_1370 = arith.addi %iota3A, %add3A_1369 : vector<16xi32>
      %gather3A_1371 = arith.constant 4 : i32
      %gather3A_1372 = arith.constant 0 : i32
      %gather3A_1373 = arith.constant 0 : i32
      %gather3A_1374 = tpu.memref_slice %arg6[%gather3A_1371, %gather3A_1372, %gather3A_1373] : memref<8x64x128xf32, #tpu.memory_space<vmem>> -> memref<1x64x128xf32, #tpu.memory_space<vmem>>
      %gather3A_1375 = tpu.memref_squeeze %gather3A_1374 : memref<1x64x128xf32, #tpu.memory_space<vmem>> -> memref<64x128xf32, #tpu.memory_space<vmem>>
      %gather3A_1376 = tpu.vector_load_idx %gather3A_1375[%add3A_1370, %broadcast_in_dim3A_1360] : memref<64x128xf32, #tpu.memory_space<vmem>>[vector<16xi32>, vector<16xi32>], vector<16xf32>,
      %add3A_1377 = arith.constant 0 : i32
      %add3A_1378 = vector.broadcast %add3A_1377 : i32 to vector<16xi32>
      %add3A_1379 = arith.addi %iota3A, %add3A_1378 : vector<16xi32>
      %scatter3A_1380 = arith.constant 0 : i32
      %scatter3A_1381 = arith.constant 0 : i32
      %scatter3A_1382 = tpu.memref_slice %arg7[%shift_right_logical3A_112, %scatter3A_1380, %scatter3A_1381] : memref<4x64x128xf32, #tpu.memory_space<vmem>> -> memref<1x64x128xf32, #tpu.memory_space<vmem>>
      %scatter3A_1383 = tpu.memref_squeeze %scatter3A_1382 : memref<1x64x128xf32, #tpu.memory_space<vmem>> -> memref<64x128xf32, #tpu.memory_space<vmem>>
      tpu.vector_store_idx %scatter3A_1383[%add3A_1379, %broadcast_in_dim3A_1367], %gather3A_1376 : memref<64x128xf32, #tpu.memory_space<vmem>>[vector<16xi32>, vector<16xi32>], vector<16xf32>,
      %add3A_1384 = arith.constant 16 : i32
      %add3A_1385 = vector.broadcast %add3A_1384 : i32 to vector<16xi32>
      %add3A_1386 = arith.addi %iota3A, %add3A_1385 : vector<16xi32>
      %gather3A_1387 = arith.constant 4 : i32
      %gather3A_1388 = arith.constant 0 : i32
      %gather3A_1389 = arith.constant 0 : i32
      %gather3A_1390 = tpu.memref_slice %arg6[%gather3A_1387, %gather3A_1388, %gather3A_1389] : memref<8x64x128xf32, #tpu.memory_space<vmem>> -> memref<1x64x128xf32, #tpu.memory_space<vmem>>
      %gather3A_1391 = tpu.memref_squeeze %gather3A_1390 : memref<1x64x128xf32, #tpu.memory_space<vmem>> -> memref<64x128xf32, #tpu.memory_space<vmem>>
      %gather3A_1392 = tpu.vector_load_idx %gather3A_1391[%add3A_1386, %broadcast_in_dim3A_1360] : memref<64x128xf32, #tpu.memory_space<vmem>>[vector<16xi32>, vector<16xi32>], vector<16xf32>,
      %add3A_1393 = arith.constant 16 : i32
      %add3A_1394 = vector.broadcast %add3A_1393 : i32 to vector<16xi32>
      %add3A_1395 = arith.addi %iota3A, %add3A_1394 : vector<16xi32>
      %scatter3A_1396 = arith.constant 0 : i32
      %scatter3A_1397 = arith.constant 0 : i32
      %scatter3A_1398 = tpu.memref_slice %arg7[%shift_right_logical3A_112, %scatter3A_1396, %scatter3A_1397] : memref<4x64x128xf32, #tpu.memory_space<vmem>> -> memref<1x64x128xf32, #tpu.memory_space<vmem>>
      %scatter3A_1399 = tpu.memref_squeeze %scatter3A_1398 : memref<1x64x128xf32, #tpu.memory_space<vmem>> -> memref<64x128xf32, #tpu.memory_space<vmem>>
      tpu.vector_store_idx %scatter3A_1399[%add3A_1395, %broadcast_in_dim3A_1367], %gather3A_1392 : memref<64x128xf32, #tpu.memory_space<vmem>>[vector<16xi32>, vector<16xi32>], vector<16xf32>,
      %add3A_1400 = arith.constant 32 : i32
      %add3A_1401 = vector.broadcast %add3A_1400 : i32 to vector<16xi32>
      %add3A_1402 = arith.addi %iota3A, %add3A_1401 : vector<16xi32>
      %gather3A_1403 = arith.constant 4 : i32
      %gather3A_1404 = arith.constant 0 : i32
      %gather3A_1405 = arith.constant 0 : i32
      %gather3A_1406 = tpu.memref_slice %arg6[%gather3A_1403, %gather3A_1404, %gather3A_1405] : memref<8x64x128xf32, #tpu.memory_space<vmem>> -> memref<1x64x128xf32, #tpu.memory_space<vmem>>
      %gather3A_1407 = tpu.memref_squeeze %gather3A_1406 : memref<1x64x128xf32, #tpu.memory_space<vmem>> -> memref<64x128xf32, #tpu.memory_space<vmem>>
      %gather3A_1408 = tpu.vector_load_idx %gather3A_1407[%add3A_1402, %broadcast_in_dim3A_1360] : memref<64x128xf32, #tpu.memory_space<vmem>>[vector<16xi32>, vector<16xi32>], vector<16xf32>,
      %add3A_1409 = arith.constant 32 : i32
      %add3A_1410 = vector.broadcast %add3A_1409 : i32 to vector<16xi32>
      %add3A_1411 = arith.addi %iota3A, %add3A_1410 : vector<16xi32>
      %scatter3A_1412 = arith.constant 0 : i32
      %scatter3A_1413 = arith.constant 0 : i32
      %scatter3A_1414 = tpu.memref_slice %arg7[%shift_right_logical3A_112, %scatter3A_1412, %scatter3A_1413] : memref<4x64x128xf32, #tpu.memory_space<vmem>> -> memref<1x64x128xf32, #tpu.memory_space<vmem>>
      %scatter3A_1415 = tpu.memref_squeeze %scatter3A_1414 : memref<1x64x128xf32, #tpu.memory_space<vmem>> -> memref<64x128xf32, #tpu.memory_space<vmem>>
      tpu.vector_store_idx %scatter3A_1415[%add3A_1411, %broadcast_in_dim3A_1367], %gather3A_1408 : memref<64x128xf32, #tpu.memory_space<vmem>>[vector<16xi32>, vector<16xi32>], vector<16xf32>,
      %add3A_1416 = arith.constant 48 : i32
      %add3A_1417 = vector.broadcast %add3A_1416 : i32 to vector<16xi32>
      %add3A_1418 = arith.addi %iota3A, %add3A_1417 : vector<16xi32>
      %gather3A_1419 = arith.constant 4 : i32
      %gather3A_1420 = arith.constant 0 : i32
      %gather3A_1421 = arith.constant 0 : i32
      %gather3A_1422 = tpu.memref_slice %arg6[%gather3A_1419, %gather3A_1420, %gather3A_1421] : memref<8x64x128xf32, #tpu.memory_space<vmem>> -> memref<1x64x128xf32, #tpu.memory_space<vmem>>
      %gather3A_1423 = tpu.memref_squeeze %gather3A_1422 : memref<1x64x128xf32, #tpu.memory_space<vmem>> -> memref<64x128xf32, #tpu.memory_space<vmem>>
      %gather3A_1424 = tpu.vector_load_idx %gather3A_1423[%add3A_1418, %broadcast_in_dim3A_1360] : memref<64x128xf32, #tpu.memory_space<vmem>>[vector<16xi32>, vector<16xi32>], vector<16xf32>,
      %add3A_1425 = arith.constant 48 : i32
      %add3A_1426 = vector.broadcast %add3A_1425 : i32 to vector<16xi32>
      %add3A_1427 = arith.addi %iota3A, %add3A_1426 : vector<16xi32>
      %scatter3A_1428 = arith.constant 0 : i32
      %scatter3A_1429 = arith.constant 0 : i32
      %scatter3A_1430 = tpu.memref_slice %arg7[%shift_right_logical3A_112, %scatter3A_1428, %scatter3A_1429] : memref<4x64x128xf32, #tpu.memory_space<vmem>> -> memref<1x64x128xf32, #tpu.memory_space<vmem>>
      %scatter3A_1431 = tpu.memref_squeeze %scatter3A_1430 : memref<1x64x128xf32, #tpu.memory_space<vmem>> -> memref<64x128xf32, #tpu.memory_space<vmem>>
      tpu.vector_store_idx %scatter3A_1431[%add3A_1427, %broadcast_in_dim3A_1367], %gather3A_1424 : memref<64x128xf32, #tpu.memory_space<vmem>>[vector<16xi32>, vector<16xi32>], vector<16xf32>,
      %mul3A_1432 = arith.constant 16 : i32
      %mul3A_1433 = arith.muli %scan3A_102, %mul3A_1432 : i32
      %add3A_1434 = arith.constant 13 : i32
      %add3A_1435 = arith.addi %mul3A_1433, %add3A_1434 : i32
      %slice3A_1436 = vector.extract_strided_slice %get3A_110 {offsets = [1], sizes = [1], strides = [1]} : vector<16xi32> to vector<1xi32>
      %squeeze3A_1437 = vector.extract %slice3A_1436[0] : i32 from vector<1xi32>
      %lt3A_1438 = arith.constant 508 : i32
      %lt3A_1439 = arith.cmpi slt, %add3A_1435, %lt3A_1438 : i32
      %convert_element_type3A_1440 = arith.extui %lt3A_1439 : i1 to i32
      %cond3A_1441 = arith.constant 0 : i32
      %cond3A_1442 = arith.cmpi ne, %convert_element_type3A_1440, %cond3A_1441 : i32
      scf.if %cond3A_1442 {
        %shift_right_logical3A_1738 = arith.constant 7 : i32
        %shift_right_logical3A_1739 = arith.shrui %squeeze3A_1437, %shift_right_logical3A_1738 : i32
        %shift_left3A_1740 = arith.constant 7 : i32
        %shift_left3A_1741 = arith.shli %shift_right_logical3A_1739, %shift_left3A_1740 : i32
        %multiple_of3A_1742 = tpu.assume_multiple %shift_left3A_1741, 128 : i32
        %dma_start3A_1743 = arith.constant 1 : i32
        %dma_start3A_1744 = arith.constant 0 : i32
        %dma_start3A_1745 = arith.constant 0 : i32
        %dma_start3A_1746 = tpu.memref_slice %arg6[%dma_start3A_1743, %dma_start3A_1744, %dma_start3A_1745] : memref<8x64x128xf32, #tpu.memory_space<vmem>> -> memref<1x64x128xf32, #tpu.memory_space<vmem>>
        %dma_start3A_1747 = tpu.memref_squeeze %dma_start3A_1746 : memref<1x64x128xf32, #tpu.memory_space<vmem>> -> memref<64x128xf32, #tpu.memory_space<vmem>>
        %dma_start3A_1748 = arith.constant 0 : i32
        %dma_start3A_1749 = tpu.memref_slice %arg2[%dma_start3A_1748, %multiple_of3A_1742] : memref<64x1000000xf32, #tpu.memory_space<hbm>> -> memref<64x128xf32, #tpu.memory_space<hbm>>
        %dma_start3A_1750 = arith.constant 0 : i32
        %dma_start3A_1751 = arith.constant 0 : i32
        %dma_start3A_1752 = tpu.memref_slice %arg6[%dma_start3A_1743, %dma_start3A_1750, %dma_start3A_1751] : memref<8x64x128xf32, #tpu.memory_space<vmem>> -> memref<1x64x128xf32, #tpu.memory_space<vmem>>
        %dma_start3A_1753 = tpu.memref_squeeze %dma_start3A_1752 : memref<1x64x128xf32, #tpu.memory_space<vmem>> -> memref<64x128xf32, #tpu.memory_space<vmem>>
        %dma_start3A_1754 = arith.constant 0 : i32
        %dma_start3A_1755 = tpu.memref_slice %arg2[%dma_start3A_1754, %multiple_of3A_1742] : memref<64x1000000xf32, #tpu.memory_space<hbm>> -> memref<64x128xf32, #tpu.memory_space<hbm>>
        tpu.enqueue_dma source(%dma_start3A_1755 : memref<64x128xf32, #tpu.memory_space<hbm>>) target(%dma_start3A_1753 : memref<64x128xf32, #tpu.memory_space<vmem>>) target_semaphore(%arg8 : memref<!tpu.dma_semaphore, #tpu.memory_space<semaphore_mem>>)
      } else {
      }
      %dma_wait3A_1443 = arith.constant 0 : i32
      %dma_wait3A_1444 = arith.constant 0 : i32
      %dma_wait3A_1445 = arith.constant 0 : i32
      %dma_wait3A_1446 = tpu.memref_slice %arg6[%dma_wait3A_1443, %dma_wait3A_1444, %dma_wait3A_1445] : memref<8x64x128xf32, #tpu.memory_space<vmem>> -> memref<1x64x128xf32, #tpu.memory_space<vmem>>
      %dma_wait3A_1447 = tpu.memref_squeeze %dma_wait3A_1446 : memref<1x64x128xf32, #tpu.memory_space<vmem>> -> memref<64x128xf32, #tpu.memory_space<vmem>>
      %dma_wait3A_1448 = arith.constant 0 : i32
      %dma_wait3A_1449 = arith.constant 0 : i32
      %dma_wait3A_1450 = tpu.memref_slice %arg2[%dma_wait3A_1448, %dma_wait3A_1449] : memref<64x1000000xf32, #tpu.memory_space<hbm>> -> memref<64x128xf32, #tpu.memory_space<hbm>>
      %dma_wait3A_1451 = arith.constant 0 : i32
      %dma_wait3A_1452 = arith.constant 0 : i32
      %dma_wait3A_1453 = tpu.memref_slice %arg6[%dma_wait3A_1443, %dma_wait3A_1451, %dma_wait3A_1452] : memref<8x64x128xf32, #tpu.memory_space<vmem>> -> memref<1x64x128xf32, #tpu.memory_space<vmem>>
      %dma_wait3A_1454 = tpu.memref_squeeze %dma_wait3A_1453 : memref<1x64x128xf32, #tpu.memory_space<vmem>> -> memref<64x128xf32, #tpu.memory_space<vmem>>
      %dma_wait3A_1455 = arith.constant 0 : i32
      %dma_wait3A_1456 = arith.constant 0 : i32
      %dma_wait3A_1457 = tpu.memref_slice %arg2[%dma_wait3A_1455, %dma_wait3A_1456] : memref<64x1000000xf32, #tpu.memory_space<hbm>> -> memref<64x128xf32, #tpu.memory_space<hbm>>
      tpu.wait_dma2 semaphore(%arg8 : memref<!tpu.dma_semaphore, #tpu.memory_space<semaphore_mem>>) src(%dma_wait3A_1457 : memref<64x128xf32, #tpu.memory_space<hbm>>) dst(%dma_wait3A_1454 : memref<64x128xf32, #tpu.memory_space<vmem>>)
      %slice3A_1458 = vector.extract_strided_slice %scan3A_103 {offsets = [13], sizes = [1], strides = [1]} : vector<16xi32> to vector<1xi32>
      %squeeze3A_1459 = vector.extract %slice3A_1458[0] : i32 from vector<1xi32>
      %and3A_1460 = arith.constant 127 : i32
      %and3A_1461 = arith.andi %squeeze3A_1459, %and3A_1460 : i32
      %broadcast_in_dim3A_1462 = vector.broadcast %and3A_1461 : i32 to vector<16xi32>
      %and3A_1463 = arith.constant 7 : i32
      %and3A_1464 = arith.andi %scan3A_102, %and3A_1463 : i32
      %mul3A_1465 = arith.constant 16 : i32
      %mul3A_1466 = arith.muli %and3A_1464, %mul3A_1465 : i32
      %add3A_1467 = arith.constant 13 : i32
      %add3A_1468 = arith.addi %mul3A_1466, %add3A_1467 : i32
      %broadcast_in_dim3A_1469 = vector.broadcast %add3A_1468 : i32 to vector<16xi32>
      %add3A_1470 = arith.constant 0 : i32
      %add3A_1471 = vector.broadcast %add3A_1470 : i32 to vector<16xi32>
      %add3A_1472 = arith.addi %iota3A, %add3A_1471 : vector<16xi32>
      %gather3A_1473 = arith.constant 5 : i32
      %gather3A_1474 = arith.constant 0 : i32
      %gather3A_1475 = arith.constant 0 : i32
      %gather3A_1476 = tpu.memref_slice %arg6[%gather3A_1473, %gather3A_1474, %gather3A_1475] : memref<8x64x128xf32, #tpu.memory_space<vmem>> -> memref<1x64x128xf32, #tpu.memory_space<vmem>>
      %gather3A_1477 = tpu.memref_squeeze %gather3A_1476 : memref<1x64x128xf32, #tpu.memory_space<vmem>> -> memref<64x128xf32, #tpu.memory_space<vmem>>
      %gather3A_1478 = tpu.vector_load_idx %gather3A_1477[%add3A_1472, %broadcast_in_dim3A_1462] : memref<64x128xf32, #tpu.memory_space<vmem>>[vector<16xi32>, vector<16xi32>], vector<16xf32>,
      %add3A_1479 = arith.constant 0 : i32
      %add3A_1480 = vector.broadcast %add3A_1479 : i32 to vector<16xi32>
      %add3A_1481 = arith.addi %iota3A, %add3A_1480 : vector<16xi32>
      %scatter3A_1482 = arith.constant 0 : i32
      %scatter3A_1483 = arith.constant 0 : i32
      %scatter3A_1484 = tpu.memref_slice %arg7[%shift_right_logical3A_112, %scatter3A_1482, %scatter3A_1483] : memref<4x64x128xf32, #tpu.memory_space<vmem>> -> memref<1x64x128xf32, #tpu.memory_space<vmem>>
      %scatter3A_1485 = tpu.memref_squeeze %scatter3A_1484 : memref<1x64x128xf32, #tpu.memory_space<vmem>> -> memref<64x128xf32, #tpu.memory_space<vmem>>
      tpu.vector_store_idx %scatter3A_1485[%add3A_1481, %broadcast_in_dim3A_1469], %gather3A_1478 : memref<64x128xf32, #tpu.memory_space<vmem>>[vector<16xi32>, vector<16xi32>], vector<16xf32>,
      %add3A_1486 = arith.constant 16 : i32
      %add3A_1487 = vector.broadcast %add3A_1486 : i32 to vector<16xi32>
      %add3A_1488 = arith.addi %iota3A, %add3A_1487 : vector<16xi32>
      %gather3A_1489 = arith.constant 5 : i32
      %gather3A_1490 = arith.constant 0 : i32
      %gather3A_1491 = arith.constant 0 : i32
      %gather3A_1492 = tpu.memref_slice %arg6[%gather3A_1489, %gather3A_1490, %gather3A_1491] : memref<8x64x128xf32, #tpu.memory_space<vmem>> -> memref<1x64x128xf32, #tpu.memory_space<vmem>>
      %gather3A_1493 = tpu.memref_squeeze %gather3A_1492 : memref<1x64x128xf32, #tpu.memory_space<vmem>> -> memref<64x128xf32, #tpu.memory_space<vmem>>
      %gather3A_1494 = tpu.vector_load_idx %gather3A_1493[%add3A_1488, %broadcast_in_dim3A_1462] : memref<64x128xf32, #tpu.memory_space<vmem>>[vector<16xi32>, vector<16xi32>], vector<16xf32>,
      %add3A_1495 = arith.constant 16 : i32
      %add3A_1496 = vector.broadcast %add3A_1495 : i32 to vector<16xi32>
      %add3A_1497 = arith.addi %iota3A, %add3A_1496 : vector<16xi32>
      %scatter3A_1498 = arith.constant 0 : i32
      %scatter3A_1499 = arith.constant 0 : i32
      %scatter3A_1500 = tpu.memref_slice %arg7[%shift_right_logical3A_112, %scatter3A_1498, %scatter3A_1499] : memref<4x64x128xf32, #tpu.memory_space<vmem>> -> memref<1x64x128xf32, #tpu.memory_space<vmem>>
      %scatter3A_1501 = tpu.memref_squeeze %scatter3A_1500 : memref<1x64x128xf32, #tpu.memory_space<vmem>> -> memref<64x128xf32, #tpu.memory_space<vmem>>
      tpu.vector_store_idx %scatter3A_1501[%add3A_1497, %broadcast_in_dim3A_1469], %gather3A_1494 : memref<64x128xf32, #tpu.memory_space<vmem>>[vector<16xi32>, vector<16xi32>], vector<16xf32>,
      %add3A_1502 = arith.constant 32 : i32
      %add3A_1503 = vector.broadcast %add3A_1502 : i32 to vector<16xi32>
      %add3A_1504 = arith.addi %iota3A, %add3A_1503 : vector<16xi32>
      %gather3A_1505 = arith.constant 5 : i32
      %gather3A_1506 = arith.constant 0 : i32
      %gather3A_1507 = arith.constant 0 : i32
      %gather3A_1508 = tpu.memref_slice %arg6[%gather3A_1505, %gather3A_1506, %gather3A_1507] : memref<8x64x128xf32, #tpu.memory_space<vmem>> -> memref<1x64x128xf32, #tpu.memory_space<vmem>>
      %gather3A_1509 = tpu.memref_squeeze %gather3A_1508 : memref<1x64x128xf32, #tpu.memory_space<vmem>> -> memref<64x128xf32, #tpu.memory_space<vmem>>
      %gather3A_1510 = tpu.vector_load_idx %gather3A_1509[%add3A_1504, %broadcast_in_dim3A_1462] : memref<64x128xf32, #tpu.memory_space<vmem>>[vector<16xi32>, vector<16xi32>], vector<16xf32>,
      %add3A_1511 = arith.constant 32 : i32
      %add3A_1512 = vector.broadcast %add3A_1511 : i32 to vector<16xi32>
      %add3A_1513 = arith.addi %iota3A, %add3A_1512 : vector<16xi32>
      %scatter3A_1514 = arith.constant 0 : i32
      %scatter3A_1515 = arith.constant 0 : i32
      %scatter3A_1516 = tpu.memref_slice %arg7[%shift_right_logical3A_112, %scatter3A_1514, %scatter3A_1515] : memref<4x64x128xf32, #tpu.memory_space<vmem>> -> memref<1x64x128xf32, #tpu.memory_space<vmem>>
      %scatter3A_1517 = tpu.memref_squeeze %scatter3A_1516 : memref<1x64x128xf32, #tpu.memory_space<vmem>> -> memref<64x128xf32, #tpu.memory_space<vmem>>
      tpu.vector_store_idx %scatter3A_1517[%add3A_1513, %broadcast_in_dim3A_1469], %gather3A_1510 : memref<64x128xf32, #tpu.memory_space<vmem>>[vector<16xi32>, vector<16xi32>], vector<16xf32>,
      %add3A_1518 = arith.constant 48 : i32
      %add3A_1519 = vector.broadcast %add3A_1518 : i32 to vector<16xi32>
      %add3A_1520 = arith.addi %iota3A, %add3A_1519 : vector<16xi32>
      %gather3A_1521 = arith.constant 5 : i32
      %gather3A_1522 = arith.constant 0 : i32
      %gather3A_1523 = arith.constant 0 : i32
      %gather3A_1524 = tpu.memref_slice %arg6[%gather3A_1521, %gather3A_1522, %gather3A_1523] : memref<8x64x128xf32, #tpu.memory_space<vmem>> -> memref<1x64x128xf32, #tpu.memory_space<vmem>>
      %gather3A_1525 = tpu.memref_squeeze %gather3A_1524 : memref<1x64x128xf32, #tpu.memory_space<vmem>> -> memref<64x128xf32, #tpu.memory_space<vmem>>
      %gather3A_1526 = tpu.vector_load_idx %gather3A_1525[%add3A_1520, %broadcast_in_dim3A_1462] : memref<64x128xf32, #tpu.memory_space<vmem>>[vector<16xi32>, vector<16xi32>], vector<16xf32>,
      %add3A_1527 = arith.constant 48 : i32
      %add3A_1528 = vector.broadcast %add3A_1527 : i32 to vector<16xi32>
      %add3A_1529 = arith.addi %iota3A, %add3A_1528 : vector<16xi32>
      %scatter3A_1530 = arith.constant 0 : i32
      %scatter3A_1531 = arith.constant 0 : i32
      %scatter3A_1532 = tpu.memref_slice %arg7[%shift_right_logical3A_112, %scatter3A_1530, %scatter3A_1531] : memref<4x64x128xf32, #tpu.memory_space<vmem>> -> memref<1x64x128xf32, #tpu.memory_space<vmem>>
      %scatter3A_1533 = tpu.memref_squeeze %scatter3A_1532 : memref<1x64x128xf32, #tpu.memory_space<vmem>> -> memref<64x128xf32, #tpu.memory_space<vmem>>
      tpu.vector_store_idx %scatter3A_1533[%add3A_1529, %broadcast_in_dim3A_1469], %gather3A_1526 : memref<64x128xf32, #tpu.memory_space<vmem>>[vector<16xi32>, vector<16xi32>], vector<16xf32>,
      %mul3A_1534 = arith.constant 16 : i32
      %mul3A_1535 = arith.muli %scan3A_102, %mul3A_1534 : i32
      %add3A_1536 = arith.constant 14 : i32
      %add3A_1537 = arith.addi %mul3A_1535, %add3A_1536 : i32
      %slice3A_1538 = vector.extract_strided_slice %get3A_110 {offsets = [2], sizes = [1], strides = [1]} : vector<16xi32> to vector<1xi32>
      %squeeze3A_1539 = vector.extract %slice3A_1538[0] : i32 from vector<1xi32>
      %lt3A_1540 = arith.constant 508 : i32
      %lt3A_1541 = arith.cmpi slt, %add3A_1537, %lt3A_1540 : i32
      %convert_element_type3A_1542 = arith.extui %lt3A_1541 : i1 to i32
      %cond3A_1543 = arith.constant 0 : i32
      %cond3A_1544 = arith.cmpi ne, %convert_element_type3A_1542, %cond3A_1543 : i32
      scf.if %cond3A_1544 {
        %shift_right_logical3A_1738 = arith.constant 7 : i32
        %shift_right_logical3A_1739 = arith.shrui %squeeze3A_1539, %shift_right_logical3A_1738 : i32
        %shift_left3A_1740 = arith.constant 7 : i32
        %shift_left3A_1741 = arith.shli %shift_right_logical3A_1739, %shift_left3A_1740 : i32
        %multiple_of3A_1742 = tpu.assume_multiple %shift_left3A_1741, 128 : i32
        %dma_start3A_1743 = arith.constant 2 : i32
        %dma_start3A_1744 = arith.constant 0 : i32
        %dma_start3A_1745 = arith.constant 0 : i32
        %dma_start3A_1746 = tpu.memref_slice %arg6[%dma_start3A_1743, %dma_start3A_1744, %dma_start3A_1745] : memref<8x64x128xf32, #tpu.memory_space<vmem>> -> memref<1x64x128xf32, #tpu.memory_space<vmem>>
        %dma_start3A_1747 = tpu.memref_squeeze %dma_start3A_1746 : memref<1x64x128xf32, #tpu.memory_space<vmem>> -> memref<64x128xf32, #tpu.memory_space<vmem>>
        %dma_start3A_1748 = arith.constant 0 : i32
        %dma_start3A_1749 = tpu.memref_slice %arg2[%dma_start3A_1748, %multiple_of3A_1742] : memref<64x1000000xf32, #tpu.memory_space<hbm>> -> memref<64x128xf32, #tpu.memory_space<hbm>>
        %dma_start3A_1750 = arith.constant 0 : i32
        %dma_start3A_1751 = arith.constant 0 : i32
        %dma_start3A_1752 = tpu.memref_slice %arg6[%dma_start3A_1743, %dma_start3A_1750, %dma_start3A_1751] : memref<8x64x128xf32, #tpu.memory_space<vmem>> -> memref<1x64x128xf32, #tpu.memory_space<vmem>>
        %dma_start3A_1753 = tpu.memref_squeeze %dma_start3A_1752 : memref<1x64x128xf32, #tpu.memory_space<vmem>> -> memref<64x128xf32, #tpu.memory_space<vmem>>
        %dma_start3A_1754 = arith.constant 0 : i32
        %dma_start3A_1755 = tpu.memref_slice %arg2[%dma_start3A_1754, %multiple_of3A_1742] : memref<64x1000000xf32, #tpu.memory_space<hbm>> -> memref<64x128xf32, #tpu.memory_space<hbm>>
        tpu.enqueue_dma source(%dma_start3A_1755 : memref<64x128xf32, #tpu.memory_space<hbm>>) target(%dma_start3A_1753 : memref<64x128xf32, #tpu.memory_space<vmem>>) target_semaphore(%arg8 : memref<!tpu.dma_semaphore, #tpu.memory_space<semaphore_mem>>)
      } else {
      }
      %dma_wait3A_1545 = arith.constant 0 : i32
      %dma_wait3A_1546 = arith.constant 0 : i32
      %dma_wait3A_1547 = arith.constant 0 : i32
      %dma_wait3A_1548 = tpu.memref_slice %arg6[%dma_wait3A_1545, %dma_wait3A_1546, %dma_wait3A_1547] : memref<8x64x128xf32, #tpu.memory_space<vmem>> -> memref<1x64x128xf32, #tpu.memory_space<vmem>>
      %dma_wait3A_1549 = tpu.memref_squeeze %dma_wait3A_1548 : memref<1x64x128xf32, #tpu.memory_space<vmem>> -> memref<64x128xf32, #tpu.memory_space<vmem>>
      %dma_wait3A_1550 = arith.constant 0 : i32
      %dma_wait3A_1551 = arith.constant 0 : i32
      %dma_wait3A_1552 = tpu.memref_slice %arg2[%dma_wait3A_1550, %dma_wait3A_1551] : memref<64x1000000xf32, #tpu.memory_space<hbm>> -> memref<64x128xf32, #tpu.memory_space<hbm>>
      %dma_wait3A_1553 = arith.constant 0 : i32
      %dma_wait3A_1554 = arith.constant 0 : i32
      %dma_wait3A_1555 = tpu.memref_slice %arg6[%dma_wait3A_1545, %dma_wait3A_1553, %dma_wait3A_1554] : memref<8x64x128xf32, #tpu.memory_space<vmem>> -> memref<1x64x128xf32, #tpu.memory_space<vmem>>
      %dma_wait3A_1556 = tpu.memref_squeeze %dma_wait3A_1555 : memref<1x64x128xf32, #tpu.memory_space<vmem>> -> memref<64x128xf32, #tpu.memory_space<vmem>>
      %dma_wait3A_1557 = arith.constant 0 : i32
      %dma_wait3A_1558 = arith.constant 0 : i32
      %dma_wait3A_1559 = tpu.memref_slice %arg2[%dma_wait3A_1557, %dma_wait3A_1558] : memref<64x1000000xf32, #tpu.memory_space<hbm>> -> memref<64x128xf32, #tpu.memory_space<hbm>>
      tpu.wait_dma2 semaphore(%arg8 : memref<!tpu.dma_semaphore, #tpu.memory_space<semaphore_mem>>) src(%dma_wait3A_1559 : memref<64x128xf32, #tpu.memory_space<hbm>>) dst(%dma_wait3A_1556 : memref<64x128xf32, #tpu.memory_space<vmem>>)
      %slice3A_1560 = vector.extract_strided_slice %scan3A_103 {offsets = [14], sizes = [1], strides = [1]} : vector<16xi32> to vector<1xi32>
      %squeeze3A_1561 = vector.extract %slice3A_1560[0] : i32 from vector<1xi32>
      %and3A_1562 = arith.constant 127 : i32
      %and3A_1563 = arith.andi %squeeze3A_1561, %and3A_1562 : i32
      %broadcast_in_dim3A_1564 = vector.broadcast %and3A_1563 : i32 to vector<16xi32>
      %and3A_1565 = arith.constant 7 : i32
      %and3A_1566 = arith.andi %scan3A_102, %and3A_1565 : i32
      %mul3A_1567 = arith.constant 16 : i32
      %mul3A_1568 = arith.muli %and3A_1566, %mul3A_1567 : i32
      %add3A_1569 = arith.constant 14 : i32
      %add3A_1570 = arith.addi %mul3A_1568, %add3A_1569 : i32
      %broadcast_in_dim3A_1571 = vector.broadcast %add3A_1570 : i32 to vector<16xi32>
      %add3A_1572 = arith.constant 0 : i32
      %add3A_1573 = vector.broadcast %add3A_1572 : i32 to vector<16xi32>
      %add3A_1574 = arith.addi %iota3A, %add3A_1573 : vector<16xi32>
      %gather3A_1575 = arith.constant 6 : i32
      %gather3A_1576 = arith.constant 0 : i32
      %gather3A_1577 = arith.constant 0 : i32
      %gather3A_1578 = tpu.memref_slice %arg6[%gather3A_1575, %gather3A_1576, %gather3A_1577] : memref<8x64x128xf32, #tpu.memory_space<vmem>> -> memref<1x64x128xf32, #tpu.memory_space<vmem>>
      %gather3A_1579 = tpu.memref_squeeze %gather3A_1578 : memref<1x64x128xf32, #tpu.memory_space<vmem>> -> memref<64x128xf32, #tpu.memory_space<vmem>>
      %gather3A_1580 = tpu.vector_load_idx %gather3A_1579[%add3A_1574, %broadcast_in_dim3A_1564] : memref<64x128xf32, #tpu.memory_space<vmem>>[vector<16xi32>, vector<16xi32>], vector<16xf32>,
      %add3A_1581 = arith.constant 0 : i32
      %add3A_1582 = vector.broadcast %add3A_1581 : i32 to vector<16xi32>
      %add3A_1583 = arith.addi %iota3A, %add3A_1582 : vector<16xi32>
      %scatter3A_1584 = arith.constant 0 : i32
      %scatter3A_1585 = arith.constant 0 : i32
      %scatter3A_1586 = tpu.memref_slice %arg7[%shift_right_logical3A_112, %scatter3A_1584, %scatter3A_1585] : memref<4x64x128xf32, #tpu.memory_space<vmem>> -> memref<1x64x128xf32, #tpu.memory_space<vmem>>
      %scatter3A_1587 = tpu.memref_squeeze %scatter3A_1586 : memref<1x64x128xf32, #tpu.memory_space<vmem>> -> memref<64x128xf32, #tpu.memory_space<vmem>>
      tpu.vector_store_idx %scatter3A_1587[%add3A_1583, %broadcast_in_dim3A_1571], %gather3A_1580 : memref<64x128xf32, #tpu.memory_space<vmem>>[vector<16xi32>, vector<16xi32>], vector<16xf32>,
      %add3A_1588 = arith.constant 16 : i32
      %add3A_1589 = vector.broadcast %add3A_1588 : i32 to vector<16xi32>
      %add3A_1590 = arith.addi %iota3A, %add3A_1589 : vector<16xi32>
      %gather3A_1591 = arith.constant 6 : i32
      %gather3A_1592 = arith.constant 0 : i32
      %gather3A_1593 = arith.constant 0 : i32
      %gather3A_1594 = tpu.memref_slice %arg6[%gather3A_1591, %gather3A_1592, %gather3A_1593] : memref<8x64x128xf32, #tpu.memory_space<vmem>> -> memref<1x64x128xf32, #tpu.memory_space<vmem>>
      %gather3A_1595 = tpu.memref_squeeze %gather3A_1594 : memref<1x64x128xf32, #tpu.memory_space<vmem>> -> memref<64x128xf32, #tpu.memory_space<vmem>>
      %gather3A_1596 = tpu.vector_load_idx %gather3A_1595[%add3A_1590, %broadcast_in_dim3A_1564] : memref<64x128xf32, #tpu.memory_space<vmem>>[vector<16xi32>, vector<16xi32>], vector<16xf32>,
      %add3A_1597 = arith.constant 16 : i32
      %add3A_1598 = vector.broadcast %add3A_1597 : i32 to vector<16xi32>
      %add3A_1599 = arith.addi %iota3A, %add3A_1598 : vector<16xi32>
      %scatter3A_1600 = arith.constant 0 : i32
      %scatter3A_1601 = arith.constant 0 : i32
      %scatter3A_1602 = tpu.memref_slice %arg7[%shift_right_logical3A_112, %scatter3A_1600, %scatter3A_1601] : memref<4x64x128xf32, #tpu.memory_space<vmem>> -> memref<1x64x128xf32, #tpu.memory_space<vmem>>
      %scatter3A_1603 = tpu.memref_squeeze %scatter3A_1602 : memref<1x64x128xf32, #tpu.memory_space<vmem>> -> memref<64x128xf32, #tpu.memory_space<vmem>>
      tpu.vector_store_idx %scatter3A_1603[%add3A_1599, %broadcast_in_dim3A_1571], %gather3A_1596 : memref<64x128xf32, #tpu.memory_space<vmem>>[vector<16xi32>, vector<16xi32>], vector<16xf32>,
      %add3A_1604 = arith.constant 32 : i32
      %add3A_1605 = vector.broadcast %add3A_1604 : i32 to vector<16xi32>
      %add3A_1606 = arith.addi %iota3A, %add3A_1605 : vector<16xi32>
      %gather3A_1607 = arith.constant 6 : i32
      %gather3A_1608 = arith.constant 0 : i32
      %gather3A_1609 = arith.constant 0 : i32
      %gather3A_1610 = tpu.memref_slice %arg6[%gather3A_1607, %gather3A_1608, %gather3A_1609] : memref<8x64x128xf32, #tpu.memory_space<vmem>> -> memref<1x64x128xf32, #tpu.memory_space<vmem>>
      %gather3A_1611 = tpu.memref_squeeze %gather3A_1610 : memref<1x64x128xf32, #tpu.memory_space<vmem>> -> memref<64x128xf32, #tpu.memory_space<vmem>>
      %gather3A_1612 = tpu.vector_load_idx %gather3A_1611[%add3A_1606, %broadcast_in_dim3A_1564] : memref<64x128xf32, #tpu.memory_space<vmem>>[vector<16xi32>, vector<16xi32>], vector<16xf32>,
      %add3A_1613 = arith.constant 32 : i32
      %add3A_1614 = vector.broadcast %add3A_1613 : i32 to vector<16xi32>
      %add3A_1615 = arith.addi %iota3A, %add3A_1614 : vector<16xi32>
      %scatter3A_1616 = arith.constant 0 : i32
      %scatter3A_1617 = arith.constant 0 : i32
      %scatter3A_1618 = tpu.memref_slice %arg7[%shift_right_logical3A_112, %scatter3A_1616, %scatter3A_1617] : memref<4x64x128xf32, #tpu.memory_space<vmem>> -> memref<1x64x128xf32, #tpu.memory_space<vmem>>
      %scatter3A_1619 = tpu.memref_squeeze %scatter3A_1618 : memref<1x64x128xf32, #tpu.memory_space<vmem>> -> memref<64x128xf32, #tpu.memory_space<vmem>>
      tpu.vector_store_idx %scatter3A_1619[%add3A_1615, %broadcast_in_dim3A_1571], %gather3A_1612 : memref<64x128xf32, #tpu.memory_space<vmem>>[vector<16xi32>, vector<16xi32>], vector<16xf32>,
      %add3A_1620 = arith.constant 48 : i32
      %add3A_1621 = vector.broadcast %add3A_1620 : i32 to vector<16xi32>
      %add3A_1622 = arith.addi %iota3A, %add3A_1621 : vector<16xi32>
      %gather3A_1623 = arith.constant 6 : i32
      %gather3A_1624 = arith.constant 0 : i32
      %gather3A_1625 = arith.constant 0 : i32
      %gather3A_1626 = tpu.memref_slice %arg6[%gather3A_1623, %gather3A_1624, %gather3A_1625] : memref<8x64x128xf32, #tpu.memory_space<vmem>> -> memref<1x64x128xf32, #tpu.memory_space<vmem>>
      %gather3A_1627 = tpu.memref_squeeze %gather3A_1626 : memref<1x64x128xf32, #tpu.memory_space<vmem>> -> memref<64x128xf32, #tpu.memory_space<vmem>>
      %gather3A_1628 = tpu.vector_load_idx %gather3A_1627[%add3A_1622, %broadcast_in_dim3A_1564] : memref<64x128xf32, #tpu.memory_space<vmem>>[vector<16xi32>, vector<16xi32>], vector<16xf32>,
      %add3A_1629 = arith.constant 48 : i32
      %add3A_1630 = vector.broadcast %add3A_1629 : i32 to vector<16xi32>
      %add3A_1631 = arith.addi %iota3A, %add3A_1630 : vector<16xi32>
      %scatter3A_1632 = arith.constant 0 : i32
      %scatter3A_1633 = arith.constant 0 : i32
      %scatter3A_1634 = tpu.memref_slice %arg7[%shift_right_logical3A_112, %scatter3A_1632, %scatter3A_1633] : memref<4x64x128xf32, #tpu.memory_space<vmem>> -> memref<1x64x128xf32, #tpu.memory_space<vmem>>
      %scatter3A_1635 = tpu.memref_squeeze %scatter3A_1634 : memref<1x64x128xf32, #tpu.memory_space<vmem>> -> memref<64x128xf32, #tpu.memory_space<vmem>>
      tpu.vector_store_idx %scatter3A_1635[%add3A_1631, %broadcast_in_dim3A_1571], %gather3A_1628 : memref<64x128xf32, #tpu.memory_space<vmem>>[vector<16xi32>, vector<16xi32>], vector<16xf32>,
      %mul3A_1636 = arith.constant 16 : i32
      %mul3A_1637 = arith.muli %scan3A_102, %mul3A_1636 : i32
      %add3A_1638 = arith.constant 15 : i32
      %add3A_1639 = arith.addi %mul3A_1637, %add3A_1638 : i32
      %slice3A_1640 = vector.extract_strided_slice %get3A_110 {offsets = [3], sizes = [1], strides = [1]} : vector<16xi32> to vector<1xi32>
      %squeeze3A_1641 = vector.extract %slice3A_1640[0] : i32 from vector<1xi32>
      %lt3A_1642 = arith.constant 508 : i32
      %lt3A_1643 = arith.cmpi slt, %add3A_1639, %lt3A_1642 : i32
      %convert_element_type3A_1644 = arith.extui %lt3A_1643 : i1 to i32
      %cond3A_1645 = arith.constant 0 : i32
      %cond3A_1646 = arith.cmpi ne, %convert_element_type3A_1644, %cond3A_1645 : i32
      scf.if %cond3A_1646 {
        %shift_right_logical3A_1738 = arith.constant 7 : i32
        %shift_right_logical3A_1739 = arith.shrui %squeeze3A_1641, %shift_right_logical3A_1738 : i32
        %shift_left3A_1740 = arith.constant 7 : i32
        %shift_left3A_1741 = arith.shli %shift_right_logical3A_1739, %shift_left3A_1740 : i32
        %multiple_of3A_1742 = tpu.assume_multiple %shift_left3A_1741, 128 : i32
        %dma_start3A_1743 = arith.constant 3 : i32
        %dma_start3A_1744 = arith.constant 0 : i32
        %dma_start3A_1745 = arith.constant 0 : i32
        %dma_start3A_1746 = tpu.memref_slice %arg6[%dma_start3A_1743, %dma_start3A_1744, %dma_start3A_1745] : memref<8x64x128xf32, #tpu.memory_space<vmem>> -> memref<1x64x128xf32, #tpu.memory_space<vmem>>
        %dma_start3A_1747 = tpu.memref_squeeze %dma_start3A_1746 : memref<1x64x128xf32, #tpu.memory_space<vmem>> -> memref<64x128xf32, #tpu.memory_space<vmem>>
        %dma_start3A_1748 = arith.constant 0 : i32
        %dma_start3A_1749 = tpu.memref_slice %arg2[%dma_start3A_1748, %multiple_of3A_1742] : memref<64x1000000xf32, #tpu.memory_space<hbm>> -> memref<64x128xf32, #tpu.memory_space<hbm>>
        %dma_start3A_1750 = arith.constant 0 : i32
        %dma_start3A_1751 = arith.constant 0 : i32
        %dma_start3A_1752 = tpu.memref_slice %arg6[%dma_start3A_1743, %dma_start3A_1750, %dma_start3A_1751] : memref<8x64x128xf32, #tpu.memory_space<vmem>> -> memref<1x64x128xf32, #tpu.memory_space<vmem>>
        %dma_start3A_1753 = tpu.memref_squeeze %dma_start3A_1752 : memref<1x64x128xf32, #tpu.memory_space<vmem>> -> memref<64x128xf32, #tpu.memory_space<vmem>>
        %dma_start3A_1754 = arith.constant 0 : i32
        %dma_start3A_1755 = tpu.memref_slice %arg2[%dma_start3A_1754, %multiple_of3A_1742] : memref<64x1000000xf32, #tpu.memory_space<hbm>> -> memref<64x128xf32, #tpu.memory_space<hbm>>
        tpu.enqueue_dma source(%dma_start3A_1755 : memref<64x128xf32, #tpu.memory_space<hbm>>) target(%dma_start3A_1753 : memref<64x128xf32, #tpu.memory_space<vmem>>) target_semaphore(%arg8 : memref<!tpu.dma_semaphore, #tpu.memory_space<semaphore_mem>>)
      } else {
      }
      %dma_wait3A_1647 = arith.constant 0 : i32
      %dma_wait3A_1648 = arith.constant 0 : i32
      %dma_wait3A_1649 = arith.constant 0 : i32
      %dma_wait3A_1650 = tpu.memref_slice %arg6[%dma_wait3A_1647, %dma_wait3A_1648, %dma_wait3A_1649] : memref<8x64x128xf32, #tpu.memory_space<vmem>> -> memref<1x64x128xf32, #tpu.memory_space<vmem>>
      %dma_wait3A_1651 = tpu.memref_squeeze %dma_wait3A_1650 : memref<1x64x128xf32, #tpu.memory_space<vmem>> -> memref<64x128xf32, #tpu.memory_space<vmem>>
      %dma_wait3A_1652 = arith.constant 0 : i32
      %dma_wait3A_1653 = arith.constant 0 : i32
      %dma_wait3A_1654 = tpu.memref_slice %arg2[%dma_wait3A_1652, %dma_wait3A_1653] : memref<64x1000000xf32, #tpu.memory_space<hbm>> -> memref<64x128xf32, #tpu.memory_space<hbm>>
      %dma_wait3A_1655 = arith.constant 0 : i32
      %dma_wait3A_1656 = arith.constant 0 : i32
      %dma_wait3A_1657 = tpu.memref_slice %arg6[%dma_wait3A_1647, %dma_wait3A_1655, %dma_wait3A_1656] : memref<8x64x128xf32, #tpu.memory_space<vmem>> -> memref<1x64x128xf32, #tpu.memory_space<vmem>>
      %dma_wait3A_1658 = tpu.memref_squeeze %dma_wait3A_1657 : memref<1x64x128xf32, #tpu.memory_space<vmem>> -> memref<64x128xf32, #tpu.memory_space<vmem>>
      %dma_wait3A_1659 = arith.constant 0 : i32
      %dma_wait3A_1660 = arith.constant 0 : i32
      %dma_wait3A_1661 = tpu.memref_slice %arg2[%dma_wait3A_1659, %dma_wait3A_1660] : memref<64x1000000xf32, #tpu.memory_space<hbm>> -> memref<64x128xf32, #tpu.memory_space<hbm>>
      tpu.wait_dma2 semaphore(%arg8 : memref<!tpu.dma_semaphore, #tpu.memory_space<semaphore_mem>>) src(%dma_wait3A_1661 : memref<64x128xf32, #tpu.memory_space<hbm>>) dst(%dma_wait3A_1658 : memref<64x128xf32, #tpu.memory_space<vmem>>)
      %slice3A_1662 = vector.extract_strided_slice %scan3A_103 {offsets = [15], sizes = [1], strides = [1]} : vector<16xi32> to vector<1xi32>
      %squeeze3A_1663 = vector.extract %slice3A_1662[0] : i32 from vector<1xi32>
      %and3A_1664 = arith.constant 127 : i32
      %and3A_1665 = arith.andi %squeeze3A_1663, %and3A_1664 : i32
      %broadcast_in_dim3A_1666 = vector.broadcast %and3A_1665 : i32 to vector<16xi32>
      %and3A_1667 = arith.constant 7 : i32
      %and3A_1668 = arith.andi %scan3A_102, %and3A_1667 : i32
      %mul3A_1669 = arith.constant 16 : i32
      %mul3A_1670 = arith.muli %and3A_1668, %mul3A_1669 : i32
      %add3A_1671 = arith.constant 15 : i32
      %add3A_1672 = arith.addi %mul3A_1670, %add3A_1671 : i32
      %broadcast_in_dim3A_1673 = vector.broadcast %add3A_1672 : i32 to vector<16xi32>
      %add3A_1674 = arith.constant 0 : i32
      %add3A_1675 = vector.broadcast %add3A_1674 : i32 to vector<16xi32>
      %add3A_1676 = arith.addi %iota3A, %add3A_1675 : vector<16xi32>
      %gather3A_1677 = arith.constant 7 : i32
      %gather3A_1678 = arith.constant 0 : i32
      %gather3A_1679 = arith.constant 0 : i32
      %gather3A_1680 = tpu.memref_slice %arg6[%gather3A_1677, %gather3A_1678, %gather3A_1679] : memref<8x64x128xf32, #tpu.memory_space<vmem>> -> memref<1x64x128xf32, #tpu.memory_space<vmem>>
      %gather3A_1681 = tpu.memref_squeeze %gather3A_1680 : memref<1x64x128xf32, #tpu.memory_space<vmem>> -> memref<64x128xf32, #tpu.memory_space<vmem>>
      %gather3A_1682 = tpu.vector_load_idx %gather3A_1681[%add3A_1676, %broadcast_in_dim3A_1666] : memref<64x128xf32, #tpu.memory_space<vmem>>[vector<16xi32>, vector<16xi32>], vector<16xf32>,
      %add3A_1683 = arith.constant 0 : i32
      %add3A_1684 = vector.broadcast %add3A_1683 : i32 to vector<16xi32>
      %add3A_1685 = arith.addi %iota3A, %add3A_1684 : vector<16xi32>
      %scatter3A_1686 = arith.constant 0 : i32
      %scatter3A_1687 = arith.constant 0 : i32
      %scatter3A_1688 = tpu.memref_slice %arg7[%shift_right_logical3A_112, %scatter3A_1686, %scatter3A_1687] : memref<4x64x128xf32, #tpu.memory_space<vmem>> -> memref<1x64x128xf32, #tpu.memory_space<vmem>>
      %scatter3A_1689 = tpu.memref_squeeze %scatter3A_1688 : memref<1x64x128xf32, #tpu.memory_space<vmem>> -> memref<64x128xf32, #tpu.memory_space<vmem>>
      tpu.vector_store_idx %scatter3A_1689[%add3A_1685, %broadcast_in_dim3A_1673], %gather3A_1682 : memref<64x128xf32, #tpu.memory_space<vmem>>[vector<16xi32>, vector<16xi32>], vector<16xf32>,
      %add3A_1690 = arith.constant 16 : i32
      %add3A_1691 = vector.broadcast %add3A_1690 : i32 to vector<16xi32>
      %add3A_1692 = arith.addi %iota3A, %add3A_1691 : vector<16xi32>
      %gather3A_1693 = arith.constant 7 : i32
      %gather3A_1694 = arith.constant 0 : i32
      %gather3A_1695 = arith.constant 0 : i32
      %gather3A_1696 = tpu.memref_slice %arg6[%gather3A_1693, %gather3A_1694, %gather3A_1695] : memref<8x64x128xf32, #tpu.memory_space<vmem>> -> memref<1x64x128xf32, #tpu.memory_space<vmem>>
      %gather3A_1697 = tpu.memref_squeeze %gather3A_1696 : memref<1x64x128xf32, #tpu.memory_space<vmem>> -> memref<64x128xf32, #tpu.memory_space<vmem>>
      %gather3A_1698 = tpu.vector_load_idx %gather3A_1697[%add3A_1692, %broadcast_in_dim3A_1666] : memref<64x128xf32, #tpu.memory_space<vmem>>[vector<16xi32>, vector<16xi32>], vector<16xf32>,
      %add3A_1699 = arith.constant 16 : i32
      %add3A_1700 = vector.broadcast %add3A_1699 : i32 to vector<16xi32>
      %add3A_1701 = arith.addi %iota3A, %add3A_1700 : vector<16xi32>
      %scatter3A_1702 = arith.constant 0 : i32
      %scatter3A_1703 = arith.constant 0 : i32
      %scatter3A_1704 = tpu.memref_slice %arg7[%shift_right_logical3A_112, %scatter3A_1702, %scatter3A_1703] : memref<4x64x128xf32, #tpu.memory_space<vmem>> -> memref<1x64x128xf32, #tpu.memory_space<vmem>>
      %scatter3A_1705 = tpu.memref_squeeze %scatter3A_1704 : memref<1x64x128xf32, #tpu.memory_space<vmem>> -> memref<64x128xf32, #tpu.memory_space<vmem>>
      tpu.vector_store_idx %scatter3A_1705[%add3A_1701, %broadcast_in_dim3A_1673], %gather3A_1698 : memref<64x128xf32, #tpu.memory_space<vmem>>[vector<16xi32>, vector<16xi32>], vector<16xf32>,
      %add3A_1706 = arith.constant 32 : i32
      %add3A_1707 = vector.broadcast %add3A_1706 : i32 to vector<16xi32>
      %add3A_1708 = arith.addi %iota3A, %add3A_1707 : vector<16xi32>
      %gather3A_1709 = arith.constant 7 : i32
      %gather3A_1710 = arith.constant 0 : i32
      %gather3A_1711 = arith.constant 0 : i32
      %gather3A_1712 = tpu.memref_slice %arg6[%gather3A_1709, %gather3A_1710, %gather3A_1711] : memref<8x64x128xf32, #tpu.memory_space<vmem>> -> memref<1x64x128xf32, #tpu.memory_space<vmem>>
      %gather3A_1713 = tpu.memref_squeeze %gather3A_1712 : memref<1x64x128xf32, #tpu.memory_space<vmem>> -> memref<64x128xf32, #tpu.memory_space<vmem>>
      %gather3A_1714 = tpu.vector_load_idx %gather3A_1713[%add3A_1708, %broadcast_in_dim3A_1666] : memref<64x128xf32, #tpu.memory_space<vmem>>[vector<16xi32>, vector<16xi32>], vector<16xf32>,
      %add3A_1715 = arith.constant 32 : i32
      %add3A_1716 = vector.broadcast %add3A_1715 : i32 to vector<16xi32>
      %add3A_1717 = arith.addi %iota3A, %add3A_1716 : vector<16xi32>
      %scatter3A_1718 = arith.constant 0 : i32
      %scatter3A_1719 = arith.constant 0 : i32
      %scatter3A_1720 = tpu.memref_slice %arg7[%shift_right_logical3A_112, %scatter3A_1718, %scatter3A_1719] : memref<4x64x128xf32, #tpu.memory_space<vmem>> -> memref<1x64x128xf32, #tpu.memory_space<vmem>>
      %scatter3A_1721 = tpu.memref_squeeze %scatter3A_1720 : memref<1x64x128xf32, #tpu.memory_space<vmem>> -> memref<64x128xf32, #tpu.memory_space<vmem>>
      tpu.vector_store_idx %scatter3A_1721[%add3A_1717, %broadcast_in_dim3A_1673], %gather3A_1714 : memref<64x128xf32, #tpu.memory_space<vmem>>[vector<16xi32>, vector<16xi32>], vector<16xf32>,
      %add3A_1722 = arith.constant 48 : i32
      %add3A_1723 = vector.broadcast %add3A_1722 : i32 to vector<16xi32>
      %add3A_1724 = arith.addi %iota3A, %add3A_1723 : vector<16xi32>
      %gather3A_1725 = arith.constant 7 : i32
      %gather3A_1726 = arith.constant 0 : i32
      %gather3A_1727 = arith.constant 0 : i32
      %gather3A_1728 = tpu.memref_slice %arg6[%gather3A_1725, %gather3A_1726, %gather3A_1727] : memref<8x64x128xf32, #tpu.memory_space<vmem>> -> memref<1x64x128xf32, #tpu.memory_space<vmem>>
      %gather3A_1729 = tpu.memref_squeeze %gather3A_1728 : memref<1x64x128xf32, #tpu.memory_space<vmem>> -> memref<64x128xf32, #tpu.memory_space<vmem>>
      %gather3A_1730 = tpu.vector_load_idx %gather3A_1729[%add3A_1724, %broadcast_in_dim3A_1666] : memref<64x128xf32, #tpu.memory_space<vmem>>[vector<16xi32>, vector<16xi32>], vector<16xf32>,
      %add3A_1731 = arith.constant 48 : i32
      %add3A_1732 = vector.broadcast %add3A_1731 : i32 to vector<16xi32>
      %add3A_1733 = arith.addi %iota3A, %add3A_1732 : vector<16xi32>
      %scatter3A_1734 = arith.constant 0 : i32
      %scatter3A_1735 = arith.constant 0 : i32
      %scatter3A_1736 = tpu.memref_slice %arg7[%shift_right_logical3A_112, %scatter3A_1734, %scatter3A_1735] : memref<4x64x128xf32, #tpu.memory_space<vmem>> -> memref<1x64x128xf32, #tpu.memory_space<vmem>>
      %scatter3A_1737 = tpu.memref_squeeze %scatter3A_1736 : memref<1x64x128xf32, #tpu.memory_space<vmem>> -> memref<64x128xf32, #tpu.memory_space<vmem>>
      tpu.vector_store_idx %scatter3A_1737[%add3A_1733, %broadcast_in_dim3A_1673], %gather3A_1730 : memref<64x128xf32, #tpu.memory_space<vmem>>[vector<16xi32>, vector<16xi32>], vector<16xf32>,
      scf.yield %get3A_110 : vector<16xi32>
    }
    %scan3A_82 = arith.constant 32 : i32
    %mul3A_83 = arith.constant 4 : i32
    %mul3A_84 = arith.muli %add3A, %mul3A_83 : i32
    %add3A_85 = arith.constant 0 : i32
    %add3A_86 = arith.addi %mul3A_84, %add3A_85 : i32
    %run_scoped3A = arith.constant 0 : i32
    "tpu.region"() ({
      %run_scoped3A_102 = tpu.sem_alloc : memref<!tpu.dma_semaphore, #tpu.memory_space<semaphore_mem>>
      %dma_start3A_103 = arith.constant 0 : i32
      %dma_start3A_104 = arith.constant 0 : i32
      %dma_start3A_105 = tpu.memref_slice %arg7[%run_scoped3A, %dma_start3A_103, %dma_start3A_104] : memref<4x64x128xf32, #tpu.memory_space<vmem>> -> memref<1x64x128xf32, #tpu.memory_space<vmem>>
      %dma_start3A_106 = tpu.memref_squeeze %dma_start3A_105 : memref<1x64x128xf32, #tpu.memory_space<vmem>> -> memref<64x128xf32, #tpu.memory_space<vmem>>
      %dma_start3A_107 = tpu.memref_reshape %dma_start3A_106 : memref<64x128xf32, #tpu.memory_space<vmem>> -> memref<8x8x128xf32, #tpu.memory_space<vmem>>
      %dma_start3A_108 = arith.constant 0 : i32
      %dma_start3A_109 = arith.constant 0 : i32
      %dma_start3A_110 = arith.constant 0 : i32
      %dma_start3A_111 = tpu.memref_slice %arg4[%dma_start3A_108, %add3A_86, %dma_start3A_109, %dma_start3A_110] : memref<8x128x8x128xf32, #tpu.memory_space<hbm>> -> memref<8x1x8x128xf32, #tpu.memory_space<hbm>>
      %dma_start3A_112 = tpu.memref_squeeze %dma_start3A_111 : memref<8x1x8x128xf32, #tpu.memory_space<hbm>> -> memref<8x8x128xf32, #tpu.memory_space<hbm>>
      %dma_start3A_113 = arith.constant 0 : i32
      %dma_start3A_114 = arith.constant 0 : i32
      %dma_start3A_115 = arith.constant 0 : i32
      %dma_start3A_116 = tpu.memref_slice %arg4[%dma_start3A_113, %add3A_86, %dma_start3A_114, %dma_start3A_115] : memref<8x128x8x128xf32, #tpu.memory_space<hbm>> -> memref<8x1x8x128xf32, #tpu.memory_space<hbm>>
      %dma_start3A_117 = tpu.memref_squeeze %dma_start3A_116 : memref<8x1x8x128xf32, #tpu.memory_space<hbm>> -> memref<8x8x128xf32, #tpu.memory_space<hbm>>
      %dma_start3A_118 = arith.constant 0 : i32
      %dma_start3A_119 = arith.constant 0 : i32
      %dma_start3A_120 = tpu.memref_slice %arg7[%run_scoped3A, %dma_start3A_118, %dma_start3A_119] : memref<4x64x128xf32, #tpu.memory_space<vmem>> -> memref<1x64x128xf32, #tpu.memory_space<vmem>>
      %dma_start3A_121 = tpu.memref_squeeze %dma_start3A_120 : memref<1x64x128xf32, #tpu.memory_space<vmem>> -> memref<64x128xf32, #tpu.memory_space<vmem>>
      %dma_start3A_122 = tpu.memref_reshape %dma_start3A_121 : memref<64x128xf32, #tpu.memory_space<vmem>> -> memref<8x8x128xf32, #tpu.memory_space<vmem>>
      tpu.enqueue_dma source(%dma_start3A_122 : memref<8x8x128xf32, #tpu.memory_space<vmem>>) target(%dma_start3A_117 : memref<8x8x128xf32, #tpu.memory_space<hbm>>) target_semaphore(%run_scoped3A_102 : memref<!tpu.dma_semaphore, #tpu.memory_space<semaphore_mem>>)
      %dma_wait3A = arith.constant 0 : i32
      %dma_wait3A_123 = arith.constant 0 : i32
      %dma_wait3A_124 = tpu.memref_slice %arg7[%run_scoped3A, %dma_wait3A, %dma_wait3A_123] : memref<4x64x128xf32, #tpu.memory_space<vmem>> -> memref<1x64x128xf32, #tpu.memory_space<vmem>>
      %dma_wait3A_125 = tpu.memref_squeeze %dma_wait3A_124 : memref<1x64x128xf32, #tpu.memory_space<vmem>> -> memref<64x128xf32, #tpu.memory_space<vmem>>
      %dma_wait3A_126 = tpu.memref_reshape %dma_wait3A_125 : memref<64x128xf32, #tpu.memory_space<vmem>> -> memref<8x8x128xf32, #tpu.memory_space<vmem>>
      %dma_wait3A_127 = arith.constant 0 : i32
      %dma_wait3A_128 = arith.constant 0 : i32
      %dma_wait3A_129 = arith.constant 0 : i32
      %dma_wait3A_130 = tpu.memref_slice %arg4[%dma_wait3A_127, %add3A_86, %dma_wait3A_128, %dma_wait3A_129] : memref<8x128x8x128xf32, #tpu.memory_space<hbm>> -> memref<8x1x8x128xf32, #tpu.memory_space<hbm>>
      %dma_wait3A_131 = tpu.memref_squeeze %dma_wait3A_130 : memref<8x1x8x128xf32, #tpu.memory_space<hbm>> -> memref<8x8x128xf32, #tpu.memory_space<hbm>>
      %dma_wait3A_132 = arith.constant 0 : i32
      %dma_wait3A_133 = arith.constant 0 : i32
      %dma_wait3A_134 = arith.constant 0 : i32
      %dma_wait3A_135 = tpu.memref_slice %arg4[%dma_wait3A_132, %add3A_86, %dma_wait3A_133, %dma_wait3A_134] : memref<8x128x8x128xf32, #tpu.memory_space<hbm>> -> memref<8x1x8x128xf32, #tpu.memory_space<hbm>>
      %dma_wait3A_136 = tpu.memref_squeeze %dma_wait3A_135 : memref<8x1x8x128xf32, #tpu.memory_space<hbm>> -> memref<8x8x128xf32, #tpu.memory_space<hbm>>
      %dma_wait3A_137 = arith.constant 0 : i32
      %dma_wait3A_138 = arith.constant 0 : i32
      %dma_wait3A_139 = tpu.memref_slice %arg7[%run_scoped3A, %dma_wait3A_137, %dma_wait3A_138] : memref<4x64x128xf32, #tpu.memory_space<vmem>> -> memref<1x64x128xf32, #tpu.memory_space<vmem>>
      %dma_wait3A_140 = tpu.memref_squeeze %dma_wait3A_139 : memref<1x64x128xf32, #tpu.memory_space<vmem>> -> memref<64x128xf32, #tpu.memory_space<vmem>>
      %dma_wait3A_141 = tpu.memref_reshape %dma_wait3A_140 : memref<64x128xf32, #tpu.memory_space<vmem>> -> memref<8x8x128xf32, #tpu.memory_space<vmem>>
      tpu.wait_dma2 semaphore(%run_scoped3A_102 : memref<!tpu.dma_semaphore, #tpu.memory_space<semaphore_mem>>) src(%dma_wait3A_141 : memref<8x8x128xf32, #tpu.memory_space<vmem>>) dst(%dma_wait3A_136 : memref<8x8x128xf32, #tpu.memory_space<hbm>>)
      tpu.yield
    }) : () -> ()
    %mul3A_87 = arith.constant 4 : i32
    %mul3A_88 = arith.muli %add3A, %mul3A_87 : i32
    %add3A_89 = arith.constant 1 : i32
    %add3A_90 = arith.addi %mul3A_88, %add3A_89 : i32
    %run_scoped3A_91 = arith.constant 1 : i32
    "tpu.region"() ({
      %run_scoped3A_102 = tpu.sem_alloc : memref<!tpu.dma_semaphore, #tpu.memory_space<semaphore_mem>>
      %dma_start3A_103 = arith.constant 0 : i32
      %dma_start3A_104 = arith.constant 0 : i32
      %dma_start3A_105 = tpu.memref_slice %arg7[%run_scoped3A_91, %dma_start3A_103, %dma_start3A_104] : memref<4x64x128xf32, #tpu.memory_space<vmem>> -> memref<1x64x128xf32, #tpu.memory_space<vmem>>
      %dma_start3A_106 = tpu.memref_squeeze %dma_start3A_105 : memref<1x64x128xf32, #tpu.memory_space<vmem>> -> memref<64x128xf32, #tpu.memory_space<vmem>>
      %dma_start3A_107 = tpu.memref_reshape %dma_start3A_106 : memref<64x128xf32, #tpu.memory_space<vmem>> -> memref<8x8x128xf32, #tpu.memory_space<vmem>>
      %dma_start3A_108 = arith.constant 0 : i32
      %dma_start3A_109 = arith.constant 0 : i32
      %dma_start3A_110 = arith.constant 0 : i32
      %dma_start3A_111 = tpu.memref_slice %arg4[%dma_start3A_108, %add3A_90, %dma_start3A_109, %dma_start3A_110] : memref<8x128x8x128xf32, #tpu.memory_space<hbm>> -> memref<8x1x8x128xf32, #tpu.memory_space<hbm>>
      %dma_start3A_112 = tpu.memref_squeeze %dma_start3A_111 : memref<8x1x8x128xf32, #tpu.memory_space<hbm>> -> memref<8x8x128xf32, #tpu.memory_space<hbm>>
      %dma_start3A_113 = arith.constant 0 : i32
      %dma_start3A_114 = arith.constant 0 : i32
      %dma_start3A_115 = arith.constant 0 : i32
      %dma_start3A_116 = tpu.memref_slice %arg4[%dma_start3A_113, %add3A_90, %dma_start3A_114, %dma_start3A_115] : memref<8x128x8x128xf32, #tpu.memory_space<hbm>> -> memref<8x1x8x128xf32, #tpu.memory_space<hbm>>
      %dma_start3A_117 = tpu.memref_squeeze %dma_start3A_116 : memref<8x1x8x128xf32, #tpu.memory_space<hbm>> -> memref<8x8x128xf32, #tpu.memory_space<hbm>>
      %dma_start3A_118 = arith.constant 0 : i32
      %dma_start3A_119 = arith.constant 0 : i32
      %dma_start3A_120 = tpu.memref_slice %arg7[%run_scoped3A_91, %dma_start3A_118, %dma_start3A_119] : memref<4x64x128xf32, #tpu.memory_space<vmem>> -> memref<1x64x128xf32, #tpu.memory_space<vmem>>
      %dma_start3A_121 = tpu.memref_squeeze %dma_start3A_120 : memref<1x64x128xf32, #tpu.memory_space<vmem>> -> memref<64x128xf32, #tpu.memory_space<vmem>>
      %dma_start3A_122 = tpu.memref_reshape %dma_start3A_121 : memref<64x128xf32, #tpu.memory_space<vmem>> -> memref<8x8x128xf32, #tpu.memory_space<vmem>>
      tpu.enqueue_dma source(%dma_start3A_122 : memref<8x8x128xf32, #tpu.memory_space<vmem>>) target(%dma_start3A_117 : memref<8x8x128xf32, #tpu.memory_space<hbm>>) target_semaphore(%run_scoped3A_102 : memref<!tpu.dma_semaphore, #tpu.memory_space<semaphore_mem>>)
      %dma_wait3A = arith.constant 0 : i32
      %dma_wait3A_123 = arith.constant 0 : i32
      %dma_wait3A_124 = tpu.memref_slice %arg7[%run_scoped3A_91, %dma_wait3A, %dma_wait3A_123] : memref<4x64x128xf32, #tpu.memory_space<vmem>> -> memref<1x64x128xf32, #tpu.memory_space<vmem>>
      %dma_wait3A_125 = tpu.memref_squeeze %dma_wait3A_124 : memref<1x64x128xf32, #tpu.memory_space<vmem>> -> memref<64x128xf32, #tpu.memory_space<vmem>>
      %dma_wait3A_126 = tpu.memref_reshape %dma_wait3A_125 : memref<64x128xf32, #tpu.memory_space<vmem>> -> memref<8x8x128xf32, #tpu.memory_space<vmem>>
      %dma_wait3A_127 = arith.constant 0 : i32
      %dma_wait3A_128 = arith.constant 0 : i32
      %dma_wait3A_129 = arith.constant 0 : i32
      %dma_wait3A_130 = tpu.memref_slice %arg4[%dma_wait3A_127, %add3A_90, %dma_wait3A_128, %dma_wait3A_129] : memref<8x128x8x128xf32, #tpu.memory_space<hbm>> -> memref<8x1x8x128xf32, #tpu.memory_space<hbm>>
      %dma_wait3A_131 = tpu.memref_squeeze %dma_wait3A_130 : memref<8x1x8x128xf32, #tpu.memory_space<hbm>> -> memref<8x8x128xf32, #tpu.memory_space<hbm>>
      %dma_wait3A_132 = arith.constant 0 : i32
      %dma_wait3A_133 = arith.constant 0 : i32
      %dma_wait3A_134 = arith.constant 0 : i32
      %dma_wait3A_135 = tpu.memref_slice %arg4[%dma_wait3A_132, %add3A_90, %dma_wait3A_133, %dma_wait3A_134] : memref<8x128x8x128xf32, #tpu.memory_space<hbm>> -> memref<8x1x8x128xf32, #tpu.memory_space<hbm>>
      %dma_wait3A_136 = tpu.memref_squeeze %dma_wait3A_135 : memref<8x1x8x128xf32, #tpu.memory_space<hbm>> -> memref<8x8x128xf32, #tpu.memory_space<hbm>>
      %dma_wait3A_137 = arith.constant 0 : i32
      %dma_wait3A_138 = arith.constant 0 : i32
      %dma_wait3A_139 = tpu.memref_slice %arg7[%run_scoped3A_91, %dma_wait3A_137, %dma_wait3A_138] : memref<4x64x128xf32, #tpu.memory_space<vmem>> -> memref<1x64x128xf32, #tpu.memory_space<vmem>>
      %dma_wait3A_140 = tpu.memref_squeeze %dma_wait3A_139 : memref<1x64x128xf32, #tpu.memory_space<vmem>> -> memref<64x128xf32, #tpu.memory_space<vmem>>
      %dma_wait3A_141 = tpu.memref_reshape %dma_wait3A_140 : memref<64x128xf32, #tpu.memory_space<vmem>> -> memref<8x8x128xf32, #tpu.memory_space<vmem>>
      tpu.wait_dma2 semaphore(%run_scoped3A_102 : memref<!tpu.dma_semaphore, #tpu.memory_space<semaphore_mem>>) src(%dma_wait3A_141 : memref<8x8x128xf32, #tpu.memory_space<vmem>>) dst(%dma_wait3A_136 : memref<8x8x128xf32, #tpu.memory_space<hbm>>)
      tpu.yield
    }) : () -> ()
    %mul3A_92 = arith.constant 4 : i32
    %mul3A_93 = arith.muli %add3A, %mul3A_92 : i32
    %add3A_94 = arith.constant 2 : i32
    %add3A_95 = arith.addi %mul3A_93, %add3A_94 : i32
    %run_scoped3A_96 = arith.constant 2 : i32
    "tpu.region"() ({
      %run_scoped3A_102 = tpu.sem_alloc : memref<!tpu.dma_semaphore, #tpu.memory_space<semaphore_mem>>
      %dma_start3A_103 = arith.constant 0 : i32
      %dma_start3A_104 = arith.constant 0 : i32
      %dma_start3A_105 = tpu.memref_slice %arg7[%run_scoped3A_96, %dma_start3A_103, %dma_start3A_104] : memref<4x64x128xf32, #tpu.memory_space<vmem>> -> memref<1x64x128xf32, #tpu.memory_space<vmem>>
      %dma_start3A_106 = tpu.memref_squeeze %dma_start3A_105 : memref<1x64x128xf32, #tpu.memory_space<vmem>> -> memref<64x128xf32, #tpu.memory_space<vmem>>
      %dma_start3A_107 = tpu.memref_reshape %dma_start3A_106 : memref<64x128xf32, #tpu.memory_space<vmem>> -> memref<8x8x128xf32, #tpu.memory_space<vmem>>
      %dma_start3A_108 = arith.constant 0 : i32
      %dma_start3A_109 = arith.constant 0 : i32
      %dma_start3A_110 = arith.constant 0 : i32
      %dma_start3A_111 = tpu.memref_slice %arg4[%dma_start3A_108, %add3A_95, %dma_start3A_109, %dma_start3A_110] : memref<8x128x8x128xf32, #tpu.memory_space<hbm>> -> memref<8x1x8x128xf32, #tpu.memory_space<hbm>>
      %dma_start3A_112 = tpu.memref_squeeze %dma_start3A_111 : memref<8x1x8x128xf32, #tpu.memory_space<hbm>> -> memref<8x8x128xf32, #tpu.memory_space<hbm>>
      %dma_start3A_113 = arith.constant 0 : i32
      %dma_start3A_114 = arith.constant 0 : i32
      %dma_start3A_115 = arith.constant 0 : i32
      %dma_start3A_116 = tpu.memref_slice %arg4[%dma_start3A_113, %add3A_95, %dma_start3A_114, %dma_start3A_115] : memref<8x128x8x128xf32, #tpu.memory_space<hbm>> -> memref<8x1x8x128xf32, #tpu.memory_space<hbm>>
      %dma_start3A_117 = tpu.memref_squeeze %dma_start3A_116 : memref<8x1x8x128xf32, #tpu.memory_space<hbm>> -> memref<8x8x128xf32, #tpu.memory_space<hbm>>
      %dma_start3A_118 = arith.constant 0 : i32
      %dma_start3A_119 = arith.constant 0 : i32
      %dma_start3A_120 = tpu.memref_slice %arg7[%run_scoped3A_96, %dma_start3A_118, %dma_start3A_119] : memref<4x64x128xf32, #tpu.memory_space<vmem>> -> memref<1x64x128xf32, #tpu.memory_space<vmem>>
      %dma_start3A_121 = tpu.memref_squeeze %dma_start3A_120 : memref<1x64x128xf32, #tpu.memory_space<vmem>> -> memref<64x128xf32, #tpu.memory_space<vmem>>
      %dma_start3A_122 = tpu.memref_reshape %dma_start3A_121 : memref<64x128xf32, #tpu.memory_space<vmem>> -> memref<8x8x128xf32, #tpu.memory_space<vmem>>
      tpu.enqueue_dma source(%dma_start3A_122 : memref<8x8x128xf32, #tpu.memory_space<vmem>>) target(%dma_start3A_117 : memref<8x8x128xf32, #tpu.memory_space<hbm>>) target_semaphore(%run_scoped3A_102 : memref<!tpu.dma_semaphore, #tpu.memory_space<semaphore_mem>>)
      %dma_wait3A = arith.constant 0 : i32
      %dma_wait3A_123 = arith.constant 0 : i32
      %dma_wait3A_124 = tpu.memref_slice %arg7[%run_scoped3A_96, %dma_wait3A, %dma_wait3A_123] : memref<4x64x128xf32, #tpu.memory_space<vmem>> -> memref<1x64x128xf32, #tpu.memory_space<vmem>>
      %dma_wait3A_125 = tpu.memref_squeeze %dma_wait3A_124 : memref<1x64x128xf32, #tpu.memory_space<vmem>> -> memref<64x128xf32, #tpu.memory_space<vmem>>
      %dma_wait3A_126 = tpu.memref_reshape %dma_wait3A_125 : memref<64x128xf32, #tpu.memory_space<vmem>> -> memref<8x8x128xf32, #tpu.memory_space<vmem>>
      %dma_wait3A_127 = arith.constant 0 : i32
      %dma_wait3A_128 = arith.constant 0 : i32
      %dma_wait3A_129 = arith.constant 0 : i32
      %dma_wait3A_130 = tpu.memref_slice %arg4[%dma_wait3A_127, %add3A_95, %dma_wait3A_128, %dma_wait3A_129] : memref<8x128x8x128xf32, #tpu.memory_space<hbm>> -> memref<8x1x8x128xf32, #tpu.memory_space<hbm>>
      %dma_wait3A_131 = tpu.memref_squeeze %dma_wait3A_130 : memref<8x1x8x128xf32, #tpu.memory_space<hbm>> -> memref<8x8x128xf32, #tpu.memory_space<hbm>>
      %dma_wait3A_132 = arith.constant 0 : i32
      %dma_wait3A_133 = arith.constant 0 : i32
      %dma_wait3A_134 = arith.constant 0 : i32
      %dma_wait3A_135 = tpu.memref_slice %arg4[%dma_wait3A_132, %add3A_95, %dma_wait3A_133, %dma_wait3A_134] : memref<8x128x8x128xf32, #tpu.memory_space<hbm>> -> memref<8x1x8x128xf32, #tpu.memory_space<hbm>>
      %dma_wait3A_136 = tpu.memref_squeeze %dma_wait3A_135 : memref<8x1x8x128xf32, #tpu.memory_space<hbm>> -> memref<8x8x128xf32, #tpu.memory_space<hbm>>
      %dma_wait3A_137 = arith.constant 0 : i32
      %dma_wait3A_138 = arith.constant 0 : i32
      %dma_wait3A_139 = tpu.memref_slice %arg7[%run_scoped3A_96, %dma_wait3A_137, %dma_wait3A_138] : memref<4x64x128xf32, #tpu.memory_space<vmem>> -> memref<1x64x128xf32, #tpu.memory_space<vmem>>
      %dma_wait3A_140 = tpu.memref_squeeze %dma_wait3A_139 : memref<1x64x128xf32, #tpu.memory_space<vmem>> -> memref<64x128xf32, #tpu.memory_space<vmem>>
      %dma_wait3A_141 = tpu.memref_reshape %dma_wait3A_140 : memref<64x128xf32, #tpu.memory_space<vmem>> -> memref<8x8x128xf32, #tpu.memory_space<vmem>>
      tpu.wait_dma2 semaphore(%run_scoped3A_102 : memref<!tpu.dma_semaphore, #tpu.memory_space<semaphore_mem>>) src(%dma_wait3A_141 : memref<8x8x128xf32, #tpu.memory_space<vmem>>) dst(%dma_wait3A_136 : memref<8x8x128xf32, #tpu.memory_space<hbm>>)
      tpu.yield
    }) : () -> ()
    %mul3A_97 = arith.constant 4 : i32
    %mul3A_98 = arith.muli %add3A, %mul3A_97 : i32
    %add3A_99 = arith.constant 3 : i32
    %add3A_100 = arith.addi %mul3A_98, %add3A_99 : i32
    %run_scoped3A_101 = arith.constant 3 : i32
    "tpu.region"() ({
      %run_scoped3A_102 = tpu.sem_alloc : memref<!tpu.dma_semaphore, #tpu.memory_space<semaphore_mem>>
      %dma_start3A_103 = arith.constant 0 : i32
      %dma_start3A_104 = arith.constant 0 : i32
      %dma_start3A_105 = tpu.memref_slice %arg7[%run_scoped3A_101, %dma_start3A_103, %dma_start3A_104] : memref<4x64x128xf32, #tpu.memory_space<vmem>> -> memref<1x64x128xf32, #tpu.memory_space<vmem>>
      %dma_start3A_106 = tpu.memref_squeeze %dma_start3A_105 : memref<1x64x128xf32, #tpu.memory_space<vmem>> -> memref<64x128xf32, #tpu.memory_space<vmem>>
      %dma_start3A_107 = tpu.memref_reshape %dma_start3A_106 : memref<64x128xf32, #tpu.memory_space<vmem>> -> memref<8x8x128xf32, #tpu.memory_space<vmem>>
      %dma_start3A_108 = arith.constant 0 : i32
      %dma_start3A_109 = arith.constant 0 : i32
      %dma_start3A_110 = arith.constant 0 : i32
      %dma_start3A_111 = tpu.memref_slice %arg4[%dma_start3A_108, %add3A_100, %dma_start3A_109, %dma_start3A_110] : memref<8x128x8x128xf32, #tpu.memory_space<hbm>> -> memref<8x1x8x128xf32, #tpu.memory_space<hbm>>
      %dma_start3A_112 = tpu.memref_squeeze %dma_start3A_111 : memref<8x1x8x128xf32, #tpu.memory_space<hbm>> -> memref<8x8x128xf32, #tpu.memory_space<hbm>>
      %dma_start3A_113 = arith.constant 0 : i32
      %dma_start3A_114 = arith.constant 0 : i32
      %dma_start3A_115 = arith.constant 0 : i32
      %dma_start3A_116 = tpu.memref_slice %arg4[%dma_start3A_113, %add3A_100, %dma_start3A_114, %dma_start3A_115] : memref<8x128x8x128xf32, #tpu.memory_space<hbm>> -> memref<8x1x8x128xf32, #tpu.memory_space<hbm>>
      %dma_start3A_117 = tpu.memref_squeeze %dma_start3A_116 : memref<8x1x8x128xf32, #tpu.memory_space<hbm>> -> memref<8x8x128xf32, #tpu.memory_space<hbm>>
      %dma_start3A_118 = arith.constant 0 : i32
      %dma_start3A_119 = arith.constant 0 : i32
      %dma_start3A_120 = tpu.memref_slice %arg7[%run_scoped3A_101, %dma_start3A_118, %dma_start3A_119] : memref<4x64x128xf32, #tpu.memory_space<vmem>> -> memref<1x64x128xf32, #tpu.memory_space<vmem>>
      %dma_start3A_121 = tpu.memref_squeeze %dma_start3A_120 : memref<1x64x128xf32, #tpu.memory_space<vmem>> -> memref<64x128xf32, #tpu.memory_space<vmem>>
      %dma_start3A_122 = tpu.memref_reshape %dma_start3A_121 : memref<64x128xf32, #tpu.memory_space<vmem>> -> memref<8x8x128xf32, #tpu.memory_space<vmem>>
      tpu.enqueue_dma source(%dma_start3A_122 : memref<8x8x128xf32, #tpu.memory_space<vmem>>) target(%dma_start3A_117 : memref<8x8x128xf32, #tpu.memory_space<hbm>>) target_semaphore(%run_scoped3A_102 : memref<!tpu.dma_semaphore, #tpu.memory_space<semaphore_mem>>)
      %dma_wait3A = arith.constant 0 : i32
      %dma_wait3A_123 = arith.constant 0 : i32
      %dma_wait3A_124 = tpu.memref_slice %arg7[%run_scoped3A_101, %dma_wait3A, %dma_wait3A_123] : memref<4x64x128xf32, #tpu.memory_space<vmem>> -> memref<1x64x128xf32, #tpu.memory_space<vmem>>
      %dma_wait3A_125 = tpu.memref_squeeze %dma_wait3A_124 : memref<1x64x128xf32, #tpu.memory_space<vmem>> -> memref<64x128xf32, #tpu.memory_space<vmem>>
      %dma_wait3A_126 = tpu.memref_reshape %dma_wait3A_125 : memref<64x128xf32, #tpu.memory_space<vmem>> -> memref<8x8x128xf32, #tpu.memory_space<vmem>>
      %dma_wait3A_127 = arith.constant 0 : i32
      %dma_wait3A_128 = arith.constant 0 : i32
      %dma_wait3A_129 = arith.constant 0 : i32
      %dma_wait3A_130 = tpu.memref_slice %arg4[%dma_wait3A_127, %add3A_100, %dma_wait3A_128, %dma_wait3A_129] : memref<8x128x8x128xf32, #tpu.memory_space<hbm>> -> memref<8x1x8x128xf32, #tpu.memory_space<hbm>>
      %dma_wait3A_131 = tpu.memref_squeeze %dma_wait3A_130 : memref<8x1x8x128xf32, #tpu.memory_space<hbm>> -> memref<8x8x128xf32, #tpu.memory_space<hbm>>
      %dma_wait3A_132 = arith.constant 0 : i32
      %dma_wait3A_133 = arith.constant 0 : i32
      %dma_wait3A_134 = arith.constant 0 : i32
      %dma_wait3A_135 = tpu.memref_slice %arg4[%dma_wait3A_132, %add3A_100, %dma_wait3A_133, %dma_wait3A_134] : memref<8x128x8x128xf32, #tpu.memory_space<hbm>> -> memref<8x1x8x128xf32, #tpu.memory_space<hbm>>
      %dma_wait3A_136 = tpu.memref_squeeze %dma_wait3A_135 : memref<8x1x8x128xf32, #tpu.memory_space<hbm>> -> memref<8x8x128xf32, #tpu.memory_space<hbm>>
      %dma_wait3A_137 = arith.constant 0 : i32
      %dma_wait3A_138 = arith.constant 0 : i32
      %dma_wait3A_139 = tpu.memref_slice %arg7[%run_scoped3A_101, %dma_wait3A_137, %dma_wait3A_138] : memref<4x64x128xf32, #tpu.memory_space<vmem>> -> memref<1x64x128xf32, #tpu.memory_space<vmem>>
      %dma_wait3A_140 = tpu.memref_squeeze %dma_wait3A_139 : memref<1x64x128xf32, #tpu.memory_space<vmem>> -> memref<64x128xf32, #tpu.memory_space<vmem>>
      %dma_wait3A_141 = tpu.memref_reshape %dma_wait3A_140 : memref<64x128xf32, #tpu.memory_space<vmem>> -> memref<8x8x128xf32, #tpu.memory_space<vmem>>
      tpu.wait_dma2 semaphore(%run_scoped3A_102 : memref<!tpu.dma_semaphore, #tpu.memory_space<semaphore_mem>>) src(%dma_wait3A_141 : memref<8x8x128xf32, #tpu.memory_space<vmem>>) dst(%dma_wait3A_136 : memref<8x8x128xf32, #tpu.memory_space<hbm>>)
      tpu.yield
    }) : () -> ()
    return
  }
}

</mosaic_0001>

<sc_bundles>
// kernel: kernel.3.cloned.1.call-start
scs
__scs_entry_jumppad:
0x0: {  	(pc) =	sbr.rel $0x88, $3  }
0x1: {  	(tag) =	ssettag $0x0;
	lr =	simm.s32 $0x1  }
0x2: {  	[smem:$0x3F9F] =	sst lr;
	_ =	strace $0xD0000000  }
0x3: {  	_ = 	snop  }
0x4: {  	_ = 	snop  }
0x5: {  	_ = 	snop  }
0x6: {  	_ = 	snop  }
0x7: {  	_ = 	snop  }
__scs_overlays_trampoline_lowered:
0x8: {  	[smem:$0x3FAE] =	sst s0  }
0x9: {  	[smem:$0x3FAF] =	sst s1  }
0xa: {  	[smem:$0x3FB0] =	sst s2  }
0xb: {  	[smem:$0x3FB1] =	sst s3  }
0xc: {  	[smem:$0x3FB2] =	sst s4  }
0xd: {  	[smem:$0x3FB3] =	sst s5  }
0xe: {  	[smem:$0x3FB4] =	sst s6  }
0xf: {  	[smem:$0x3FB5] =	sst s7  }
0x10: {  	[smem:$0x3FB6] =	sst s8  }
0x11: {  	[smem:$0x3FB7] =	sst s9;
	s0 =	simm.s32 @!p0 $0x0  }
0x12: {  	s1 =	sld [smem:$0x3F9D];
	s0 =	simm.s32 @p0 $0x1  }
0x13: {  	[smem:$0x3FB8] =	sst s0;
	s0 =	simm.s32 @!p1 $0x0  }
0x14: {  	s2 =	sld [smem:$0x3F9C];
	s0 =	simm.s32 @p1 $0x1  }
0x15: {  	[smem:$0x3FB9] =	sst s0;
	s0 =	simm.s32 @!p2 $0x0  }
0x16: {  	s3 =	sld [smem:$0x3FDB];
	s0 =	simm.s32 @p2 $0x1  }
0x17: {  	s4 =	simm.s32 $0x1BF5;
	[smem:$0x3FBB] =	sst s0  }
0x18: {  	s0 =	sld [smem:$0x3F9E];
	_ =	swait.ge [sflag:s4], $0x0  }
0x19: {  	s7 =	sld [smem:$0x3F9F]  }
0x1a: {  	s8 =	sadd.s32 $0xFFFFE003, lr  }
0x1b: {  	s9 =	sadd.s32 $0xFFFFFEF7, lr;
	s5 =	simm.s32 $0xFFFFFFFF;
	p2 =	slt.u32 s8, $0xFFFFF086  }
0x1c: {  	p1 =	slt.u32 s9, $0xF7A;
	s5 =	simm.s32 @!p2 $0x0  }
0x1d: {  	s5 =	simm.s32 @p1 $0x1;
	p0 =	seq.s32 s7, s2  }
0x1e: {  	s7 =	smul.u32 @!p0 $0xF7A, s2;
	p2 =	seq.s32 @!p0 s5, $0x0  }
0x1f: {  	s9 =	smul.u32 $0xF7A, s1;
	s8 =	simm.s32 @!p0 $0x1BF5;
	p2 =	por !p2, p0  }
0x20: {  	[sflag:s8] =	ssyncset.s32 @!p0 $0xFFFFF086;
	s6 =	sadd.s32 @!p0 s3, s7;
	s7 =	simm.s32 @!p0 $0x108  }
0x21: {  	s3 =	sadd.s32 s3, s9;
	s6 =	sadd.s32 @!p0 $0x88, s6;
	s7 =	simm.s32 @p2 $0x1082  }
0x22: {  	[simem:s7], [sflag:s8] =	dma.local @!p0 [hbm:s6], $0xF7A  }
0x23: {  	s9 =	sor.u32 $0xD0000000, s2;
	s6 =	simm.s32 $0x108;
	_ =	swait.ge @!p0 [sflag:s8], $0x0  }
0x24: {  	s3 =	sadd.s32 $0x88, s3;
	s6 =	simm.s32 @!p1 $0x1082;
	[sflag:s4] =	ssyncset.s32 $0xFFFFF086  }
0x25: {  	[simem:s6], [sflag:s4] =	dma.local [hbm:s3], $0xF7A  }
0x26: {  	[smem:$0x3F9F] =	sst s1;
	(tag) =	ssettag s2;
	_ =	strace s9  }
0x27: {  	s1 =	sld [smem:$0x3FAF]  }
0x28: {  	s2 =	sld [smem:$0x3FB0]  }
0x29: {  	s4 =	sld [smem:$0x3FB2]  }
0x2a: {  	p0 =	seq.s32 s5, $0x0;
	s5 =	sld [smem:$0x3FB3]  }
0x2b: {  	s6 =	sld [smem:$0x3FB4]  }
0x2c: {  	s7 =	sld [smem:$0x3FB5]  }
0x2d: {  	s3 =	simm.s32 $0x108;
	s8 =	sld [smem:$0x3FB6]  }
0x2e: {  	s3 =	simm.s32 @!p0 $0x1082;
	s9 =	sld [smem:$0x3FB7]  }
0x2f: {  	lr =	sadd.s32 s0, s3;
	s0 =	sld [smem:$0x3FAE]  }
0x30: {  	s3 =	sld [smem:$0x3FB1]  }
0x31: {  	[smem:$0x3FBA] =	sst s10  }
0x32: {  	s10 =	sld [smem:$0x3FB8];
	_ =	sdelay $0x3  }
0x33: {  	p0 =	seq.s32 s10, $0x1;
	s10 =	sld [smem:$0x3FBA];
	_ =	sdelay $0x3  }
0x34: {  	[smem:$0x3FBA] =	sst s10  }
0x35: {  	s10 =	sld [smem:$0x3FB9];
	_ =	sdelay $0x3  }
0x36: {  	p1 =	seq.s32 s10, $0x1;
	s10 =	sld [smem:$0x3FBA];
	_ =	sdelay $0x3  }
0x37: {  	[smem:$0x3FBA] =	sst s10  }
0x38: {  	s10 =	sld [smem:$0x3FBB]  }
0x39: {  	_ = 	snop;
	(pc) =	sbr.ind lr, $3  }
0x3a: {  	_ = 	snop  }
0x3b: {  	_ = 	snop  }
0x3c: {  	p2 =	seq.s32 s10, $0x1;
	s10 =	sld [smem:$0x3FBA]  }
0x3d: {  	_ =	shalt  }
0x3e: {  	_ =	shalt  }
0x3f: {  	_ =	shalt  }
0x40: {  	_ =	shalt  }
0x41: {  	_ =	shalt  }
0x42: {  	_ =	shalt  }
0x43: {  	_ =	shalt  }
0x44: {  	_ =	shalt  }
0x45: {  	_ =	shalt  }
0x46: {  	_ =	shalt  }
0x47: {  	_ =	shalt  }
0x48: {  	_ =	shalt  }
0x49: {  	_ =	shalt  }
0x4a: {  	_ =	shalt  }
0x4b: {  	_ =	shalt  }
0x4c: {  	_ =	shalt  }
0x4d: {  	_ =	shalt  }
0x4e: {  	_ =	shalt  }
0x4f: {  	_ =	shalt  }
0x50: {  	_ =	shalt  }
0x51: {  	_ =	shalt  }
0x52: {  	_ =	shalt  }
0x53: {  	_ =	shalt  }
0x54: {  	_ =	shalt  }
0x55: {  	_ =	shalt  }
0x56: {  	_ =	shalt  }
0x57: {  	_ =	shalt  }
0x58: {  	_ =	shalt  }
0x59: {  	_ =	shalt  }
0x5a: {  	_ =	shalt  }
0x5b: {  	_ =	shalt  }
0x5c: {  	_ =	shalt  }
0x5d: {  	_ =	shalt  }
0x5e: {  	_ =	shalt  }
0x5f: {  	_ =	shalt  }
0x60: {  	_ =	shalt  }
0x61: {  	_ =	shalt  }
0x62: {  	_ =	shalt  }
0x63: {  	_ =	shalt  }
0x64: {  	_ =	shalt  }
0x65: {  	_ =	shalt  }
0x66: {  	_ =	shalt  }
0x67: {  	_ =	shalt  }
0x68: {  	_ =	shalt  }
0x69: {  	_ =	shalt  }
0x6a: {  	_ =	shalt  }
0x6b: {  	_ =	shalt  }
0x6c: {  	_ =	shalt  }
0x6d: {  	_ =	shalt  }
0x6e: {  	_ =	shalt  }
0x6f: {  	_ =	shalt  }
0x70: {  	_ =	shalt  }
0x71: {  	_ =	shalt  }
0x72: {  	_ =	shalt  }
0x73: {  	_ =	shalt  }
0x74: {  	_ =	shalt  }
0x75: {  	_ =	shalt  }
0x76: {  	_ =	shalt  }
0x77: {  	_ =	shalt  }
0x78: {  	_ =	shalt  }
0x79: {  	_ =	shalt  }
0x7a: {  	_ =	shalt  }
0x7b: {  	_ =	shalt  }
0x7c: {  	_ =	shalt  }
0x7d: {  	_ =	shalt  }
0x7e: {  	_ =	shalt  }
0x7f: {  	_ =	shalt  }
0x80: {  	_ =	shalt  }
0x81: {  	_ =	shalt  }
0x82: {  	_ =	shalt  }
0x83: {  	_ =	shalt  }
0x84: {  	_ =	shalt  }
0x85: {  	_ =	shalt  }
0x86: {  	_ =	shalt  }
0x87: {  	_ =	shalt  }
.Lfunc_end0:
.L_simem_size_0:
called_computation_lowered:
.L_overlay_start_0:
0x88: {  	s2 =	sld [smem:$0x3FD9]  }
0x89: {  	s3 =	sld [smem:$0x3FFE];
	_ =	sdelay $0x1  }
0x8a: {  	s1 =	srdreg.scid  }
0x8b: {  	s0 =	sand.u32 $0x1, s1  }
0x8c: {  	s18 =	sshll.u32 s0, $0xA;
	s2 =	sadd.s32 s3, s2  }
0x8d: {  	s2 =	sadd.s32 s2, s18  }
0x8e: {  	[smem:$0x3FC6] =	sst s2  }
0x8f: {  	_ = 	snop  }
0x90: {  	s2 =	sld [smem:$0x3FC9]  }
0x91: {  	s19 =	sld [smem:$0x3FC8]  }
0x92: {  	s4 =	sld [smem:$0x3FD0];
	(tm) =	ssettm $0x1  }
0x93: {  	s5 =	sld [smem:$0x3FFB];
	_ =	sdelay $0x3  }
0x94: {  	_ =	strace s5  }
0x95: {  	s5 =	sld [smem:$0x3FFC];
	_ =	sdelay $0x3  }
0x96: {  	_ =	strace s5  }
0x97: {  	s5 =	sld [smem:$0x3FFD];
	_ =	sdelay $0x3  }
0x98: {  	_ =	strace s5  }
0x99: {  	_ =	strace $0x8FFFFFFF  }
0x9a: {  	s20 =	sld [smem:$0x3FDB];
	_ =	sdelay $0x1  }
0x9b: {  	s6 =	simm.s32 $_scs_section_size  }
0x9c: {  	s7 =	simm.s32 $_size__tile_overlayer_lowered;
	s8 =	simm.s32 $_tile_overlayer_lowered  }
0x9d: {  	s23 =	simm.s32 $0x1BFF;
	s22 =	sshll.u32 s8, $0x1;
	s5 =	sadd.s32 s6, s20  }
0x9e: {  	s9 =	simm.s32 $0x0;
	s21 =	sshll.u32 s7, $0x1;
	s7 =	sadd.s32 s22, s5  }
0x9f: {  	[timem:s9], [sflag:s23] =	dma.local [hbm:s7], s21  }
0xa0: {  	_ =	swait.ge [sflag:s23], s21  }
0xa1: {  	s6 =	ssub.s32 $0x0, s21;
	[sflag:s23] =	ssyncset.done $0x0  }
0xa2: {  	[sflag:s23] =	ssyncadd.s32 s6;
	_ =	sdelay $0x1  }
0xa3: {  	s24 =	simm.s32 $0x1B8B  }
0xa4: {  	_ =	swait.ge [sflag:s24], $0x1  }
0xa5: {  	[sflag:s24] =	ssyncset.done $0x0  }
0xa6: {  	s25 =	simm.s32 $0x1B8E;
	[sflag:s24] =	ssyncadd.s32 $0xFFFFFFFF  }
0xa7: {  	s26 =	simm.s32 $execute0_lowered;
	[smem:$0x3FD2] =	sst s25  }
0xa8: {  	s6 =	sshll.u32 s26, $0x1;
	_ =	strace $0x80000046;
	[dreg:$0x1] =	wrdreg $0xFFFFFFFF  }
0xa9: {  	s28 =	simm.s32 $_size_execute0_lowered;
	s5 =	sadd.s32 s5, s6;
	[dreg:$0x0] =	wrdreg $0x0  }
0xaa: {  	s6 =	sshll.u32 s28, $0x1;
	[dreg:$0x2] =	wrdreg s5  }
0xab: {  	[dreg:$0x3] =	wrdreg s6  }
0xac: {  	[dreg:$0x4] =	wrdreg $0xC0  }
0xad: {  	_ =	task [dreg:s9], $0x5FFFF  }
0xae: {  	[dreg:$0x1] =	wrdreg $0xFFFFFFFF  }
0xaf: {  	[dreg:$0x0] =	wrdreg $0x60  }
0xb0: {  	[dreg:$0x2] =	wrdreg s2  }
0xb1: {  	[dreg:$0x3] =	wrdreg s19  }
0xb2: {  	[dreg:$0x4] =	wrdreg s4  }
0xb3: {  	[dreg:$0x5] =	wrdreg $0x9  }
0xb4: {  	_ =	task.clear_ibuf [dreg:s9], $0x6FFFF;
	_ =	strace $0x90000046  }
0xb5: {  	s29 =	simm.s32 $0x9;
	_ =	strace $0x80000048  }
0xb6: {  	_ =	swait.ge [sflag:s29], $0x1  }
0xb7: {  	[sflag:s29] =	ssyncadd.s32 $0xFFFFFFFF  }
0xb8: {  	_ =	strace $0x90000048  }
0xb9: {  	_ =	sfence  }
0xba: {  	s30 =	sld [smem:$0x0];
	_ =	sdelay $0x2  }
0xbb: {  	s31 =	sshll.u32 s1, $0xD;
	s1 =	sshrl.u32 s1, $0x2  }
0xbc: {  	s3 =	sand.u32 $0x4000, s31;
	s1 =	sadd.s32 s1, s30  }
0xbd: {  	s0 =	sor.u32 s3, s0;
	s1 =	sshll.u32 s1, $0x11  }
0xbe: {  	s0 =	sor.u32 s1, s0  }
0xbf: {  	s0 =	sadd.s32 $0x8F2B, s0  }
0xc0: {  	[sflag:s0] =	ssyncadd.remote.s32 $0x1  }
0xc1: {  	_ =	sfence.sel $0xFFFF  }
0xc2: {  	[dreg:$0x0] =	wrdreg $0xFFFFFFFF;
	(pc) =	sbr.abs _section_cstart, $3  }
0xc3: {  	[dreg:$0x1] =	wrdreg $0xFFFFFFFF  }
0xc4: {  	_ =	task.clear_ibuf [dreg:s9], $0x2FFFF;
	_ =	strace $0x9FFFFFFF  }
0xc5: {  	(tm) =	ssettm $0x7FFFFFFF  }
tec
execute0_lowered:
.L_overlay_start_1:
0x0: {  	(tag) =	ssettag $0x1  }
0x1: {  	s1 =	rddreg [dreg:$0x0]  }
0x2: {  	s0 =	rddreg [dreg:$0x1]  }
0x3: {  	s2 =	rddreg [dreg:$0x2]  }
0x4: {  	s3 =	srdreg.scid;
	s4 =	stileid.u32;
	s5 =	simm.s32 $0x0  }
0x5: {  	s10 =	simm.s32 $0x2;
	s11 =	simm.s32 $0x400;
	s12 =	simm.s32 $0x7A1400  }
0x6: {  	s13 =	simm.s32 $0x200;
	s14 =	simm.s32 $0x2200;
	s15 =	simm.s32 $0x4200  }
0x7: {  	s16 =	simm.s32 $0x6200;
	s17 =	simm.s32 $0x8200;
	s18 =	simm.s32 $0x1  }
0x8: {  	s19 =	simm.s32 $0xA200;
	s20 =	simm.s32 $0xC200;
	s21 =	simm.s32 $0xE200  }
0x9: {  	s22 =	simm.s32 $0x20000;
	s3 =	sand.u32 $0x1, s3;
	s4 =	sshll.u32 s4, $0x1  }
0xa: {  	s28 =	simm.s32 $0x0;
	[smem:$0x7FF] =	sst s5;
	s4 =	sor.u32 s3, s4  }
0xb: {  	_ =	strace $0x80000047;
	s26 =	sshll.u32 s4, $0x9;
	s7 =	sshll.u32 s4, $0x6  }
0xc: {  	v0 =	vlaneseq.u32;
	s3 =	ssub.s32 $0x2, s3;
	s4 =	sadd.s32 s2, s26;
	s0 =	sadd.s32 s0, s7  }
0xd: {  	v0 =	vmul.u32 $0x80, v0;
	s6 =	sshrl.u32 s3, $0x1;
	[dreg:$0x4] =	wrdreg s0;
	s30 =	sadd.s32 $0x80, s4  }
0xe: {  	s29 =	ssub.s32 s3, s6;
	s31 =	sadd.s32 $0x100, s4;
	[dreg:$0x5] =	wrdreg s30  }
0xf: {  	v1 =	vor.u32 $0x800, v0;
	v2 =	vor.u32 $0x1000, v0;
	v3 =	vor.u32 $0x1800, v0;
	s8 =	sadd.s32 $0x180, s4;
	s9 =	smax.u32 s29, $0x1;
	[dreg:$0x6] =	wrdreg s31  }
.LBB2_1:
0x10: {  	s0 =	simm.s32 $0x0;
	s2 =	rddreg [dreg:$0x4]  }
0x11: {  	[tilespmem:s0], [sflag:$0x2] =	stream.linear.gather [hbm4b:s2+s0], $0x200, $0x38;
	[tilespmem:$0x18200] =	vst v63  }
0x12: {  	_ =	swait.ge [sflag:s10], $0x200  }
0x13: {  	[sflag:s10] =	ssyncset.done $0x0  }
0x14: {  	[sflag:s10] =	ssyncadd.s32 $0xFFFFFE00  }
0x15: {  	v5 =	vld [tilespmem:$0x0];
	_ =	sdelay $0x4  }
0x16: {  	(v2sf) =	vpush v5, $0x0  }
0x17: {  	(v2sf) =	vpush v5, $0x1  }
0x18: {  	(v2sf) =	vpush v5, $0x2;
	_ =	sdelay $0x3  }
0x19: {  	(v2sf) =	vpush v5, $0x3;
	_ =	sdelay $0x8  }
0x1a: {  	s7 =	spop (v2sf)  }
0x1b: {  	s0 =	sand.u32 $0xFFFFF80, s7;
	s23 =	spop (v2sf)  }
0x1c: {  	s0 =	sadd.s32 s1, s0;
	s24 =	sand.u32 $0xFFFFF80, s23;
	s25 =	spop (v2sf)  }
0x1d: {  	[tilespmem:s13], [sflag:$0x1] =	stream.strided.gather [hbm4b:s0+s11], $0x2000, s12, s11, $0x38;
	[tilespmem:$0x18200] =	vst v63  }
0x1e: {  	s0 =	sadd.s32 s1, s24;
	s26 =	sand.u32 $0xFFFFF80, s25  }
0x1f: {  	[tilespmem:s14], [sflag:$0x1] =	stream.strided.gather [hbm4b:s0+s11], $0x2000, s12, s11, $0x38;
	[tilespmem:$0x18200] =	vst v63  }
0x20: {  	s31 =	spop (v2sf);
	s0 =	sadd.s32 s1, s26  }
0x21: {  	[tilespmem:s15], [sflag:$0x1] =	stream.strided.gather [hbm4b:s0+s11], $0x2000, s12, s11, $0x38;
	[tilespmem:$0x18200] =	vst v63  }
0x22: {  	s0 =	sand.u32 $0xFFFFF80, s31  }
0x23: {  	s0 =	sadd.s32 s1, s0  }
0x24: {  	[tilespmem:s16], [sflag:$0x1] =	stream.strided.gather [hbm4b:s0+s11], $0x2000, s12, s11, $0x38;
	[tilespmem:$0x18200] =	vst v63  }
0x25: {  	s29 =	simm.s32 $0x0;
	s30 =	simm.s32 $0x0;
	s0 =	simm.s32 $0x0  }
.LBB2_2:
0x26: {  	(v2sf) =	vpush v5, $0x4;
	_ =	sdelay $0xe  }
0x27: {  	s3 =	spop (v2sf)  }
0x28: {  	s31 =	sadd.s32 $0x10, s0;
	s5 =	sand.u32 $0xFFFFF80, s3  }
0x29: {  	s2 =	sand.u32 $0x1F0, s31;
	s7 =	sadd.s32 s1, s5  }
0x2a: {  	v4 =	vld [tilespmem:s2+$0x0];
	[tilespmem:s17], [sflag:$0x1] =	stream.strided.gather [hbm4b:s7+s11], $0x2000, s12, s11, $0x38  }
0x2b: {  	_ =	swait.ge [sflag:s18], $0x2000  }
0x2c: {  	(v2sf) =	vpush v5, $0x0;
	_ =	sdelay $0xe  }
0x2d: {  	s23 =	spop (v2sf)  }
0x2e: {  	s24 =	sand.u32 $0x7F, s23  }
0x2f: {  	v6 =	vor.u32 s24, v0;
	_ =	sdelay $0x2  }
0x30: {  	[sflag:s18] =	ssyncset.done $0x0  }
0x31: {  	s2 =	sand.u32 $0x70, s0;
	[sflag:s18] =	ssyncadd.s32 $0xFFFFE000  }
0x32: {  	v7 =	vor.u32 s2, v0;
	v6 =	vld.idx.msk [tilespmem:v6+s13+$0x0], $0xffff  }
0x33: {  	v8 =	vor.u32 s24, v1;
	_ =	sdelay $0x1  }
0x34: {  	s25 =	sand.u32 $0x6000, s29  }
0x35: {  	s0 =	sor.u32 $0x10200, s25  }
0x36: {  	[tilespmem:v7+s0+$0x0] =	vst.idx.msk $0xffff, v6  }
0x37: {  	(v2sf) =	vpush v5, $0x5;
	v7 =	vor.u32 s2, v1;
	v6 =	vld.idx.msk [tilespmem:v8+s13+$0x0], $0xffff  }
0x38: {  	v34 =	vor.u32 s24, v2;
	_ =	sdelay $0x3  }
0x39: {  	[tilespmem:v7+s0+$0x0] =	vst.idx.msk $0xffff, v6  }
0x3a: {  	v7 =	vor.u32 s2, v2;
	v6 =	vld.idx.msk [tilespmem:v34+s13+$0x0], $0xffff  }
0x3b: {  	v35 =	vor.u32 s24, v3;
	_ =	sdelay $0x3  }
0x3c: {  	[tilespmem:v7+s0+$0x0] =	vst.idx.msk $0xffff, v6  }
0x3d: {  	v7 =	vor.u32 s2, v3;
	v6 =	vld.idx.msk [tilespmem:v35+s13+$0x0], $0xffff;
	_ =	sdelay $0x2  }
0x3e: {  	s23 =	spop (v2sf)  }
0x3f: {  	s26 =	sand.u32 $0xFFFFF80, s23  }
0x40: {  	s5 =	sadd.s32 s1, s26;
	[tilespmem:v7+s0+$0x0] =	vst.idx.msk $0xffff, v6  }
0x41: {  	[tilespmem:s19], [sflag:$0x1] =	stream.strided.gather [hbm4b:s5+s11], $0x2000, s12, s11, $0x38;
	[tilespmem:$0x18200] =	vst v63  }
0x42: {  	_ =	swait.ge [sflag:s18], $0x2000  }
0x43: {  	(v2sf) =	vpush v5, $0x1;
	_ =	sdelay $0xe  }
0x44: {  	s6 =	spop (v2sf)  }
0x45: {  	s5 =	sand.u32 $0x7F, s6  }
0x46: {  	v6 =	vor.u32 s5, v0;
	_ =	sdelay $0x2  }
0x47: {  	[sflag:s18] =	ssyncset.done $0x0  }
0x48: {  	[sflag:s18] =	ssyncadd.s32 $0xFFFFE000;
	s6 =	sor.u32 $0x1, s2  }
0x49: {  	v7 =	vor.u32 s6, v0;
	v6 =	vld.idx.msk [tilespmem:v6+s14+$0x0], $0xffff  }
0x4a: {  	v36 =	vor.u32 s5, v1;
	_ =	sdelay $0x3  }
0x4b: {  	[tilespmem:v7+s0+$0x0] =	vst.idx.msk $0xffff, v6  }
0x4c: {  	(v2sf) =	vpush v5, $0x6;
	v7 =	vor.u32 s6, v1;
	v6 =	vld.idx.msk [tilespmem:v36+s14+$0x0], $0xffff  }
0x4d: {  	v37 =	vor.u32 s5, v2;
	_ =	sdelay $0x3  }
0x4e: {  	[tilespmem:v7+s0+$0x0] =	vst.idx.msk $0xffff, v6  }
0x4f: {  	v7 =	vor.u32 s6, v2;
	v6 =	vld.idx.msk [tilespmem:v37+s14+$0x0], $0xffff  }
0x50: {  	v38 =	vor.u32 s5, v3;
	_ =	sdelay $0x3  }
0x51: {  	[tilespmem:v7+s0+$0x0] =	vst.idx.msk $0xffff, v6  }
0x52: {  	v7 =	vor.u32 s6, v3;
	v6 =	vld.idx.msk [tilespmem:v38+s14+$0x0], $0xffff;
	_ =	sdelay $0x2  }
0x53: {  	s24 =	spop (v2sf)  }
0x54: {  	s7 =	sand.u32 $0xFFFFF80, s24  }
0x55: {  	s5 =	sadd.s32 s1, s7;
	[tilespmem:v7+s0+$0x0] =	vst.idx.msk $0xffff, v6  }
0x56: {  	[tilespmem:s20], [sflag:$0x1] =	stream.strided.gather [hbm4b:s5+s11], $0x2000, s12, s11, $0x38;
	[tilespmem:$0x18200] =	vst v63  }
0x57: {  	_ =	swait.ge [sflag:s18], $0x2000  }
0x58: {  	(v2sf) =	vpush v5, $0x2;
	_ =	sdelay $0xe  }
0x59: {  	s25 =	spop (v2sf)  }
0x5a: {  	s5 =	sand.u32 $0x7F, s25  }
0x5b: {  	v6 =	vor.u32 s5, v0;
	_ =	sdelay $0x2  }
0x5c: {  	[sflag:s18] =	ssyncset.done $0x0  }
0x5d: {  	s26 =	sor.u32 $0x2, s2;
	[sflag:s18] =	ssyncadd.s32 $0xFFFFE000  }
0x5e: {  	v7 =	vor.u32 s26, v0;
	v6 =	vld.idx.msk [tilespmem:v6+s15+$0x0], $0xffff  }
0x5f: {  	v39 =	vor.u32 s5, v1;
	_ =	sdelay $0x3  }
0x60: {  	[tilespmem:v7+s0+$0x0] =	vst.idx.msk $0xffff, v6  }
0x61: {  	(v2sf) =	vpush v5, $0x7;
	v7 =	vor.u32 s26, v1;
	v6 =	vld.idx.msk [tilespmem:v39+s15+$0x0], $0xffff  }
0x62: {  	v40 =	vor.u32 s5, v2;
	_ =	sdelay $0x3  }
0x63: {  	[tilespmem:v7+s0+$0x0] =	vst.idx.msk $0xffff, v6  }
0x64: {  	v7 =	vor.u32 s26, v2;
	v6 =	vld.idx.msk [tilespmem:v40+s15+$0x0], $0xffff  }
0x65: {  	v41 =	vor.u32 s5, v3;
	_ =	sdelay $0x3  }
0x66: {  	[tilespmem:v7+s0+$0x0] =	vst.idx.msk $0xffff, v6  }
0x67: {  	v7 =	vor.u32 s26, v3;
	v6 =	vld.idx.msk [tilespmem:v41+s15+$0x0], $0xffff;
	_ =	sdelay $0x2  }
0x68: {  	s25 =	spop (v2sf)  }
0x69: {  	s6 =	sand.u32 $0xFFFFF80, s25  }
0x6a: {  	s5 =	sadd.s32 s1, s6;
	[tilespmem:v7+s0+$0x0] =	vst.idx.msk $0xffff, v6  }
0x6b: {  	[tilespmem:s21], [sflag:$0x1] =	stream.strided.gather [hbm4b:s5+s11], $0x2000, s12, s11, $0x38;
	[tilespmem:$0x18200] =	vst v63  }
0x6c: {  	_ =	swait.ge [sflag:s18], $0x2000  }
0x6d: {  	(v2sf) =	vpush v5, $0x3;
	_ =	sdelay $0xe  }
0x6e: {  	s7 =	spop (v2sf)  }
0x6f: {  	s5 =	sand.u32 $0x7F, s7  }
0x70: {  	v6 =	vor.u32 s5, v0;
	_ =	sdelay $0x2  }
0x71: {  	[sflag:s18] =	ssyncset.done $0x0  }
0x72: {  	s26 =	sor.u32 $0x3, s2;
	[sflag:s18] =	ssyncadd.s32 $0xFFFFE000  }
0x73: {  	v7 =	vor.u32 s26, v0;
	v6 =	vld.idx.msk [tilespmem:v6+s16+$0x0], $0xffff  }
0x74: {  	v42 =	vor.u32 s5, v1;
	_ =	sdelay $0x3  }
0x75: {  	[tilespmem:v7+s0+$0x0] =	vst.idx.msk $0xffff, v6  }
0x76: {  	(v2sf) =	vpush v5, $0x8;
	v7 =	vor.u32 s26, v1;
	v6 =	vld.idx.msk [tilespmem:v42+s16+$0x0], $0xffff  }
0x77: {  	v43 =	vor.u32 s5, v2;
	_ =	sdelay $0x3  }
0x78: {  	[tilespmem:v7+s0+$0x0] =	vst.idx.msk $0xffff, v6  }
0x79: {  	v7 =	vor.u32 s26, v2;
	v6 =	vld.idx.msk [tilespmem:v43+s16+$0x0], $0xffff  }
0x7a: {  	v44 =	vor.u32 s5, v3;
	_ =	sdelay $0x3  }
0x7b: {  	[tilespmem:v7+s0+$0x0] =	vst.idx.msk $0xffff, v6  }
0x7c: {  	v7 =	vor.u32 s26, v3;
	v6 =	vld.idx.msk [tilespmem:v44+s16+$0x0], $0xffff;
	_ =	sdelay $0x2  }
0x7d: {  	s26 =	spop (v2sf)  }
0x7e: {  	s3 =	sand.u32 $0x7F, s3;
	s7 =	sand.u32 $0xFFFFF80, s26  }
0x7f: {  	s5 =	sadd.s32 s1, s7;
	[tilespmem:v7+s0+$0x0] =	vst.idx.msk $0xffff, v6;
	v6 =	vor.u32 s3, v0  }
0x80: {  	[tilespmem:s13], [sflag:$0x1] =	stream.strided.gather [hbm4b:s5+s11], $0x2000, s12, s11, $0x38;
	[tilespmem:$0x18200] =	vst v63  }
0x81: {  	_ =	swait.ge [sflag:s18], $0x2000  }
0x82: {  	[sflag:s18] =	ssyncset.done $0x0  }
0x83: {  	s6 =	sor.u32 $0x4, s2;
	[sflag:s18] =	ssyncadd.s32 $0xFFFFE000  }
0x84: {  	v7 =	vor.u32 s6, v0;
	v6 =	vld.idx.msk [tilespmem:v6+s17+$0x0], $0xffff  }
0x85: {  	v45 =	vor.u32 s3, v1;
	_ =	sdelay $0x3  }
0x86: {  	[tilespmem:v7+s0+$0x0] =	vst.idx.msk $0xffff, v6  }
0x87: {  	(v2sf) =	vpush v5, $0x9;
	v7 =	vor.u32 s6, v1;
	v6 =	vld.idx.msk [tilespmem:v45+s17+$0x0], $0xffff  }
0x88: {  	v46 =	vor.u32 s3, v2;
	_ =	sdelay $0x3  }
0x89: {  	[tilespmem:v7+s0+$0x0] =	vst.idx.msk $0xffff, v6  }
0x8a: {  	v7 =	vor.u32 s6, v2;
	v6 =	vld.idx.msk [tilespmem:v46+s17+$0x0], $0xffff  }
0x8b: {  	v47 =	vor.u32 s3, v3;
	_ =	sdelay $0x3  }
0x8c: {  	[tilespmem:v7+s0+$0x0] =	vst.idx.msk $0xffff, v6  }
0x8d: {  	v7 =	vor.u32 s6, v3;
	v6 =	vld.idx.msk [tilespmem:v47+s17+$0x0], $0xffff;
	_ =	sdelay $0x2  }
0x8e: {  	s3 =	spop (v2sf)  }
0x8f: {  	s23 =	sand.u32 $0x7F, s23;
	s7 =	sand.u32 $0xFFFFF80, s3  }
0x90: {  	s5 =	sadd.s32 s1, s7;
	[tilespmem:v7+s0+$0x0] =	vst.idx.msk $0xffff, v6;
	v6 =	vor.u32 s23, v0  }
0x91: {  	[tilespmem:s14], [sflag:$0x1] =	stream.strided.gather [hbm4b:s5+s11], $0x2000, s12, s11, $0x38;
	[tilespmem:$0x18200] =	vst v63  }
0x92: {  	_ =	swait.ge [sflag:s18], $0x2000  }
0x93: {  	[sflag:s18] =	ssyncset.done $0x0  }
0x94: {  	s7 =	sor.u32 $0x5, s2;
	[sflag:s18] =	ssyncadd.s32 $0xFFFFE000  }
0x95: {  	v7 =	vor.u32 s7, v0;
	v6 =	vld.idx.msk [tilespmem:v6+s19+$0x0], $0xffff  }
0x96: {  	v48 =	vor.u32 s23, v1;
	_ =	sdelay $0x3  }
0x97: {  	[tilespmem:v7+s0+$0x0] =	vst.idx.msk $0xffff, v6  }
0x98: {  	(v2sf) =	vpush v5, $0xA;
	v7 =	vor.u32 s7, v1;
	v6 =	vld.idx.msk [tilespmem:v48+s19+$0x0], $0xffff  }
0x99: {  	v49 =	vor.u32 s23, v2;
	_ =	sdelay $0x3  }
0x9a: {  	[tilespmem:v7+s0+$0x0] =	vst.idx.msk $0xffff, v6  }
0x9b: {  	v7 =	vor.u32 s7, v2;
	v6 =	vld.idx.msk [tilespmem:v49+s19+$0x0], $0xffff  }
0x9c: {  	v50 =	vor.u32 s23, v3;
	_ =	sdelay $0x3  }
0x9d: {  	[tilespmem:v7+s0+$0x0] =	vst.idx.msk $0xffff, v6  }
0x9e: {  	v7 =	vor.u32 s7, v3;
	v6 =	vld.idx.msk [tilespmem:v50+s19+$0x0], $0xffff;
	_ =	sdelay $0x2  }
0x9f: {  	s5 =	spop (v2sf)  }
0xa0: {  	s24 =	sand.u32 $0x7F, s24;
	s23 =	sand.u32 $0xFFFFF80, s5  }
0xa1: {  	s6 =	sadd.s32 s1, s23;
	[tilespmem:v7+s0+$0x0] =	vst.idx.msk $0xffff, v6;
	v6 =	vor.u32 s24, v0  }
0xa2: {  	[tilespmem:s15], [sflag:$0x1] =	stream.strided.gather [hbm4b:s6+s11], $0x2000, s12, s11, $0x38;
	[tilespmem:$0x18200] =	vst v63  }
0xa3: {  	_ =	swait.ge [sflag:s18], $0x2000  }
0xa4: {  	[sflag:s18] =	ssyncset.done $0x0  }
0xa5: {  	s7 =	sor.u32 $0x6, s2;
	[sflag:s18] =	ssyncadd.s32 $0xFFFFE000  }
0xa6: {  	v7 =	vor.u32 s7, v0;
	v6 =	vld.idx.msk [tilespmem:v6+s20+$0x0], $0xffff  }
0xa7: {  	v51 =	vor.u32 s24, v1;
	_ =	sdelay $0x3  }
0xa8: {  	[tilespmem:v7+s0+$0x0] =	vst.idx.msk $0xffff, v6  }
0xa9: {  	(v2sf) =	vpush v5, $0xB;
	v7 =	vor.u32 s7, v1;
	v6 =	vld.idx.msk [tilespmem:v51+s20+$0x0], $0xffff  }
0xaa: {  	v52 =	vor.u32 s24, v2;
	_ =	sdelay $0x3  }
0xab: {  	[tilespmem:v7+s0+$0x0] =	vst.idx.msk $0xffff, v6  }
0xac: {  	v7 =	vor.u32 s7, v2;
	v6 =	vld.idx.msk [tilespmem:v52+s20+$0x0], $0xffff  }
0xad: {  	v53 =	vor.u32 s24, v3;
	_ =	sdelay $0x3  }
0xae: {  	[tilespmem:v7+s0+$0x0] =	vst.idx.msk $0xffff, v6  }
0xaf: {  	v7 =	vor.u32 s7, v3;
	v6 =	vld.idx.msk [tilespmem:v53+s20+$0x0], $0xffff;
	_ =	sdelay $0x2  }
0xb0: {  	s6 =	spop (v2sf)  }
0xb1: {  	s25 =	sand.u32 $0x7F, s25;
	s24 =	sand.u32 $0xFFFFF80, s6  }
0xb2: {  	s23 =	sadd.s32 s1, s24;
	[tilespmem:v7+s0+$0x0] =	vst.idx.msk $0xffff, v6;
	v6 =	vor.u32 s25, v0  }
0xb3: {  	[tilespmem:s16], [sflag:$0x1] =	stream.strided.gather [hbm4b:s23+s11], $0x2000, s12, s11, $0x38;
	[tilespmem:$0x18200] =	vst v63  }
0xb4: {  	_ =	swait.ge [sflag:s18], $0x2000  }
0xb5: {  	[sflag:s18] =	ssyncset.done $0x0  }
0xb6: {  	s7 =	sor.u32 $0x7, s2;
	[sflag:s18] =	ssyncadd.s32 $0xFFFFE000  }
0xb7: {  	v7 =	vor.u32 s7, v0;
	v6 =	vld.idx.msk [tilespmem:v6+s21+$0x0], $0xffff  }
0xb8: {  	v54 =	vor.u32 s25, v1;
	_ =	sdelay $0x3  }
0xb9: {  	[tilespmem:v7+s0+$0x0] =	vst.idx.msk $0xffff, v6  }
0xba: {  	(v2sf) =	vpush v5, $0xC;
	v7 =	vor.u32 s7, v1;
	v6 =	vld.idx.msk [tilespmem:v54+s21+$0x0], $0xffff  }
0xbb: {  	v55 =	vor.u32 s25, v2;
	_ =	sdelay $0x3  }
0xbc: {  	[tilespmem:v7+s0+$0x0] =	vst.idx.msk $0xffff, v6  }
0xbd: {  	v7 =	vor.u32 s7, v2;
	v6 =	vld.idx.msk [tilespmem:v55+s21+$0x0], $0xffff  }
0xbe: {  	v56 =	vor.u32 s25, v3;
	_ =	sdelay $0x3  }
0xbf: {  	[tilespmem:v7+s0+$0x0] =	vst.idx.msk $0xffff, v6  }
0xc0: {  	v7 =	vor.u32 s7, v3;
	v6 =	vld.idx.msk [tilespmem:v56+s21+$0x0], $0xffff;
	_ =	sdelay $0x2  }
0xc1: {  	s25 =	spop (v2sf)  }
0xc2: {  	s26 =	sand.u32 $0x7F, s26;
	s24 =	sand.u32 $0xFFFFF80, s25  }
0xc3: {  	s23 =	sadd.s32 s1, s24;
	[tilespmem:v7+s0+$0x0] =	vst.idx.msk $0xffff, v6;
	v6 =	vor.u32 s26, v0  }
0xc4: {  	[tilespmem:s17], [sflag:$0x1] =	stream.strided.gather [hbm4b:s23+s11], $0x2000, s12, s11, $0x38;
	[tilespmem:$0x18200] =	vst v63  }
0xc5: {  	_ =	swait.ge [sflag:s18], $0x2000  }
0xc6: {  	[sflag:s18] =	ssyncset.done $0x0  }
0xc7: {  	s7 =	sor.u32 $0x8, s2;
	[sflag:s18] =	ssyncadd.s32 $0xFFFFE000  }
0xc8: {  	v7 =	vor.u32 s7, v0;
	v6 =	vld.idx.msk [tilespmem:v6+s13+$0x0], $0xffff  }
0xc9: {  	v57 =	vor.u32 s26, v1;
	_ =	sdelay $0x3  }
0xca: {  	[tilespmem:v7+s0+$0x0] =	vst.idx.msk $0xffff, v6  }
0xcb: {  	(v2sf) =	vpush v5, $0xD;
	v7 =	vor.u32 s7, v1;
	v6 =	vld.idx.msk [tilespmem:v57+s13+$0x0], $0xffff  }
0xcc: {  	v58 =	vor.u32 s26, v2;
	_ =	sdelay $0x3  }
0xcd: {  	[tilespmem:v7+s0+$0x0] =	vst.idx.msk $0xffff, v6  }
0xce: {  	v7 =	vor.u32 s7, v2;
	v6 =	vld.idx.msk [tilespmem:v58+s13+$0x0], $0xffff  }
0xcf: {  	v59 =	vor.u32 s26, v3;
	_ =	sdelay $0x3  }
0xd0: {  	[tilespmem:v7+s0+$0x0] =	vst.idx.msk $0xffff, v6  }
0xd1: {  	v7 =	vor.u32 s7, v3;
	v6 =	vld.idx.msk [tilespmem:v59+s13+$0x0], $0xffff;
	_ =	sdelay $0x2  }
0xd2: {  	s24 =	spop (v2sf)  }
0xd3: {  	s3 =	sand.u32 $0x7F, s3;
	s26 =	sand.u32 $0xFFFFF80, s24  }
0xd4: {  	s23 =	sadd.s32 s1, s26;
	[tilespmem:v7+s0+$0x0] =	vst.idx.msk $0xffff, v6;
	v6 =	vor.u32 s3, v0  }
0xd5: {  	[tilespmem:s19], [sflag:$0x1] =	stream.strided.gather [hbm4b:s23+s11], $0x2000, s12, s11, $0x38;
	[tilespmem:$0x18200] =	vst v63  }
0xd6: {  	_ =	swait.ge [sflag:s18], $0x2000  }
0xd7: {  	[sflag:s18] =	ssyncset.done $0x0  }
0xd8: {  	s7 =	sor.u32 $0x9, s2;
	[sflag:s18] =	ssyncadd.s32 $0xFFFFE000  }
0xd9: {  	v7 =	vor.u32 s7, v0;
	v6 =	vld.idx.msk [tilespmem:v6+s14+$0x0], $0xffff  }
0xda: {  	v60 =	vor.u32 s3, v1;
	_ =	sdelay $0x3  }
0xdb: {  	[tilespmem:v7+s0+$0x0] =	vst.idx.msk $0xffff, v6  }
0xdc: {  	(v2sf) =	vpush v5, $0xE;
	v7 =	vor.u32 s7, v1;
	v6 =	vld.idx.msk [tilespmem:v60+s14+$0x0], $0xffff  }
0xdd: {  	v61 =	vor.u32 s3, v2;
	_ =	sdelay $0x3  }
0xde: {  	[tilespmem:v7+s0+$0x0] =	vst.idx.msk $0xffff, v6  }
0xdf: {  	v7 =	vor.u32 s7, v2;
	v6 =	vld.idx.msk [tilespmem:v61+s14+$0x0], $0xffff  }
0xe0: {  	v62 =	vor.u32 s3, v3;
	_ =	sdelay $0x3  }
0xe1: {  	[tilespmem:v7+s0+$0x0] =	vst.idx.msk $0xffff, v6  }
0xe2: {  	v7 =	vor.u32 s7, v3;
	v6 =	vld.idx.msk [tilespmem:v62+s14+$0x0], $0xffff;
	_ =	sdelay $0x2  }
0xe3: {  	s23 =	spop (v2sf)  }
0xe4: {  	s5 =	sand.u32 $0x7F, s5;
	s26 =	sand.u32 $0xFFFFF80, s23  }
0xe5: {  	s3 =	sadd.s32 s1, s26;
	[tilespmem:v7+s0+$0x0] =	vst.idx.msk $0xffff, v6;
	v6 =	vor.u32 s5, v0  }
0xe6: {  	[tilespmem:s20], [sflag:$0x1] =	stream.strided.gather [hbm4b:s3+s11], $0x2000, s12, s11, $0x38;
	[tilespmem:$0x18200] =	vst v63  }
0xe7: {  	_ =	swait.ge [sflag:s18], $0x2000  }
0xe8: {  	[sflag:s18] =	ssyncset.done $0x0  }
0xe9: {  	s7 =	sor.u32 $0xA, s2;
	[sflag:s18] =	ssyncadd.s32 $0xFFFFE000  }
0xea: {  	v7 =	vor.u32 s7, v0;
	v6 =	vld.idx.msk [tilespmem:v6+s15+$0x0], $0xffff  }
0xeb: {  	v63 =	vor.u32 s5, v1;
	_ =	sdelay $0x3  }
0xec: {  	[tilespmem:v7+s0+$0x0] =	vst.idx.msk $0xffff, v6  }
0xed: {  	(v2sf) =	vpush v5, $0xF;
	v7 =	vor.u32 s7, v1;
	v6 =	vld.idx.msk [tilespmem:v63+s15+$0x0], $0xffff  }
0xee: {  	v5 =	vor.u32 s5, v2;
	_ =	sdelay $0x3  }
0xef: {  	[tilespmem:v7+s0+$0x0] =	vst.idx.msk $0xffff, v6  }
0xf0: {  	v6 =	vor.u32 s7, v2;
	v5 =	vld.idx.msk [tilespmem:v5+s15+$0x0], $0xffff  }
0xf1: {  	v7 =	vor.u32 s5, v3;
	_ =	sdelay $0x3  }
0xf2: {  	[tilespmem:v6+s0+$0x0] =	vst.idx.msk $0xffff, v5  }
0xf3: {  	v6 =	vor.u32 s7, v3;
	v5 =	vld.idx.msk [tilespmem:v7+s15+$0x0], $0xffff;
	_ =	sdelay $0x2  }
0xf4: {  	s3 =	spop (v2sf)  }
0xf5: {  	s6 =	sand.u32 $0x7F, s6;
	s26 =	sand.u32 $0xFFFFF80, s3  }
0xf6: {  	s5 =	sadd.s32 s1, s26;
	[tilespmem:v6+s0+$0x0] =	vst.idx.msk $0xffff, v5;
	v5 =	vor.u32 s6, v0  }
0xf7: {  	[tilespmem:s21], [sflag:$0x1] =	stream.strided.gather [hbm4b:s5+s11], $0x2000, s12, s11, $0x38;
	[tilespmem:$0x18200] =	vst v63  }
0xf8: {  	_ =	swait.ge [sflag:s18], $0x2000  }
0xf9: {  	[sflag:s18] =	ssyncset.done $0x0  }
0xfa: {  	s7 =	sor.u32 $0xB, s2;
	[sflag:s18] =	ssyncadd.s32 $0xFFFFE000  }
0xfb: {  	v6 =	vor.u32 s7, v0;
	v5 =	vld.idx.msk [tilespmem:v5+s16+$0x0], $0xffff  }
0xfc: {  	v7 =	vor.u32 s6, v1;
	_ =	sdelay $0x3  }
0xfd: {  	p0 =	sgt.u32 s30, $0x1E;
	[tilespmem:v6+s0+$0x0] =	vst.idx.msk $0xffff, v5  }
0xfe: {  	(v2sf) =	vpush @!p0 v4, $0x0;
	v6 =	vor.u32 s7, v1;
	v5 =	vld.idx.msk [tilespmem:v7+s16+$0x0], $0xffff  }
0xff: {  	v7 =	vor.u32 s6, v2;
	_ =	sdelay $0x3  }
0x100: {  	[tilespmem:v6+s0+$0x0] =	vst.idx.msk $0xffff, v5  }
0x101: {  	v6 =	vor.u32 s7, v2;
	v5 =	vld.idx.msk [tilespmem:v7+s16+$0x0], $0xffff  }
0x102: {  	v7 =	vor.u32 s6, v3;
	_ =	sdelay $0x3  }
0x103: {  	[tilespmem:v6+s0+$0x0] =	vst.idx.msk $0xffff, v5  }
0x104: {  	v6 =	vor.u32 s7, v3;
	v5 =	vld.idx.msk [tilespmem:v7+s16+$0x0], $0xffff;
	_ =	sdelay $0x2  }
0x105: {  	s25 =	sand.u32 $0x7F, s25;
	s5 =	spop @!p0 (v2sf)  }
0x106: {  	s6 =	simm.s32 @!p0 $0x7A1400;
	s5 =	sand.u32 @!p0 $0xFFFFF80, s5  }
0x107: {  	s26 =	sadd.s32 @!p0 s1, s5;
	s5 =	simm.s32 @!p0 $0x400;
	s7 =	simm.s32 @!p0 $0x200;
	[tilespmem:v6+s0+$0x0] =	vst.idx.msk $0xffff, v5;
	v5 =	vor.u32 s25, v0  }
0x108: {  	[tilespmem:s7], [sflag:$0x1] =	stream.strided.gather @!p0 [hbm4b:s26+s5], $0x2000, s6, s5, $0x38;
	[tilespmem:$0x18200] =	vst v63  }
0x109: {  	_ =	swait.ge [sflag:s18], $0x2000  }
0x10a: {  	[sflag:s18] =	ssyncset.done $0x0  }
0x10b: {  	s26 =	sor.u32 $0xC, s2;
	[sflag:s18] =	ssyncadd.s32 $0xFFFFE000  }
0x10c: {  	v6 =	vor.u32 s26, v0;
	v5 =	vld.idx.msk [tilespmem:v5+s17+$0x0], $0xffff  }
0x10d: {  	v7 =	vor.u32 s25, v1;
	_ =	sdelay $0x3  }
0x10e: {  	[tilespmem:v6+s0+$0x0] =	vst.idx.msk $0xffff, v5  }
0x10f: {  	(v2sf) =	vpush @!p0 v4, $0x1;
	v6 =	vor.u32 s26, v1;
	v5 =	vld.idx.msk [tilespmem:v7+s17+$0x0], $0xffff  }
0x110: {  	v7 =	vor.u32 s25, v2;
	_ =	sdelay $0x3  }
0x111: {  	[tilespmem:v6+s0+$0x0] =	vst.idx.msk $0xffff, v5  }
0x112: {  	v6 =	vor.u32 s26, v2;
	v5 =	vld.idx.msk [tilespmem:v7+s17+$0x0], $0xffff  }
0x113: {  	v7 =	vor.u32 s25, v3;
	_ =	sdelay $0x3  }
0x114: {  	[tilespmem:v6+s0+$0x0] =	vst.idx.msk $0xffff, v5  }
0x115: {  	v6 =	vor.u32 s26, v3;
	v5 =	vld.idx.msk [tilespmem:v7+s17+$0x0], $0xffff;
	_ =	sdelay $0x2  }
0x116: {  	s7 =	spop @!p0 (v2sf)  }
0x117: {  	s24 =	sand.u32 $0x7F, s24;
	s7 =	sand.u32 @!p0 $0xFFFFF80, s7  }
0x118: {  	s25 =	simm.s32 @!p0 $0x2200;
	s7 =	sadd.s32 @!p0 s1, s7;
	[tilespmem:v6+s0+$0x0] =	vst.idx.msk $0xffff, v5;
	v5 =	vor.u32 s24, v0  }
0x119: {  	[tilespmem:s25], [sflag:$0x1] =	stream.strided.gather @!p0 [hbm4b:s7+s5], $0x2000, s6, s5, $0x38;
	[tilespmem:$0x18200] =	vst v63  }
0x11a: {  	_ =	swait.ge [sflag:s18], $0x2000  }
0x11b: {  	[sflag:s18] =	ssyncset.done $0x0  }
0x11c: {  	s25 =	sor.u32 $0xD, s2;
	[sflag:s18] =	ssyncadd.s32 $0xFFFFE000  }
0x11d: {  	v6 =	vor.u32 s25, v0;
	v5 =	vld.idx.msk [tilespmem:v5+s19+$0x0], $0xffff  }
0x11e: {  	v7 =	vor.u32 s24, v1;
	_ =	sdelay $0x3  }
0x11f: {  	[tilespmem:v6+s0+$0x0] =	vst.idx.msk $0xffff, v5  }
0x120: {  	(v2sf) =	vpush @!p0 v4, $0x2;
	v6 =	vor.u32 s25, v1;
	v5 =	vld.idx.msk [tilespmem:v7+s19+$0x0], $0xffff  }
0x121: {  	v7 =	vor.u32 s24, v2;
	_ =	sdelay $0x3  }
0x122: {  	[tilespmem:v6+s0+$0x0] =	vst.idx.msk $0xffff, v5  }
0x123: {  	v6 =	vor.u32 s25, v2;
	v5 =	vld.idx.msk [tilespmem:v7+s19+$0x0], $0xffff  }
0x124: {  	v7 =	vor.u32 s24, v3;
	_ =	sdelay $0x3  }
0x125: {  	[tilespmem:v6+s0+$0x0] =	vst.idx.msk $0xffff, v5  }
0x126: {  	v6 =	vor.u32 s25, v3;
	v5 =	vld.idx.msk [tilespmem:v7+s19+$0x0], $0xffff;
	_ =	sdelay $0x2  }
0x127: {  	s7 =	spop @!p0 (v2sf)  }
0x128: {  	s23 =	sand.u32 $0x7F, s23;
	s7 =	sand.u32 @!p0 $0xFFFFF80, s7  }
0x129: {  	s24 =	simm.s32 @!p0 $0x4200;
	s7 =	sadd.s32 @!p0 s1, s7;
	[tilespmem:v6+s0+$0x0] =	vst.idx.msk $0xffff, v5;
	v5 =	vor.u32 s23, v0  }
0x12a: {  	[tilespmem:s24], [sflag:$0x1] =	stream.strided.gather @!p0 [hbm4b:s7+s5], $0x2000, s6, s5, $0x38;
	[tilespmem:$0x18200] =	vst v63  }
0x12b: {  	_ =	swait.ge [sflag:s18], $0x2000  }
0x12c: {  	[sflag:s18] =	ssyncset.done $0x0  }
0x12d: {  	s26 =	sor.u32 $0xE, s2;
	[sflag:s18] =	ssyncadd.s32 $0xFFFFE000  }
0x12e: {  	v6 =	vor.u32 s26, v0;
	v5 =	vld.idx.msk [tilespmem:v5+s20+$0x0], $0xffff  }
0x12f: {  	v7 =	vor.u32 s23, v1;
	_ =	sdelay $0x3  }
0x130: {  	[tilespmem:v6+s0+$0x0] =	vst.idx.msk $0xffff, v5  }
0x131: {  	(v2sf) =	vpush @!p0 v4, $0x3;
	v6 =	vor.u32 s26, v1;
	v5 =	vld.idx.msk [tilespmem:v7+s20+$0x0], $0xffff  }
0x132: {  	v7 =	vor.u32 s23, v2;
	_ =	sdelay $0x3  }
0x133: {  	[tilespmem:v6+s0+$0x0] =	vst.idx.msk $0xffff, v5  }
0x134: {  	v6 =	vor.u32 s26, v2;
	v5 =	vld.idx.msk [tilespmem:v7+s20+$0x0], $0xffff  }
0x135: {  	v7 =	vor.u32 s23, v3;
	_ =	sdelay $0x3  }
0x136: {  	[tilespmem:v6+s0+$0x0] =	vst.idx.msk $0xffff, v5  }
0x137: {  	v6 =	vor.u32 s26, v3;
	v5 =	vld.idx.msk [tilespmem:v7+s20+$0x0], $0xffff;
	_ =	sdelay $0x2  }
0x138: {  	s7 =	spop @!p0 (v2sf)  }
0x139: {  	s3 =	sand.u32 $0x7F, s3;
	s7 =	sand.u32 @!p0 $0xFFFFF80, s7  }
0x13a: {  	s23 =	simm.s32 @!p0 $0x6200;
	s7 =	sadd.s32 @!p0 s1, s7;
	[tilespmem:v6+s0+$0x0] =	vst.idx.msk $0xffff, v5;
	v5 =	vor.u32 s3, v0  }
0x13b: {  	[tilespmem:s23], [sflag:$0x1] =	stream.strided.gather @!p0 [hbm4b:s7+s5], $0x2000, s6, s5, $0x38;
	[tilespmem:$0x18200] =	vst v63  }
0x13c: {  	_ =	swait.ge [sflag:s18], $0x2000  }
0x13d: {  	[sflag:s18] =	ssyncset.done $0x0  }
0x13e: {  	s2 =	sor.u32 $0xF, s2;
	[sflag:s18] =	ssyncadd.s32 $0xFFFFE000  }
0x13f: {  	v6 =	vor.u32 s2, v0;
	v5 =	vld.idx.msk [tilespmem:v5+s21+$0x0], $0xffff  }
0x140: {  	v7 =	vor.u32 s3, v1;
	_ =	sdelay $0x3  }
0x141: {  	[tilespmem:v6+s0+$0x0] =	vst.idx.msk $0xffff, v5  }
0x142: {  	v6 =	vor.u32 s2, v1;
	v5 =	vld.idx.msk [tilespmem:v7+s21+$0x0], $0xffff  }
0x143: {  	v7 =	vor.u32 s3, v2;
	_ =	sdelay $0x3  }
0x144: {  	[tilespmem:v6+s0+$0x0] =	vst.idx.msk $0xffff, v5  }
0x145: {  	v6 =	vor.u32 s2, v2;
	v5 =	vld.idx.msk [tilespmem:v7+s21+$0x0], $0xffff  }
0x146: {  	v7 =	vor.u32 s3, v3;
	_ =	sdelay $0x3  }
0x147: {  	s30 =	sadd.s32 $0x1, s30;
	[tilespmem:v6+s0+$0x0] =	vst.idx.msk $0xffff, v5  }
0x148: {  	p0 =	sne.s32 s30, $0x20;
	v6 =	vor.u32 s2, v3;
	v5 =	vld.idx.msk [tilespmem:v7+s21+$0x0], $0xffff  }
.Ltmp0:
0x149: {  	_ = 	snop;
	(pc) =	sbr.rel @p0 .LBB2_2-.Ltmp0, $2  }
0x14a: {  	_ =	sdelay $0x2  }
0x14b: {  	s29 =	sadd.s32 $0x400, s29;
	[tilespmem:v6+s0+$0x0] =	vst.idx.msk $0xffff, v5;
	s0 =	smov.u32 s31;
	v5 =	vmov v4  }
0x14c: {  	s0 =	simm.s32 $0x10200  }
0x14d: {  	[hbm4b:s4+s11] =	stream.strided.scatter [tilespmem:s0], [sflag:$0x2], $0x2000, s22, s11, $0x38;
	[tilespmem:$0x18200] =	vst v63  }
0x14e: {  	_ =	swait.ge [sflag:s10], $0x2000  }
0x14f: {  	[sflag:s10] =	ssyncset.done $0x0  }
0x150: {  	s2 =	simm.s32 $0x12200;
	s26 =	rddreg [dreg:$0x5];
	[sflag:s10] =	ssyncadd.s32 $0xFFFFE000  }
0x151: {  	[hbm4b:s26+s11] =	stream.strided.scatter [tilespmem:s2], [sflag:$0x2], $0x2000, s22, s11, $0x38;
	[tilespmem:$0x18200] =	vst v63  }
0x152: {  	_ =	swait.ge [sflag:s10], $0x2000  }
0x153: {  	[sflag:s10] =	ssyncset.done $0x0  }
0x154: {  	s30 =	simm.s32 $0x14200;
	s29 =	rddreg [dreg:$0x6];
	[sflag:s10] =	ssyncadd.s32 $0xFFFFE000  }
0x155: {  	[hbm4b:s29+s11] =	stream.strided.scatter [tilespmem:s30], [sflag:$0x2], $0x2000, s22, s11, $0x38;
	[tilespmem:$0x18200] =	vst v63  }
0x156: {  	s28 =	sadd.s32 $0x1, s28;
	_ =	swait.ge [sflag:s10], $0x2000  }
0x157: {  	p0 =	sne.s32 s28, s9;
	[sflag:s10] =	ssyncset.done $0x0  }
.Ltmp1:
0x158: {  	s31 =	simm.s32 $0x16200;
	[sflag:s10] =	ssyncadd.s32 $0xFFFFE000;
	(pc) =	sbr.rel @p0 .LBB2_1-.Ltmp1, $4  }
0x159: {  	[hbm4b:s8+s11] =	stream.strided.scatter [tilespmem:s31], [sflag:$0x2], $0x2000, s22, s11, $0x38;
	[tilespmem:$0x18200] =	vst v63  }
0x15a: {  	_ =	swait.ge [sflag:s10], $0x2000  }
0x15b: {  	[sflag:s10] =	ssyncset.done $0x0  }
0x15c: {  	[sflag:s10] =	ssyncadd.s32 $0xFFFFE000  }
0x15d: {  	_ =	sfence.sel $0x180000  }
0x15e: {  	[bflag:$0x0] =	sbarrier.arrive $0xFFFF  }
0x15f: {  	_ =	strace $0x90000047  }
0x160: {  	s0 =	stileid.u32;
	[bflag:$0x2] =	sbarrier.arrive $0xFFFF  }
0x161: {  	p0 =	sne.s32 s0, $0x0;
	s0 =	rddreg [dreg:$0x3]  }
0x162: {  	s0 =	sadd.s32 @!p0 $0x100000, s0  }
0x163: {  	[sflag:s0] =	ssyncadd.tile.s32 @!p0 $0x1;
	_ =	shalt  }
.Lfunc_end2:
_tile_overlayer_lowered:
.L_overlay_start_2:
0x164: {  	(tag) =	ssettag $0x2  }
0x165: {  	s0 =	rddreg [dreg:$0x0];
	s2 =	stileid.u32  }
0x166: {  	s1 =	rddreg [dreg:$0x1];
	p0 =	sne.s32 s2, $0x0  }
0x167: {  	s3 =	rddreg [dreg:$0x2];
	[bflag:$0x3] =	sbarrier.arrive $0xFFFF;
	s2 =	simm.s32 @!p0 $0x1C02  }
0x168: {  	[timem:s3], [sflag:s2] =	dma.local @!p0 [hbm:s0], s1  }
0x169: {  	s0 =	simm.s32 @!p0 $0x2  }
0x16a: {  	_ =	swait.ge @!p0 [sflag:s0], s1  }
0x16b: {  	s1 =	ssub.s32 @!p0 $0x0, s1;
	[sflag:s0] =	ssyncset.done @!p0 $0x0  }
0x16c: {  	[sflag:s0] =	ssyncadd.s32 @!p0 s1  }
0x16d: {  	[bflag:$0x3] =	sbarrier.arrive $0xFFFF  }
0x16e: {  	_ =	shalt  }

</sc_bundles>
